<compile_context>
chip_gen: v7x
topology: tpu7x:2x2x1
jax: 0.10.2.dev20260603
libtpu: 0.0.44.dev20260713+nightly
codegen_flags: <defaults>
</compile_context>

<pallas_src>
import functools

import jax
import jax.numpy as jnp
from jax import lax
from jax.experimental import pallas as pl
from jax.experimental.pallas import tpu as pltpu
from jax.experimental.pallas import tpu_sc as plsc

NC = 2
NS = 16
NW = NC * NS
L = 16

IDX_PER_CHUNK = 128
PAIRS_PER_CHUNK = IDX_PER_CHUNK // 2
CHUNKS_PER_BLK = 25
SEG = PAIRS_PER_CHUNK
BLK_IDX = CHUNKS_PER_BLK * IDX_PER_CHUNK
BLK_EXP = 4 * BLK_IDX


def _bf16r(x):
    b = plsc.bitcast(x, jnp.int32)
    lsb = lax.bitwise_and(lax.shift_right_logical(b, 16), 1)
    r = b + (lsb + 32767)
    r = lax.bitwise_and(r, jnp.int32(-65536))
    return plsc.bitcast(r, jnp.float32)


def _body(chunks_per_tile, tab, idx, par, out,
          tab_sh, par_v, idx_v, exp_v, rows_v, acc_v, gsem, isem):
    cid = lax.axis_index("c")
    sid = lax.axis_index("s")
    wid = sid * NC + cid

    @pl.when(sid == 0)
    def _():
        pltpu.sync_copy(tab, tab_sh)

    pltpu.sync_copy(par, par_v)
    plsc.subcore_barrier()

    plo = par_v[pl.ds(0, L)]
    phi = par_v[pl.ds(8, L)]
    pe = lambda i: plo[i] if i < L else phi[i - 8]
    bi = [pe(i) for i in range(9)]
    bx = [pe(9 + i) for i in range(9)]
    cut2 = pe(18)
    icut = pe(19)

    iota = lax.iota(jnp.int32, L)
    iota2 = iota * 2

    blocks = chunks_per_tile // CHUNKS_PER_BLK
    tile_idx0 = wid * chunks_per_tile * IDX_PER_CHUNK

    def idx_copy(b, buf, sync):
        src = idx.at[pl.ds(tile_idx0 + b * BLK_IDX, BLK_IDX)]
        dst = idx_v.at[pl.ds(buf * BLK_IDX, BLK_IDX)]
        if sync:
            pltpu.sync_copy(src, dst)
        else:
            pltpu.async_copy(src, dst, isem.at[buf])

    def idx_wait(buf):
        pltpu.make_async_copy(
            idx.at[pl.ds(0, BLK_IDX)],
            idx_v.at[pl.ds(buf * BLK_IDX, BLK_IDX)],
            isem.at[buf],
        ).wait()

    def build_exp(buf):
        ib = buf * BLK_IDX
        eb0 = buf * BLK_EXP

        def build(k, carry):
            for h in range(PAIRS_PER_CHUNK // L):
                off = ib + k * IDX_PER_CHUNK + 2 * L * h
                asrc = plsc.load_gather(idx_v, [iota2 + off])
                adst = plsc.load_gather(idx_v, [iota2 + (off + 1)])
                s4 = asrc * 4
                d4 = adst * 4
                eb = eb0 + k * (8 * SEG) + L * h
                exp_v[pl.ds(eb + 0 * SEG, L)] = s4
                exp_v[pl.ds(eb + 1 * SEG, L)] = d4
                exp_v[pl.ds(eb + 2 * SEG, L)] = s4 + 1
                exp_v[pl.ds(eb + 3 * SEG, L)] = d4 + 1
                exp_v[pl.ds(eb + 4 * SEG, L)] = s4 + 2
                exp_v[pl.ds(eb + 5 * SEG, L)] = d4 + 2
                exp_v[pl.ds(eb + 6 * SEG, L)] = s4 + 3
                exp_v[pl.ds(eb + 7 * SEG, L)] = d4 + 3
            return carry

        lax.fori_loop(0, CHUNKS_PER_BLK, build, 0)

    def gather_fire(buf):
        pltpu.async_copy(
            tab_sh.at[exp_v.at[pl.ds(buf * BLK_EXP, BLK_EXP)]],
            rows_v.at[pl.ds(buf * BLK_EXP, BLK_EXP)],
            gsem.at[buf],
        )

    def gather_wait(buf):
        pltpu.make_async_copy(
            tab_sh.at[exp_v.at[pl.ds(buf * BLK_EXP, BLK_EXP)]],
            rows_v.at[pl.ds(buf * BLK_EXP, BLK_EXP)],
            gsem.at[buf],
        ).wait()

    def compute(buf, acc):
        rb0 = buf * BLK_EXP

        def chunk(k, a):
            cb = rb0 + k * (8 * SEG)
            for g in range(PAIRS_PER_CHUNK // L):
                gb = L * g
                sx = rows_v[pl.ds(cb + 0 * SEG + gb, L)]
                dx = rows_v[pl.ds(cb + 1 * SEG + gb, L)]
                sy = rows_v[pl.ds(cb + 2 * SEG + gb, L)]
                dy = rows_v[pl.ds(cb + 3 * SEG + gb, L)]
                sz = rows_v[pl.ds(cb + 4 * SEG + gb, L)]
                dz = rows_v[pl.ds(cb + 5 * SEG + gb, L)]
                sq = rows_v[pl.ds(cb + 6 * SEG + gb, L)]
                dq = rows_v[pl.ds(cb + 7 * SEG + gb, L)]

                qx = _bf16r(sx - dx)
                qy = _bf16r(sy - dy)
                qz = _bf16r(sz - dz)
                dsx = qx * bi[0] + qy * bi[3] + qz * bi[6]
                dsy = qx * bi[1] + qy * bi[4] + qz * bi[7]
                dsz = qx * bi[2] + qy * bi[5] + qz * bi[8]
                tx = dsx + 0.5
                ty = dsy + 0.5
                tz = dsz + 0.5
                fx = tx.astype(jnp.int32).astype(jnp.float32)
                fy = ty.astype(jnp.int32).astype(jnp.float32)
                fz = tz.astype(jnp.int32).astype(jnp.float32)
                nx = jnp.where(fx > tx, fx - 1.0, fx)
                ny = jnp.where(fy > ty, fy - 1.0, fy)
                nz = jnp.where(fz > tz, fz - 1.0, fz)
                ux = _bf16r(dsx - nx)
                uy = _bf16r(dsy - ny)
                uz = _bf16r(dsz - nz)
                px = ux * bx[0] + uy * bx[3] + uz * bx[6]
                py = ux * bx[1] + uy * bx[4] + uz * bx[7]
                pz = ux * bx[2] + uy * bx[5] + uz * bx[8]
                r2 = px * px + py * py + pz * pz

                ibits = plsc.bitcast(r2, jnp.int32)
                ibits = 1597463007 - lax.shift_right_logical(ibits, 1)
                y = plsc.bitcast(ibits, jnp.float32)
                r2h = 0.5 * r2
                y = y * (1.5 - r2h * y * y)
                y = y * (1.5 - r2h * y * y)
                y = y * (1.5 - r2h * y * y)

                term = sq * dq * (y - icut)
                a = a + jnp.where(r2 <= cut2, term, 0.0)
            return a

        return lax.fori_loop(0, CHUNKS_PER_BLK, chunk, acc)

    idx_copy(0, 0, sync=True)
    build_exp(0)
    gather_fire(0)
    idx_copy(1, 1, sync=False)

    def block(b, acc):
        d = lax.rem(b, 2)
        nd = 1 - d

        @pl.when(b < blocks - 1)
        def _():
            idx_wait(nd)
            build_exp(nd)
            gather_fire(nd)

        @pl.when(b < blocks - 2)
        def _():
            idx_copy(b + 2, d, sync=False)

        gather_wait(d)
        return compute(d, acc)

    acc = lax.fori_loop(0, blocks, block, jnp.zeros((L,), jnp.float32))
    acc_v[...] = acc
    pltpu.sync_copy(acc_v, out.at[wid])


def kernel(coords, pairs, box, charges, prefac, cutoff):
    n_atoms = coords.shape[0]
    n_pairs = pairs.shape[0]
    assert (2 * n_pairs) % (NW * IDX_PER_CHUNK) == 0
    chunks_per_tile = 2 * n_pairs // (NW * IDX_PER_CHUNK)
    assert chunks_per_tile % CHUNKS_PER_BLK == 0

    tab = jnp.concatenate(
        [coords.astype(jnp.float32), charges.astype(jnp.float32)[:, None]], axis=1
    ).reshape(-1)
    idx = pairs.astype(jnp.int32).reshape(-1)
    def bf16r(x):
        b = lax.bitcast_convert_type(x, jnp.int32)
        lsb = lax.bitwise_and(lax.shift_right_logical(b, 16), 1)
        r = b + (lsb + 32767)
        r = lax.bitwise_and(r, jnp.int32(-65536))
        return lax.bitcast_convert_type(r, jnp.float32)

    boxinv = bf16r(jnp.linalg.inv(box.astype(jnp.float32)))
    boxq = bf16r(box.astype(jnp.float32))
    cutoff = cutoff.astype(jnp.float32)
    par = jnp.concatenate(
        [
            boxinv.reshape(-1),
            boxq.reshape(-1),
            jnp.stack([cutoff * cutoff, 1.0 / cutoff]),
            jnp.zeros((4,), jnp.float32),
        ]
    )

    mesh = plsc.VectorSubcoreMesh(
        core_axis_name="c", subcore_axis_name="s", num_cores=NC, num_subcores=NS
    )
    run = pl.kernel(
        functools.partial(_body, chunks_per_tile),
        out_type=jax.ShapeDtypeStruct((NW, L), jnp.float32),
        mesh=mesh,
        compiler_params=pltpu.CompilerParams(needs_layout_passes=False),
        scratch_types=[
            pltpu.VMEM_SHARED((4 * n_atoms,), jnp.float32),
            pltpu.VMEM((24,), jnp.float32),
            pltpu.VMEM((2 * BLK_IDX,), jnp.int32),
            pltpu.VMEM((2 * BLK_EXP,), jnp.int32),
            pltpu.VMEM((2 * BLK_EXP,), jnp.float32),
            pltpu.VMEM((L,), jnp.float32),
            pltpu.SemaphoreType.DMA((2,)),
            pltpu.SemaphoreType.DMA((2,)),
        ],
    )
    partials = run(tab, idx, par)
    return jnp.sum(partials) * prefac.astype(jnp.float32)

# --- scband reference (transcript-rebuilt; emitter-appended) ---
"""Pipeline reference for scband-coulomb-37022618091781 (READ-ONLY COPY).

The authoritative reference and input builder live on the scoring server;
editing this copy changes nothing except your own understanding.
"""

import jax, jax.numpy as jnp
import numpy as np

N = 100000
E = 6400000


def setup_inputs(seed: int = 0) -> dict:
    key = jax.random.key(seed)
    k1, k2, k3, k4, k5 = jax.random.split(key, 5)
    coords = jax.random.normal(k1, (N, 3), dtype=jnp.float32)
    # pairs: random endpoints, guaranteed i != j to avoid dr == 0 singularities
    src = jax.random.randint(k2, (E,), 0, N)
    off = jax.random.randint(k3, (E,), 1, N)
    dst = (src + off) % N
    pairs = jnp.stack([src, dst], axis=1)
    box = jax.random.normal(k4, (3, 3), dtype=jnp.float32)
    charges = jax.random.normal(k5, (N,), dtype=jnp.float32)
    prefac = jnp.ones((), dtype=jnp.float32)
    cutoff = jnp.ones((), dtype=jnp.float32)
    return {"coords": coords, "pairs": pairs, "box": box,
            "charges": charges, "prefac": prefac, "cutoff": cutoff}


def reference(coords, pairs, box, charges, prefac, cutoff):
    # do_shift=True (default in the torch module)
    drVecs = coords[pairs[:, 0]] - coords[pairs[:, 1]]
    boxInv = jnp.linalg.inv(box)
    dsVecs = jnp.matmul(drVecs, boxInv)
    dsVecsPBC = dsVecs - jnp.floor(dsVecs + 0.5)
    drVecsPBC = jnp.matmul(dsVecsPBC, box)
    dr = jnp.linalg.norm(drVecsPBC, axis=1)
    mask = (dr <= cutoff).astype(drVecsPBC.dtype)
    rinv = 1.0 / dr
    rinv = rinv - 1.0 / cutoff
    ene = charges[pairs[:, 0]] * charges[pairs[:, 1]] * rinv
    return jnp.sum(ene * mask) * prefac

if __name__ == "__main__":
    import jax
    _d = setup_inputs()
    print(jax.jit(kernel)(*tuple(_d.values())))

</pallas_src>

<mosaic_0001>
#map = affine_map<(d0, d1) -> (0)>
#map1 = affine_map<(d0, d1) -> (0, 0)>
module attributes {stable_mosaic.version = 14 : i64} {
  func.func @_body(%arg0: i32, %arg1: i32, %arg2: memref<400000xf32, #tpu.memory_space<hbm>>, %arg3: memref<12800000xi32, #tpu.memory_space<hbm>>, %arg4: memref<24xf32, #tpu.memory_space<hbm>>, %arg5: memref<32x16xf32, #tpu.memory_space<hbm>>, %arg6: memref<400000xf32, #tpu.memory_space<vmem_shared>>, %arg7: memref<24xf32, #tpu.memory_space<vmem>>, %arg8: memref<6400xi32, #tpu.memory_space<vmem>>, %arg9: memref<25600xi32, #tpu.memory_space<vmem>>, %arg10: memref<25600xf32, #tpu.memory_space<vmem>>, %arg11: memref<16xf32, #tpu.memory_space<vmem>>, %arg12: memref<2x!tpu.dma_semaphore, #tpu.memory_space<semaphore_mem>>, %arg13: memref<2x!tpu.dma_semaphore, #tpu.memory_space<semaphore_mem>>) attributes {dimension_semantics = [#tpu.dimension_semantics<core_parallel>, #tpu.dimension_semantics<subcore_parallel>], iteration_bounds = array<i64: 2, 16>, scalar_prefetch = 0 : i64, scratch_operands = 8 : i64, tpu.core_type = #tpu.core_type<sc_vector_subcore>, window_params = [{transform_indices = #map}, {transform_indices = #map}, {transform_indices = #map}, {transform_indices = #map1}]} {
    %mul3A = arith.constant 2 : i32
    %mul3A_0 = arith.muli %arg1, %mul3A : i32
    %add3A = arith.addi %mul3A_0, %arg0 : i32
    %eq3A = arith.constant 0 : i32
    %eq3A_1 = arith.cmpi eq, %arg1, %eq3A : i32
    %convert_element_type3A = arith.extui %eq3A_1 : i1 to i32
    %cond3A = arith.constant 0 : i32
    %cond3A_2 = arith.cmpi ne, %convert_element_type3A, %cond3A : i32
    scf.if %cond3A_2 {
      "tpu.region"() ({
        %run_scoped3A = tpu.sem_alloc : memref<!tpu.dma_semaphore, #tpu.memory_space<semaphore_mem>>
        tpu.enqueue_dma source(%arg2 : memref<400000xf32, #tpu.memory_space<hbm>>) target(%arg6 : memref<400000xf32, #tpu.memory_space<vmem_shared>>) target_semaphore(%run_scoped3A : memref<!tpu.dma_semaphore, #tpu.memory_space<semaphore_mem>>)
        tpu.wait_dma2 semaphore(%run_scoped3A : memref<!tpu.dma_semaphore, #tpu.memory_space<semaphore_mem>>) src(%arg2 : memref<400000xf32, #tpu.memory_space<hbm>>) dst(%arg6 : memref<400000xf32, #tpu.memory_space<vmem_shared>>)
        tpu.yield
      }) : () -> ()
    } else {
    }
    "tpu.region"() ({
      %run_scoped3A = tpu.sem_alloc : memref<!tpu.dma_semaphore, #tpu.memory_space<semaphore_mem>>
      tpu.enqueue_dma source(%arg4 : memref<24xf32, #tpu.memory_space<hbm>>) target(%arg7 : memref<24xf32, #tpu.memory_space<vmem>>) target_semaphore(%run_scoped3A : memref<!tpu.dma_semaphore, #tpu.memory_space<semaphore_mem>>)
      tpu.wait_dma2 semaphore(%run_scoped3A : memref<!tpu.dma_semaphore, #tpu.memory_space<semaphore_mem>>) src(%arg4 : memref<24xf32, #tpu.memory_space<hbm>>) dst(%arg7 : memref<24xf32, #tpu.memory_space<vmem>>)
      tpu.yield
    }) : () -> ()
    %barrier3A = arith.constant 0 : index
    tpu.barrier barrier_id(%barrier3A)
    %get3A = arith.constant 0 : index
    %get3A_3 = tpu.vector_load %arg7[%get3A] {strides = array<i32>} : memref<24xf32, #tpu.memory_space<vmem>>, vector<16xf32>,
    %get3A_4 = arith.constant 8 : index
    %get3A_5 = tpu.vector_load %arg7[%get3A_4] {strides = array<i32>} : memref<24xf32, #tpu.memory_space<vmem>>, vector<16xf32>,
    %slice3A = vector.extract_strided_slice %get3A_3 {offsets = [0], sizes = [1], strides = [1]} : vector<16xf32> to vector<1xf32>
    %squeeze3A = vector.extract %slice3A[0] : f32 from vector<1xf32>
    %slice3A_6 = vector.extract_strided_slice %get3A_3 {offsets = [1], sizes = [1], strides = [1]} : vector<16xf32> to vector<1xf32>
    %squeeze3A_7 = vector.extract %slice3A_6[0] : f32 from vector<1xf32>
    %slice3A_8 = vector.extract_strided_slice %get3A_3 {offsets = [2], sizes = [1], strides = [1]} : vector<16xf32> to vector<1xf32>
    %squeeze3A_9 = vector.extract %slice3A_8[0] : f32 from vector<1xf32>
    %slice3A_10 = vector.extract_strided_slice %get3A_3 {offsets = [3], sizes = [1], strides = [1]} : vector<16xf32> to vector<1xf32>
    %squeeze3A_11 = vector.extract %slice3A_10[0] : f32 from vector<1xf32>
    %slice3A_12 = vector.extract_strided_slice %get3A_3 {offsets = [4], sizes = [1], strides = [1]} : vector<16xf32> to vector<1xf32>
    %squeeze3A_13 = vector.extract %slice3A_12[0] : f32 from vector<1xf32>
    %slice3A_14 = vector.extract_strided_slice %get3A_3 {offsets = [5], sizes = [1], strides = [1]} : vector<16xf32> to vector<1xf32>
    %squeeze3A_15 = vector.extract %slice3A_14[0] : f32 from vector<1xf32>
    %slice3A_16 = vector.extract_strided_slice %get3A_3 {offsets = [6], sizes = [1], strides = [1]} : vector<16xf32> to vector<1xf32>
    %squeeze3A_17 = vector.extract %slice3A_16[0] : f32 from vector<1xf32>
    %slice3A_18 = vector.extract_strided_slice %get3A_3 {offsets = [7], sizes = [1], strides = [1]} : vector<16xf32> to vector<1xf32>
    %squeeze3A_19 = vector.extract %slice3A_18[0] : f32 from vector<1xf32>
    %slice3A_20 = vector.extract_strided_slice %get3A_3 {offsets = [8], sizes = [1], strides = [1]} : vector<16xf32> to vector<1xf32>
    %squeeze3A_21 = vector.extract %slice3A_20[0] : f32 from vector<1xf32>
    %slice3A_22 = vector.extract_strided_slice %get3A_3 {offsets = [9], sizes = [1], strides = [1]} : vector<16xf32> to vector<1xf32>
    %squeeze3A_23 = vector.extract %slice3A_22[0] : f32 from vector<1xf32>
    %slice3A_24 = vector.extract_strided_slice %get3A_3 {offsets = [10], sizes = [1], strides = [1]} : vector<16xf32> to vector<1xf32>
    %squeeze3A_25 = vector.extract %slice3A_24[0] : f32 from vector<1xf32>
    %slice3A_26 = vector.extract_strided_slice %get3A_3 {offsets = [11], sizes = [1], strides = [1]} : vector<16xf32> to vector<1xf32>
    %squeeze3A_27 = vector.extract %slice3A_26[0] : f32 from vector<1xf32>
    %slice3A_28 = vector.extract_strided_slice %get3A_3 {offsets = [12], sizes = [1], strides = [1]} : vector<16xf32> to vector<1xf32>
    %squeeze3A_29 = vector.extract %slice3A_28[0] : f32 from vector<1xf32>
    %slice3A_30 = vector.extract_strided_slice %get3A_3 {offsets = [13], sizes = [1], strides = [1]} : vector<16xf32> to vector<1xf32>
    %squeeze3A_31 = vector.extract %slice3A_30[0] : f32 from vector<1xf32>
    %slice3A_32 = vector.extract_strided_slice %get3A_3 {offsets = [14], sizes = [1], strides = [1]} : vector<16xf32> to vector<1xf32>
    %squeeze3A_33 = vector.extract %slice3A_32[0] : f32 from vector<1xf32>
    %slice3A_34 = vector.extract_strided_slice %get3A_3 {offsets = [15], sizes = [1], strides = [1]} : vector<16xf32> to vector<1xf32>
    %squeeze3A_35 = vector.extract %slice3A_34[0] : f32 from vector<1xf32>
    %slice3A_36 = vector.extract_strided_slice %get3A_5 {offsets = [8], sizes = [1], strides = [1]} : vector<16xf32> to vector<1xf32>
    %squeeze3A_37 = vector.extract %slice3A_36[0] : f32 from vector<1xf32>
    %slice3A_38 = vector.extract_strided_slice %get3A_5 {offsets = [9], sizes = [1], strides = [1]} : vector<16xf32> to vector<1xf32>
    %squeeze3A_39 = vector.extract %slice3A_38[0] : f32 from vector<1xf32>
    %slice3A_40 = vector.extract_strided_slice %get3A_5 {offsets = [10], sizes = [1], strides = [1]} : vector<16xf32> to vector<1xf32>
    %squeeze3A_41 = vector.extract %slice3A_40[0] : f32 from vector<1xf32>
    %slice3A_42 = vector.extract_strided_slice %get3A_5 {offsets = [11], sizes = [1], strides = [1]} : vector<16xf32> to vector<1xf32>
    %squeeze3A_43 = vector.extract %slice3A_42[0] : f32 from vector<1xf32>
    %iota3A = tpu.iota {dimensions = array<i32: 0>} : vector<16xi32>
    %mul3A_44 = arith.constant 2 : i32
    %mul3A_45 = vector.broadcast %mul3A_44 : i32 to vector<16xi32>
    %mul3A_46 = arith.muli %iota3A, %mul3A_45 : vector<16xi32>
    %mul3A_47 = arith.constant 3125 : i32
    %mul3A_48 = arith.muli %add3A, %mul3A_47 : i32
    %mul3A_49 = arith.constant 128 : i32
    %mul3A_50 = arith.muli %mul3A_48, %mul3A_49 : i32
    %add3A_51 = arith.constant 0 : i32
    %add3A_52 = arith.addi %mul3A_50, %add3A_51 : i32
    "tpu.region"() ({
      %run_scoped3A = tpu.sem_alloc : memref<!tpu.dma_semaphore, #tpu.memory_space<semaphore_mem>>
      %dma_start3A_85 = arith.constant 0 : i32
      %dma_start3A_86 = tpu.memref_slice %arg8[%dma_start3A_85] : memref<6400xi32, #tpu.memory_space<vmem>> -> memref<3200xi32, #tpu.memory_space<vmem>>
      %dma_start3A_87 = tpu.memref_slice %arg3[%add3A_52] : memref<12800000xi32, #tpu.memory_space<hbm>> -> memref<3200xi32, #tpu.memory_space<hbm>>
      %dma_start3A_88 = arith.constant 0 : i32
      %dma_start3A_89 = tpu.memref_slice %arg8[%dma_start3A_88] : memref<6400xi32, #tpu.memory_space<vmem>> -> memref<3200xi32, #tpu.memory_space<vmem>>
      %dma_start3A_90 = tpu.memref_slice %arg3[%add3A_52] : memref<12800000xi32, #tpu.memory_space<hbm>> -> memref<3200xi32, #tpu.memory_space<hbm>>
      tpu.enqueue_dma source(%dma_start3A_90 : memref<3200xi32, #tpu.memory_space<hbm>>) target(%dma_start3A_89 : memref<3200xi32, #tpu.memory_space<vmem>>) target_semaphore(%run_scoped3A : memref<!tpu.dma_semaphore, #tpu.memory_space<semaphore_mem>>)
      %dma_wait3A = arith.constant 0 : i32
      %dma_wait3A_91 = tpu.memref_slice %arg8[%dma_wait3A] : memref<6400xi32, #tpu.memory_space<vmem>> -> memref<3200xi32, #tpu.memory_space<vmem>>
      %dma_wait3A_92 = tpu.memref_slice %arg3[%add3A_52] : memref<12800000xi32, #tpu.memory_space<hbm>> -> memref<3200xi32, #tpu.memory_space<hbm>>
      %dma_wait3A_93 = arith.constant 0 : i32
      %dma_wait3A_94 = tpu.memref_slice %arg8[%dma_wait3A_93] : memref<6400xi32, #tpu.memory_space<vmem>> -> memref<3200xi32, #tpu.memory_space<vmem>>
      %dma_wait3A_95 = tpu.memref_slice %arg3[%add3A_52] : memref<12800000xi32, #tpu.memory_space<hbm>> -> memref<3200xi32, #tpu.memory_space<hbm>>
      tpu.wait_dma2 semaphore(%run_scoped3A : memref<!tpu.dma_semaphore, #tpu.memory_space<semaphore_mem>>) src(%dma_wait3A_95 : memref<3200xi32, #tpu.memory_space<hbm>>) dst(%dma_wait3A_94 : memref<3200xi32, #tpu.memory_space<vmem>>)
      tpu.yield
    }) : () -> ()
    %scan3A = arith.constant 0 : i32
    %scan3A_53 = arith.constant 0 : i32
    %scan3A_54 = arith.constant 25 : i32
    %scan3A_55 = arith.addi %scan3A_53, %scan3A_54 : i32
    %scan3A_56 = arith.constant 1 : i32
    scf.for %scan3A_85 = %scan3A_53 to %scan3A_55 step %scan3A_56  : i32 {
      %mul3A_86 = arith.constant 128 : i32
      %mul3A_87 = arith.muli %scan3A_85, %mul3A_86 : i32
      %add3A_88 = arith.constant 0 : i32
      %add3A_89 = arith.addi %add3A_88, %mul3A_87 : i32
      %add3A_90 = arith.constant 0 : i32
      %add3A_91 = arith.addi %add3A_89, %add3A_90 : i32
      %add3A_92 = vector.broadcast %add3A_91 : i32 to vector<16xi32>
      %add3A_93 = arith.addi %mul3A_46, %add3A_92 : vector<16xi32>
      %gather3A = tpu.vector_load_idx %arg8[%add3A_93] : memref<6400xi32, #tpu.memory_space<vmem>>[vector<16xi32>], vector<16xi32>,
      %add3A_94 = arith.constant 1 : i32
      %add3A_95 = arith.addi %add3A_91, %add3A_94 : i32
      %add3A_96 = vector.broadcast %add3A_95 : i32 to vector<16xi32>
      %add3A_97 = arith.addi %mul3A_46, %add3A_96 : vector<16xi32>
      %gather3A_98 = tpu.vector_load_idx %arg8[%add3A_97] : memref<6400xi32, #tpu.memory_space<vmem>>[vector<16xi32>], vector<16xi32>,
      %mul3A_99 = arith.constant 4 : i32
      %mul3A_100 = vector.broadcast %mul3A_99 : i32 to vector<16xi32>
      %mul3A_101 = arith.muli %gather3A, %mul3A_100 : vector<16xi32>
      %mul3A_102 = arith.constant 4 : i32
      %mul3A_103 = vector.broadcast %mul3A_102 : i32 to vector<16xi32>
      %mul3A_104 = arith.muli %gather3A_98, %mul3A_103 : vector<16xi32>
      %mul3A_105 = arith.constant 512 : i32
      %mul3A_106 = arith.muli %scan3A_85, %mul3A_105 : i32
      %add3A_107 = arith.constant 0 : i32
      %add3A_108 = arith.addi %add3A_107, %mul3A_106 : i32
      %add3A_109 = arith.constant 0 : i32
      %add3A_110 = arith.addi %add3A_108, %add3A_109 : i32
      %add3A_111 = arith.constant 0 : i32
      %add3A_112 = arith.addi %add3A_110, %add3A_111 : i32
      %swap3A_113 = arith.index_cast %add3A_112 : i32 to index
      %swap3A_114 = tpu.vector_load %arg9[%swap3A_113] {strides = array<i32>} : memref<25600xi32, #tpu.memory_space<vmem>>, vector<16xi32>,
      tpu.vector_store %arg9[%swap3A_113], %mul3A_101 {strides = array<i32>} : memref<25600xi32, #tpu.memory_space<vmem>>, vector<16xi32>,
      %add3A_115 = arith.constant 64 : i32
      %add3A_116 = arith.addi %add3A_110, %add3A_115 : i32
      %swap3A_117 = arith.index_cast %add3A_116 : i32 to index
      %swap3A_118 = tpu.vector_load %arg9[%swap3A_117] {strides = array<i32>} : memref<25600xi32, #tpu.memory_space<vmem>>, vector<16xi32>,
      tpu.vector_store %arg9[%swap3A_117], %mul3A_104 {strides = array<i32>} : memref<25600xi32, #tpu.memory_space<vmem>>, vector<16xi32>,
      %add3A_119 = arith.constant 1 : i32
      %add3A_120 = vector.broadcast %add3A_119 : i32 to vector<16xi32>
      %add3A_121 = arith.addi %mul3A_101, %add3A_120 : vector<16xi32>
      %add3A_122 = arith.constant 128 : i32
      %add3A_123 = arith.addi %add3A_110, %add3A_122 : i32
      %swap3A_124 = arith.index_cast %add3A_123 : i32 to index
      %swap3A_125 = tpu.vector_load %arg9[%swap3A_124] {strides = array<i32>} : memref<25600xi32, #tpu.memory_space<vmem>>, vector<16xi32>,
      tpu.vector_store %arg9[%swap3A_124], %add3A_121 {strides = array<i32>} : memref<25600xi32, #tpu.memory_space<vmem>>, vector<16xi32>,
      %add3A_126 = arith.constant 1 : i32
      %add3A_127 = vector.broadcast %add3A_126 : i32 to vector<16xi32>
      %add3A_128 = arith.addi %mul3A_104, %add3A_127 : vector<16xi32>
      %add3A_129 = arith.constant 192 : i32
      %add3A_130 = arith.addi %add3A_110, %add3A_129 : i32
      %swap3A_131 = arith.index_cast %add3A_130 : i32 to index
      %swap3A_132 = tpu.vector_load %arg9[%swap3A_131] {strides = array<i32>} : memref<25600xi32, #tpu.memory_space<vmem>>, vector<16xi32>,
      tpu.vector_store %arg9[%swap3A_131], %add3A_128 {strides = array<i32>} : memref<25600xi32, #tpu.memory_space<vmem>>, vector<16xi32>,
      %add3A_133 = arith.constant 2 : i32
      %add3A_134 = vector.broadcast %add3A_133 : i32 to vector<16xi32>
      %add3A_135 = arith.addi %mul3A_101, %add3A_134 : vector<16xi32>
      %add3A_136 = arith.constant 256 : i32
      %add3A_137 = arith.addi %add3A_110, %add3A_136 : i32
      %swap3A_138 = arith.index_cast %add3A_137 : i32 to index
      %swap3A_139 = tpu.vector_load %arg9[%swap3A_138] {strides = array<i32>} : memref<25600xi32, #tpu.memory_space<vmem>>, vector<16xi32>,
      tpu.vector_store %arg9[%swap3A_138], %add3A_135 {strides = array<i32>} : memref<25600xi32, #tpu.memory_space<vmem>>, vector<16xi32>,
      %add3A_140 = arith.constant 2 : i32
      %add3A_141 = vector.broadcast %add3A_140 : i32 to vector<16xi32>
      %add3A_142 = arith.addi %mul3A_104, %add3A_141 : vector<16xi32>
      %add3A_143 = arith.constant 320 : i32
      %add3A_144 = arith.addi %add3A_110, %add3A_143 : i32
      %swap3A_145 = arith.index_cast %add3A_144 : i32 to index
      %swap3A_146 = tpu.vector_load %arg9[%swap3A_145] {strides = array<i32>} : memref<25600xi32, #tpu.memory_space<vmem>>, vector<16xi32>,
      tpu.vector_store %arg9[%swap3A_145], %add3A_142 {strides = array<i32>} : memref<25600xi32, #tpu.memory_space<vmem>>, vector<16xi32>,
      %add3A_147 = arith.constant 3 : i32
      %add3A_148 = vector.broadcast %add3A_147 : i32 to vector<16xi32>
      %add3A_149 = arith.addi %mul3A_101, %add3A_148 : vector<16xi32>
      %add3A_150 = arith.constant 384 : i32
      %add3A_151 = arith.addi %add3A_110, %add3A_150 : i32
      %swap3A_152 = arith.index_cast %add3A_151 : i32 to index
      %swap3A_153 = tpu.vector_load %arg9[%swap3A_152] {strides = array<i32>} : memref<25600xi32, #tpu.memory_space<vmem>>, vector<16xi32>,
      tpu.vector_store %arg9[%swap3A_152], %add3A_149 {strides = array<i32>} : memref<25600xi32, #tpu.memory_space<vmem>>, vector<16xi32>,
      %add3A_154 = arith.constant 3 : i32
      %add3A_155 = vector.broadcast %add3A_154 : i32 to vector<16xi32>
      %add3A_156 = arith.addi %mul3A_104, %add3A_155 : vector<16xi32>
      %add3A_157 = arith.constant 448 : i32
      %add3A_158 = arith.addi %add3A_110, %add3A_157 : i32
      %swap3A_159 = arith.index_cast %add3A_158 : i32 to index
      %swap3A_160 = tpu.vector_load %arg9[%swap3A_159] {strides = array<i32>} : memref<25600xi32, #tpu.memory_space<vmem>>, vector<16xi32>,
      tpu.vector_store %arg9[%swap3A_159], %add3A_156 {strides = array<i32>} : memref<25600xi32, #tpu.memory_space<vmem>>, vector<16xi32>,
      %mul3A_161 = arith.constant 128 : i32
      %mul3A_162 = arith.muli %scan3A_85, %mul3A_161 : i32
      %add3A_163 = arith.constant 0 : i32
      %add3A_164 = arith.addi %add3A_163, %mul3A_162 : i32
      %add3A_165 = arith.constant 32 : i32
      %add3A_166 = arith.addi %add3A_164, %add3A_165 : i32
      %add3A_167 = vector.broadcast %add3A_166 : i32 to vector<16xi32>
      %add3A_168 = arith.addi %mul3A_46, %add3A_167 : vector<16xi32>
      %gather3A_169 = tpu.vector_load_idx %arg8[%add3A_168] : memref<6400xi32, #tpu.memory_space<vmem>>[vector<16xi32>], vector<16xi32>,
      %add3A_170 = arith.constant 1 : i32
      %add3A_171 = arith.addi %add3A_166, %add3A_170 : i32
      %add3A_172 = vector.broadcast %add3A_171 : i32 to vector<16xi32>
      %add3A_173 = arith.addi %mul3A_46, %add3A_172 : vector<16xi32>
      %gather3A_174 = tpu.vector_load_idx %arg8[%add3A_173] : memref<6400xi32, #tpu.memory_space<vmem>>[vector<16xi32>], vector<16xi32>,
      %mul3A_175 = arith.constant 4 : i32
      %mul3A_176 = vector.broadcast %mul3A_175 : i32 to vector<16xi32>
      %mul3A_177 = arith.muli %gather3A_169, %mul3A_176 : vector<16xi32>
      %mul3A_178 = arith.constant 4 : i32
      %mul3A_179 = vector.broadcast %mul3A_178 : i32 to vector<16xi32>
      %mul3A_180 = arith.muli %gather3A_174, %mul3A_179 : vector<16xi32>
      %mul3A_181 = arith.constant 512 : i32
      %mul3A_182 = arith.muli %scan3A_85, %mul3A_181 : i32
      %add3A_183 = arith.constant 0 : i32
      %add3A_184 = arith.addi %add3A_183, %mul3A_182 : i32
      %add3A_185 = arith.constant 16 : i32
      %add3A_186 = arith.addi %add3A_184, %add3A_185 : i32
      %add3A_187 = arith.constant 0 : i32
      %add3A_188 = arith.addi %add3A_186, %add3A_187 : i32
      %swap3A_189 = arith.index_cast %add3A_188 : i32 to index
      %swap3A_190 = tpu.vector_load %arg9[%swap3A_189] {strides = array<i32>} : memref<25600xi32, #tpu.memory_space<vmem>>, vector<16xi32>,
      tpu.vector_store %arg9[%swap3A_189], %mul3A_177 {strides = array<i32>} : memref<25600xi32, #tpu.memory_space<vmem>>, vector<16xi32>,
      %add3A_191 = arith.constant 64 : i32
      %add3A_192 = arith.addi %add3A_186, %add3A_191 : i32
      %swap3A_193 = arith.index_cast %add3A_192 : i32 to index
      %swap3A_194 = tpu.vector_load %arg9[%swap3A_193] {strides = array<i32>} : memref<25600xi32, #tpu.memory_space<vmem>>, vector<16xi32>,
      tpu.vector_store %arg9[%swap3A_193], %mul3A_180 {strides = array<i32>} : memref<25600xi32, #tpu.memory_space<vmem>>, vector<16xi32>,
      %add3A_195 = arith.constant 1 : i32
      %add3A_196 = vector.broadcast %add3A_195 : i32 to vector<16xi32>
      %add3A_197 = arith.addi %mul3A_177, %add3A_196 : vector<16xi32>
      %add3A_198 = arith.constant 128 : i32
      %add3A_199 = arith.addi %add3A_186, %add3A_198 : i32
      %swap3A_200 = arith.index_cast %add3A_199 : i32 to index
      %swap3A_201 = tpu.vector_load %arg9[%swap3A_200] {strides = array<i32>} : memref<25600xi32, #tpu.memory_space<vmem>>, vector<16xi32>,
      tpu.vector_store %arg9[%swap3A_200], %add3A_197 {strides = array<i32>} : memref<25600xi32, #tpu.memory_space<vmem>>, vector<16xi32>,
      %add3A_202 = arith.constant 1 : i32
      %add3A_203 = vector.broadcast %add3A_202 : i32 to vector<16xi32>
      %add3A_204 = arith.addi %mul3A_180, %add3A_203 : vector<16xi32>
      %add3A_205 = arith.constant 192 : i32
      %add3A_206 = arith.addi %add3A_186, %add3A_205 : i32
      %swap3A_207 = arith.index_cast %add3A_206 : i32 to index
      %swap3A_208 = tpu.vector_load %arg9[%swap3A_207] {strides = array<i32>} : memref<25600xi32, #tpu.memory_space<vmem>>, vector<16xi32>,
      tpu.vector_store %arg9[%swap3A_207], %add3A_204 {strides = array<i32>} : memref<25600xi32, #tpu.memory_space<vmem>>, vector<16xi32>,
      %add3A_209 = arith.constant 2 : i32
      %add3A_210 = vector.broadcast %add3A_209 : i32 to vector<16xi32>
      %add3A_211 = arith.addi %mul3A_177, %add3A_210 : vector<16xi32>
      %add3A_212 = arith.constant 256 : i32
      %add3A_213 = arith.addi %add3A_186, %add3A_212 : i32
      %swap3A_214 = arith.index_cast %add3A_213 : i32 to index
      %swap3A_215 = tpu.vector_load %arg9[%swap3A_214] {strides = array<i32>} : memref<25600xi32, #tpu.memory_space<vmem>>, vector<16xi32>,
      tpu.vector_store %arg9[%swap3A_214], %add3A_211 {strides = array<i32>} : memref<25600xi32, #tpu.memory_space<vmem>>, vector<16xi32>,
      %add3A_216 = arith.constant 2 : i32
      %add3A_217 = vector.broadcast %add3A_216 : i32 to vector<16xi32>
      %add3A_218 = arith.addi %mul3A_180, %add3A_217 : vector<16xi32>
      %add3A_219 = arith.constant 320 : i32
      %add3A_220 = arith.addi %add3A_186, %add3A_219 : i32
      %swap3A_221 = arith.index_cast %add3A_220 : i32 to index
      %swap3A_222 = tpu.vector_load %arg9[%swap3A_221] {strides = array<i32>} : memref<25600xi32, #tpu.memory_space<vmem>>, vector<16xi32>,
      tpu.vector_store %arg9[%swap3A_221], %add3A_218 {strides = array<i32>} : memref<25600xi32, #tpu.memory_space<vmem>>, vector<16xi32>,
      %add3A_223 = arith.constant 3 : i32
      %add3A_224 = vector.broadcast %add3A_223 : i32 to vector<16xi32>
      %add3A_225 = arith.addi %mul3A_177, %add3A_224 : vector<16xi32>
      %add3A_226 = arith.constant 384 : i32
      %add3A_227 = arith.addi %add3A_186, %add3A_226 : i32
      %swap3A_228 = arith.index_cast %add3A_227 : i32 to index
      %swap3A_229 = tpu.vector_load %arg9[%swap3A_228] {strides = array<i32>} : memref<25600xi32, #tpu.memory_space<vmem>>, vector<16xi32>,
      tpu.vector_store %arg9[%swap3A_228], %add3A_225 {strides = array<i32>} : memref<25600xi32, #tpu.memory_space<vmem>>, vector<16xi32>,
      %add3A_230 = arith.constant 3 : i32
      %add3A_231 = vector.broadcast %add3A_230 : i32 to vector<16xi32>
      %add3A_232 = arith.addi %mul3A_180, %add3A_231 : vector<16xi32>
      %add3A_233 = arith.constant 448 : i32
      %add3A_234 = arith.addi %add3A_186, %add3A_233 : i32
      %swap3A_235 = arith.index_cast %add3A_234 : i32 to index
      %swap3A_236 = tpu.vector_load %arg9[%swap3A_235] {strides = array<i32>} : memref<25600xi32, #tpu.memory_space<vmem>>, vector<16xi32>,
      tpu.vector_store %arg9[%swap3A_235], %add3A_232 {strides = array<i32>} : memref<25600xi32, #tpu.memory_space<vmem>>, vector<16xi32>,
      %mul3A_237 = arith.constant 128 : i32
      %mul3A_238 = arith.muli %scan3A_85, %mul3A_237 : i32
      %add3A_239 = arith.constant 0 : i32
      %add3A_240 = arith.addi %add3A_239, %mul3A_238 : i32
      %add3A_241 = arith.constant 64 : i32
      %add3A_242 = arith.addi %add3A_240, %add3A_241 : i32
      %add3A_243 = vector.broadcast %add3A_242 : i32 to vector<16xi32>
      %add3A_244 = arith.addi %mul3A_46, %add3A_243 : vector<16xi32>
      %gather3A_245 = tpu.vector_load_idx %arg8[%add3A_244] : memref<6400xi32, #tpu.memory_space<vmem>>[vector<16xi32>], vector<16xi32>,
      %add3A_246 = arith.constant 1 : i32
      %add3A_247 = arith.addi %add3A_242, %add3A_246 : i32
      %add3A_248 = vector.broadcast %add3A_247 : i32 to vector<16xi32>
      %add3A_249 = arith.addi %mul3A_46, %add3A_248 : vector<16xi32>
      %gather3A_250 = tpu.vector_load_idx %arg8[%add3A_249] : memref<6400xi32, #tpu.memory_space<vmem>>[vector<16xi32>], vector<16xi32>,
      %mul3A_251 = arith.constant 4 : i32
      %mul3A_252 = vector.broadcast %mul3A_251 : i32 to vector<16xi32>
      %mul3A_253 = arith.muli %gather3A_245, %mul3A_252 : vector<16xi32>
      %mul3A_254 = arith.constant 4 : i32
      %mul3A_255 = vector.broadcast %mul3A_254 : i32 to vector<16xi32>
      %mul3A_256 = arith.muli %gather3A_250, %mul3A_255 : vector<16xi32>
      %mul3A_257 = arith.constant 512 : i32
      %mul3A_258 = arith.muli %scan3A_85, %mul3A_257 : i32
      %add3A_259 = arith.constant 0 : i32
      %add3A_260 = arith.addi %add3A_259, %mul3A_258 : i32
      %add3A_261 = arith.constant 32 : i32
      %add3A_262 = arith.addi %add3A_260, %add3A_261 : i32
      %add3A_263 = arith.constant 0 : i32
      %add3A_264 = arith.addi %add3A_262, %add3A_263 : i32
      %swap3A_265 = arith.index_cast %add3A_264 : i32 to index
      %swap3A_266 = tpu.vector_load %arg9[%swap3A_265] {strides = array<i32>} : memref<25600xi32, #tpu.memory_space<vmem>>, vector<16xi32>,
      tpu.vector_store %arg9[%swap3A_265], %mul3A_253 {strides = array<i32>} : memref<25600xi32, #tpu.memory_space<vmem>>, vector<16xi32>,
      %add3A_267 = arith.constant 64 : i32
      %add3A_268 = arith.addi %add3A_262, %add3A_267 : i32
      %swap3A_269 = arith.index_cast %add3A_268 : i32 to index
      %swap3A_270 = tpu.vector_load %arg9[%swap3A_269] {strides = array<i32>} : memref<25600xi32, #tpu.memory_space<vmem>>, vector<16xi32>,
      tpu.vector_store %arg9[%swap3A_269], %mul3A_256 {strides = array<i32>} : memref<25600xi32, #tpu.memory_space<vmem>>, vector<16xi32>,
      %add3A_271 = arith.constant 1 : i32
      %add3A_272 = vector.broadcast %add3A_271 : i32 to vector<16xi32>
      %add3A_273 = arith.addi %mul3A_253, %add3A_272 : vector<16xi32>
      %add3A_274 = arith.constant 128 : i32
      %add3A_275 = arith.addi %add3A_262, %add3A_274 : i32
      %swap3A_276 = arith.index_cast %add3A_275 : i32 to index
      %swap3A_277 = tpu.vector_load %arg9[%swap3A_276] {strides = array<i32>} : memref<25600xi32, #tpu.memory_space<vmem>>, vector<16xi32>,
      tpu.vector_store %arg9[%swap3A_276], %add3A_273 {strides = array<i32>} : memref<25600xi32, #tpu.memory_space<vmem>>, vector<16xi32>,
      %add3A_278 = arith.constant 1 : i32
      %add3A_279 = vector.broadcast %add3A_278 : i32 to vector<16xi32>
      %add3A_280 = arith.addi %mul3A_256, %add3A_279 : vector<16xi32>
      %add3A_281 = arith.constant 192 : i32
      %add3A_282 = arith.addi %add3A_262, %add3A_281 : i32
      %swap3A_283 = arith.index_cast %add3A_282 : i32 to index
      %swap3A_284 = tpu.vector_load %arg9[%swap3A_283] {strides = array<i32>} : memref<25600xi32, #tpu.memory_space<vmem>>, vector<16xi32>,
      tpu.vector_store %arg9[%swap3A_283], %add3A_280 {strides = array<i32>} : memref<25600xi32, #tpu.memory_space<vmem>>, vector<16xi32>,
      %add3A_285 = arith.constant 2 : i32
      %add3A_286 = vector.broadcast %add3A_285 : i32 to vector<16xi32>
      %add3A_287 = arith.addi %mul3A_253, %add3A_286 : vector<16xi32>
      %add3A_288 = arith.constant 256 : i32
      %add3A_289 = arith.addi %add3A_262, %add3A_288 : i32
      %swap3A_290 = arith.index_cast %add3A_289 : i32 to index
      %swap3A_291 = tpu.vector_load %arg9[%swap3A_290] {strides = array<i32>} : memref<25600xi32, #tpu.memory_space<vmem>>, vector<16xi32>,
      tpu.vector_store %arg9[%swap3A_290], %add3A_287 {strides = array<i32>} : memref<25600xi32, #tpu.memory_space<vmem>>, vector<16xi32>,
      %add3A_292 = arith.constant 2 : i32
      %add3A_293 = vector.broadcast %add3A_292 : i32 to vector<16xi32>
      %add3A_294 = arith.addi %mul3A_256, %add3A_293 : vector<16xi32>
      %add3A_295 = arith.constant 320 : i32
      %add3A_296 = arith.addi %add3A_262, %add3A_295 : i32
      %swap3A_297 = arith.index_cast %add3A_296 : i32 to index
      %swap3A_298 = tpu.vector_load %arg9[%swap3A_297] {strides = array<i32>} : memref<25600xi32, #tpu.memory_space<vmem>>, vector<16xi32>,
      tpu.vector_store %arg9[%swap3A_297], %add3A_294 {strides = array<i32>} : memref<25600xi32, #tpu.memory_space<vmem>>, vector<16xi32>,
      %add3A_299 = arith.constant 3 : i32
      %add3A_300 = vector.broadcast %add3A_299 : i32 to vector<16xi32>
      %add3A_301 = arith.addi %mul3A_253, %add3A_300 : vector<16xi32>
      %add3A_302 = arith.constant 384 : i32
      %add3A_303 = arith.addi %add3A_262, %add3A_302 : i32
      %swap3A_304 = arith.index_cast %add3A_303 : i32 to index
      %swap3A_305 = tpu.vector_load %arg9[%swap3A_304] {strides = array<i32>} : memref<25600xi32, #tpu.memory_space<vmem>>, vector<16xi32>,
      tpu.vector_store %arg9[%swap3A_304], %add3A_301 {strides = array<i32>} : memref<25600xi32, #tpu.memory_space<vmem>>, vector<16xi32>,
      %add3A_306 = arith.constant 3 : i32
      %add3A_307 = vector.broadcast %add3A_306 : i32 to vector<16xi32>
      %add3A_308 = arith.addi %mul3A_256, %add3A_307 : vector<16xi32>
      %add3A_309 = arith.constant 448 : i32
      %add3A_310 = arith.addi %add3A_262, %add3A_309 : i32
      %swap3A_311 = arith.index_cast %add3A_310 : i32 to index
      %swap3A_312 = tpu.vector_load %arg9[%swap3A_311] {strides = array<i32>} : memref<25600xi32, #tpu.memory_space<vmem>>, vector<16xi32>,
      tpu.vector_store %arg9[%swap3A_311], %add3A_308 {strides = array<i32>} : memref<25600xi32, #tpu.memory_space<vmem>>, vector<16xi32>,
      %mul3A_313 = arith.constant 128 : i32
      %mul3A_314 = arith.muli %scan3A_85, %mul3A_313 : i32
      %add3A_315 = arith.constant 0 : i32
      %add3A_316 = arith.addi %add3A_315, %mul3A_314 : i32
      %add3A_317 = arith.constant 96 : i32
      %add3A_318 = arith.addi %add3A_316, %add3A_317 : i32
      %add3A_319 = vector.broadcast %add3A_318 : i32 to vector<16xi32>
      %add3A_320 = arith.addi %mul3A_46, %add3A_319 : vector<16xi32>
      %gather3A_321 = tpu.vector_load_idx %arg8[%add3A_320] : memref<6400xi32, #tpu.memory_space<vmem>>[vector<16xi32>], vector<16xi32>,
      %add3A_322 = arith.constant 1 : i32
      %add3A_323 = arith.addi %add3A_318, %add3A_322 : i32
      %add3A_324 = vector.broadcast %add3A_323 : i32 to vector<16xi32>
      %add3A_325 = arith.addi %mul3A_46, %add3A_324 : vector<16xi32>
      %gather3A_326 = tpu.vector_load_idx %arg8[%add3A_325] : memref<6400xi32, #tpu.memory_space<vmem>>[vector<16xi32>], vector<16xi32>,
      %mul3A_327 = arith.constant 4 : i32
      %mul3A_328 = vector.broadcast %mul3A_327 : i32 to vector<16xi32>
      %mul3A_329 = arith.muli %gather3A_321, %mul3A_328 : vector<16xi32>
      %mul3A_330 = arith.constant 4 : i32
      %mul3A_331 = vector.broadcast %mul3A_330 : i32 to vector<16xi32>
      %mul3A_332 = arith.muli %gather3A_326, %mul3A_331 : vector<16xi32>
      %mul3A_333 = arith.constant 512 : i32
      %mul3A_334 = arith.muli %scan3A_85, %mul3A_333 : i32
      %add3A_335 = arith.constant 0 : i32
      %add3A_336 = arith.addi %add3A_335, %mul3A_334 : i32
      %add3A_337 = arith.constant 48 : i32
      %add3A_338 = arith.addi %add3A_336, %add3A_337 : i32
      %add3A_339 = arith.constant 0 : i32
      %add3A_340 = arith.addi %add3A_338, %add3A_339 : i32
      %swap3A_341 = arith.index_cast %add3A_340 : i32 to index
      %swap3A_342 = tpu.vector_load %arg9[%swap3A_341] {strides = array<i32>} : memref<25600xi32, #tpu.memory_space<vmem>>, vector<16xi32>,
      tpu.vector_store %arg9[%swap3A_341], %mul3A_329 {strides = array<i32>} : memref<25600xi32, #tpu.memory_space<vmem>>, vector<16xi32>,
      %add3A_343 = arith.constant 64 : i32
      %add3A_344 = arith.addi %add3A_338, %add3A_343 : i32
      %swap3A_345 = arith.index_cast %add3A_344 : i32 to index
      %swap3A_346 = tpu.vector_load %arg9[%swap3A_345] {strides = array<i32>} : memref<25600xi32, #tpu.memory_space<vmem>>, vector<16xi32>,
      tpu.vector_store %arg9[%swap3A_345], %mul3A_332 {strides = array<i32>} : memref<25600xi32, #tpu.memory_space<vmem>>, vector<16xi32>,
      %add3A_347 = arith.constant 1 : i32
      %add3A_348 = vector.broadcast %add3A_347 : i32 to vector<16xi32>
      %add3A_349 = arith.addi %mul3A_329, %add3A_348 : vector<16xi32>
      %add3A_350 = arith.constant 128 : i32
      %add3A_351 = arith.addi %add3A_338, %add3A_350 : i32
      %swap3A_352 = arith.index_cast %add3A_351 : i32 to index
      %swap3A_353 = tpu.vector_load %arg9[%swap3A_352] {strides = array<i32>} : memref<25600xi32, #tpu.memory_space<vmem>>, vector<16xi32>,
      tpu.vector_store %arg9[%swap3A_352], %add3A_349 {strides = array<i32>} : memref<25600xi32, #tpu.memory_space<vmem>>, vector<16xi32>,
      %add3A_354 = arith.constant 1 : i32
      %add3A_355 = vector.broadcast %add3A_354 : i32 to vector<16xi32>
      %add3A_356 = arith.addi %mul3A_332, %add3A_355 : vector<16xi32>
      %add3A_357 = arith.constant 192 : i32
      %add3A_358 = arith.addi %add3A_338, %add3A_357 : i32
      %swap3A_359 = arith.index_cast %add3A_358 : i32 to index
      %swap3A_360 = tpu.vector_load %arg9[%swap3A_359] {strides = array<i32>} : memref<25600xi32, #tpu.memory_space<vmem>>, vector<16xi32>,
      tpu.vector_store %arg9[%swap3A_359], %add3A_356 {strides = array<i32>} : memref<25600xi32, #tpu.memory_space<vmem>>, vector<16xi32>,
      %add3A_361 = arith.constant 2 : i32
      %add3A_362 = vector.broadcast %add3A_361 : i32 to vector<16xi32>
      %add3A_363 = arith.addi %mul3A_329, %add3A_362 : vector<16xi32>
      %add3A_364 = arith.constant 256 : i32
      %add3A_365 = arith.addi %add3A_338, %add3A_364 : i32
      %swap3A_366 = arith.index_cast %add3A_365 : i32 to index
      %swap3A_367 = tpu.vector_load %arg9[%swap3A_366] {strides = array<i32>} : memref<25600xi32, #tpu.memory_space<vmem>>, vector<16xi32>,
      tpu.vector_store %arg9[%swap3A_366], %add3A_363 {strides = array<i32>} : memref<25600xi32, #tpu.memory_space<vmem>>, vector<16xi32>,
      %add3A_368 = arith.constant 2 : i32
      %add3A_369 = vector.broadcast %add3A_368 : i32 to vector<16xi32>
      %add3A_370 = arith.addi %mul3A_332, %add3A_369 : vector<16xi32>
      %add3A_371 = arith.constant 320 : i32
      %add3A_372 = arith.addi %add3A_338, %add3A_371 : i32
      %swap3A_373 = arith.index_cast %add3A_372 : i32 to index
      %swap3A_374 = tpu.vector_load %arg9[%swap3A_373] {strides = array<i32>} : memref<25600xi32, #tpu.memory_space<vmem>>, vector<16xi32>,
      tpu.vector_store %arg9[%swap3A_373], %add3A_370 {strides = array<i32>} : memref<25600xi32, #tpu.memory_space<vmem>>, vector<16xi32>,
      %add3A_375 = arith.constant 3 : i32
      %add3A_376 = vector.broadcast %add3A_375 : i32 to vector<16xi32>
      %add3A_377 = arith.addi %mul3A_329, %add3A_376 : vector<16xi32>
      %add3A_378 = arith.constant 384 : i32
      %add3A_379 = arith.addi %add3A_338, %add3A_378 : i32
      %swap3A_380 = arith.index_cast %add3A_379 : i32 to index
      %swap3A_381 = tpu.vector_load %arg9[%swap3A_380] {strides = array<i32>} : memref<25600xi32, #tpu.memory_space<vmem>>, vector<16xi32>,
      tpu.vector_store %arg9[%swap3A_380], %add3A_377 {strides = array<i32>} : memref<25600xi32, #tpu.memory_space<vmem>>, vector<16xi32>,
      %add3A_382 = arith.constant 3 : i32
      %add3A_383 = vector.broadcast %add3A_382 : i32 to vector<16xi32>
      %add3A_384 = arith.addi %mul3A_332, %add3A_383 : vector<16xi32>
      %add3A_385 = arith.constant 448 : i32
      %add3A_386 = arith.addi %add3A_338, %add3A_385 : i32
      %swap3A_387 = arith.index_cast %add3A_386 : i32 to index
      %swap3A_388 = tpu.vector_load %arg9[%swap3A_387] {strides = array<i32>} : memref<25600xi32, #tpu.memory_space<vmem>>, vector<16xi32>,
      tpu.vector_store %arg9[%swap3A_387], %add3A_384 {strides = array<i32>} : memref<25600xi32, #tpu.memory_space<vmem>>, vector<16xi32>,
    }
    %scan3A_57 = arith.constant 25 : i32
    %dma_start3A = arith.constant 0 : i32
    %dma_start3A_58 = arith.constant 0 : i32
    %dma_start3A_59 = tpu.memref_slice %arg10[%dma_start3A_58] : memref<25600xf32, #tpu.memory_space<vmem>> -> memref<12800xf32, #tpu.memory_space<vmem>>
    %dma_start3A_60 = arith.constant 0 : i32
    %dma_start3A_61 = tpu.memref_slice %arg9[%dma_start3A_60] : memref<25600xi32, #tpu.memory_space<vmem>> -> memref<12800xi32, #tpu.memory_space<vmem>>
    %dma_start3A_62 = arith.constant 0 : i32
    %dma_start3A_63 = tpu.memref_slice %arg6[%dma_start3A_62] : memref<400000xf32, #tpu.memory_space<vmem_shared>> -> memref<400000xf32, #tpu.memory_space<vmem_shared>>
    %dma_start3A_64 = tpu.memref_slice %arg12[%dma_start3A] : memref<2x!tpu.dma_semaphore, #tpu.memory_space<semaphore_mem>> -> memref<1x!tpu.dma_semaphore, #tpu.memory_space<semaphore_mem>>
    %dma_start3A_65 = tpu.memref_squeeze %dma_start3A_64 : memref<1x!tpu.dma_semaphore, #tpu.memory_space<semaphore_mem>> -> memref<!tpu.dma_semaphore, #tpu.memory_space<semaphore_mem>>
    tpu.enqueue_indirect_dma source(%dma_start3A_63 : memref<400000xf32, #tpu.memory_space<vmem_shared>>) target(%dma_start3A_59 : memref<12800xf32, #tpu.memory_space<vmem>>) offsets(%dma_start3A_61 : memref<12800xi32, #tpu.memory_space<vmem>>) semaphore(%dma_start3A_65 : memref<!tpu.dma_semaphore, #tpu.memory_space<semaphore_mem>>)
    %add3A_66 = arith.constant 3200 : i32
    %add3A_67 = arith.addi %mul3A_50, %add3A_66 : i32
    %dma_start3A_68 = arith.constant 1 : i32
    %dma_start3A_69 = arith.constant 3200 : i32
    %dma_start3A_70 = tpu.memref_slice %arg8[%dma_start3A_69] : memref<6400xi32, #tpu.memory_space<vmem>> -> memref<3200xi32, #tpu.memory_space<vmem>>
    %dma_start3A_71 = tpu.memref_slice %arg3[%add3A_67] : memref<12800000xi32, #tpu.memory_space<hbm>> -> memref<3200xi32, #tpu.memory_space<hbm>>
    %dma_start3A_72 = tpu.memref_slice %arg13[%dma_start3A_68] : memref<2x!tpu.dma_semaphore, #tpu.memory_space<semaphore_mem>> -> memref<1x!tpu.dma_semaphore, #tpu.memory_space<semaphore_mem>>
    %dma_start3A_73 = tpu.memref_squeeze %dma_start3A_72 : memref<1x!tpu.dma_semaphore, #tpu.memory_space<semaphore_mem>> -> memref<!tpu.dma_semaphore, #tpu.memory_space<semaphore_mem>>
    %dma_start3A_74 = arith.constant 3200 : i32
    %dma_start3A_75 = tpu.memref_slice %arg8[%dma_start3A_74] : memref<6400xi32, #tpu.memory_space<vmem>> -> memref<3200xi32, #tpu.memory_space<vmem>>
    %dma_start3A_76 = tpu.memref_slice %arg3[%add3A_67] : memref<12800000xi32, #tpu.memory_space<hbm>> -> memref<3200xi32, #tpu.memory_space<hbm>>
    tpu.enqueue_dma source(%dma_start3A_76 : memref<3200xi32, #tpu.memory_space<hbm>>) target(%dma_start3A_75 : memref<3200xi32, #tpu.memory_space<vmem>>) target_semaphore(%dma_start3A_73 : memref<!tpu.dma_semaphore, #tpu.memory_space<semaphore_mem>>)
    %broadcast_in_dim3A = arith.constant 0.000000e+00 : f32
    %broadcast_in_dim3A_77 = vector.broadcast %broadcast_in_dim3A : f32 to vector<16xf32>
    %scan3A_78 = arith.constant 0 : i32
    %scan3A_79 = arith.constant 125 : i32
    %scan3A_80 = arith.addi %scan3A_78, %scan3A_79 : i32
    %scan3A_81 = arith.constant 1 : i32
    %scan3A_82 = scf.for %scan3A_85 = %scan3A_78 to %scan3A_80 step %scan3A_81 iter_args(%scan3A_86 = %broadcast_in_dim3A_77) -> (vector<16xf32>)  : i32 {
      %rem3A = arith.constant 2 : i32
      %rem3A_87 = arith.remsi %scan3A_85, %rem3A : i32
      %sub3A = arith.constant 1 : i32
      %sub3A_88 = arith.subi %sub3A, %rem3A_87 : i32
      %lt3A = arith.constant 124 : i32
      %lt3A_89 = arith.cmpi slt, %scan3A_85, %lt3A : i32
      %convert_element_type3A_90 = arith.extui %lt3A_89 : i1 to i32
      %cond3A_91 = arith.constant 0 : i32
      %cond3A_92 = arith.cmpi ne, %convert_element_type3A_90, %cond3A_91 : i32
      scf.if %cond3A_92 {
        %mul3A_115 = arith.constant 3200 : i32
        %mul3A_116 = arith.muli %sub3A_88, %mul3A_115 : i32
        %dma_wait3A_117 = tpu.memref_slice %arg8[%mul3A_116] : memref<6400xi32, #tpu.memory_space<vmem>> -> memref<3200xi32, #tpu.memory_space<vmem>>
        %dma_wait3A_118 = arith.constant 0 : i32
        %dma_wait3A_119 = tpu.memref_slice %arg3[%dma_wait3A_118] : memref<12800000xi32, #tpu.memory_space<hbm>> -> memref<3200xi32, #tpu.memory_space<hbm>>
        %dma_wait3A_120 = tpu.memref_slice %arg13[%sub3A_88] : memref<2x!tpu.dma_semaphore, #tpu.memory_space<semaphore_mem>> -> memref<1x!tpu.dma_semaphore, #tpu.memory_space<semaphore_mem>>
        %dma_wait3A_121 = tpu.memref_squeeze %dma_wait3A_120 : memref<1x!tpu.dma_semaphore, #tpu.memory_space<semaphore_mem>> -> memref<!tpu.dma_semaphore, #tpu.memory_space<semaphore_mem>>
        %dma_wait3A_122 = tpu.memref_slice %arg8[%mul3A_116] : memref<6400xi32, #tpu.memory_space<vmem>> -> memref<3200xi32, #tpu.memory_space<vmem>>
        %dma_wait3A_123 = arith.constant 0 : i32
        %dma_wait3A_124 = tpu.memref_slice %arg3[%dma_wait3A_123] : memref<12800000xi32, #tpu.memory_space<hbm>> -> memref<3200xi32, #tpu.memory_space<hbm>>
        tpu.wait_dma2 semaphore(%dma_wait3A_121 : memref<!tpu.dma_semaphore, #tpu.memory_space<semaphore_mem>>) src(%dma_wait3A_124 : memref<3200xi32, #tpu.memory_space<hbm>>) dst(%dma_wait3A_122 : memref<3200xi32, #tpu.memory_space<vmem>>)
        %mul3A_125 = arith.constant 3200 : i32
        %mul3A_126 = arith.muli %sub3A_88, %mul3A_125 : i32
        %mul3A_127 = arith.constant 12800 : i32
        %mul3A_128 = arith.muli %sub3A_88, %mul3A_127 : i32
        %scan3A_129 = arith.constant 0 : i32
        %scan3A_130 = arith.constant 0 : i32
        %scan3A_131 = arith.constant 25 : i32
        %scan3A_132 = arith.addi %scan3A_130, %scan3A_131 : i32
        %scan3A_133 = arith.constant 1 : i32
        scf.for %scan3A_145 = %scan3A_130 to %scan3A_132 step %scan3A_133  : i32 {
          %mul3A_146 = arith.constant 128 : i32
          %mul3A_147 = arith.muli %scan3A_145, %mul3A_146 : i32
          %add3A_148 = arith.addi %mul3A_126, %mul3A_147 : i32
          %add3A_149 = arith.constant 0 : i32
          %add3A_150 = arith.addi %add3A_148, %add3A_149 : i32
          %add3A_151 = vector.broadcast %add3A_150 : i32 to vector<16xi32>
          %add3A_152 = arith.addi %mul3A_46, %add3A_151 : vector<16xi32>
          %gather3A = tpu.vector_load_idx %arg8[%add3A_152] : memref<6400xi32, #tpu.memory_space<vmem>>[vector<16xi32>], vector<16xi32>,
          %add3A_153 = arith.constant 1 : i32
          %add3A_154 = arith.addi %add3A_150, %add3A_153 : i32
          %add3A_155 = vector.broadcast %add3A_154 : i32 to vector<16xi32>
          %add3A_156 = arith.addi %mul3A_46, %add3A_155 : vector<16xi32>
          %gather3A_157 = tpu.vector_load_idx %arg8[%add3A_156] : memref<6400xi32, #tpu.memory_space<vmem>>[vector<16xi32>], vector<16xi32>,
          %mul3A_158 = arith.constant 4 : i32
          %mul3A_159 = vector.broadcast %mul3A_158 : i32 to vector<16xi32>
          %mul3A_160 = arith.muli %gather3A, %mul3A_159 : vector<16xi32>
          %mul3A_161 = arith.constant 4 : i32
          %mul3A_162 = vector.broadcast %mul3A_161 : i32 to vector<16xi32>
          %mul3A_163 = arith.muli %gather3A_157, %mul3A_162 : vector<16xi32>
          %mul3A_164 = arith.constant 512 : i32
          %mul3A_165 = arith.muli %scan3A_145, %mul3A_164 : i32
          %add3A_166 = arith.addi %mul3A_128, %mul3A_165 : i32
          %add3A_167 = arith.constant 0 : i32
          %add3A_168 = arith.addi %add3A_166, %add3A_167 : i32
          %add3A_169 = arith.constant 0 : i32
          %add3A_170 = arith.addi %add3A_168, %add3A_169 : i32
          %swap3A_171 = arith.index_cast %add3A_170 : i32 to index
          %swap3A_172 = tpu.vector_load %arg9[%swap3A_171] {strides = array<i32>} : memref<25600xi32, #tpu.memory_space<vmem>>, vector<16xi32>,
          tpu.vector_store %arg9[%swap3A_171], %mul3A_160 {strides = array<i32>} : memref<25600xi32, #tpu.memory_space<vmem>>, vector<16xi32>,
          %add3A_173 = arith.constant 64 : i32
          %add3A_174 = arith.addi %add3A_168, %add3A_173 : i32
          %swap3A_175 = arith.index_cast %add3A_174 : i32 to index
          %swap3A_176 = tpu.vector_load %arg9[%swap3A_175] {strides = array<i32>} : memref<25600xi32, #tpu.memory_space<vmem>>, vector<16xi32>,
          tpu.vector_store %arg9[%swap3A_175], %mul3A_163 {strides = array<i32>} : memref<25600xi32, #tpu.memory_space<vmem>>, vector<16xi32>,
          %add3A_177 = arith.constant 1 : i32
          %add3A_178 = vector.broadcast %add3A_177 : i32 to vector<16xi32>
          %add3A_179 = arith.addi %mul3A_160, %add3A_178 : vector<16xi32>
          %add3A_180 = arith.constant 128 : i32
          %add3A_181 = arith.addi %add3A_168, %add3A_180 : i32
          %swap3A_182 = arith.index_cast %add3A_181 : i32 to index
          %swap3A_183 = tpu.vector_load %arg9[%swap3A_182] {strides = array<i32>} : memref<25600xi32, #tpu.memory_space<vmem>>, vector<16xi32>,
          tpu.vector_store %arg9[%swap3A_182], %add3A_179 {strides = array<i32>} : memref<25600xi32, #tpu.memory_space<vmem>>, vector<16xi32>,
          %add3A_184 = arith.constant 1 : i32
          %add3A_185 = vector.broadcast %add3A_184 : i32 to vector<16xi32>
          %add3A_186 = arith.addi %mul3A_163, %add3A_185 : vector<16xi32>
          %add3A_187 = arith.constant 192 : i32
          %add3A_188 = arith.addi %add3A_168, %add3A_187 : i32
          %swap3A_189 = arith.index_cast %add3A_188 : i32 to index
          %swap3A_190 = tpu.vector_load %arg9[%swap3A_189] {strides = array<i32>} : memref<25600xi32, #tpu.memory_space<vmem>>, vector<16xi32>,
          tpu.vector_store %arg9[%swap3A_189], %add3A_186 {strides = array<i32>} : memref<25600xi32, #tpu.memory_space<vmem>>, vector<16xi32>,
          %add3A_191 = arith.constant 2 : i32
          %add3A_192 = vector.broadcast %add3A_191 : i32 to vector<16xi32>
          %add3A_193 = arith.addi %mul3A_160, %add3A_192 : vector<16xi32>
          %add3A_194 = arith.constant 256 : i32
          %add3A_195 = arith.addi %add3A_168, %add3A_194 : i32
          %swap3A_196 = arith.index_cast %add3A_195 : i32 to index
          %swap3A_197 = tpu.vector_load %arg9[%swap3A_196] {strides = array<i32>} : memref<25600xi32, #tpu.memory_space<vmem>>, vector<16xi32>,
          tpu.vector_store %arg9[%swap3A_196], %add3A_193 {strides = array<i32>} : memref<25600xi32, #tpu.memory_space<vmem>>, vector<16xi32>,
          %add3A_198 = arith.constant 2 : i32
          %add3A_199 = vector.broadcast %add3A_198 : i32 to vector<16xi32>
          %add3A_200 = arith.addi %mul3A_163, %add3A_199 : vector<16xi32>
          %add3A_201 = arith.constant 320 : i32
          %add3A_202 = arith.addi %add3A_168, %add3A_201 : i32
          %swap3A_203 = arith.index_cast %add3A_202 : i32 to index
          %swap3A_204 = tpu.vector_load %arg9[%swap3A_203] {strides = array<i32>} : memref<25600xi32, #tpu.memory_space<vmem>>, vector<16xi32>,
          tpu.vector_store %arg9[%swap3A_203], %add3A_200 {strides = array<i32>} : memref<25600xi32, #tpu.memory_space<vmem>>, vector<16xi32>,
          %add3A_205 = arith.constant 3 : i32
          %add3A_206 = vector.broadcast %add3A_205 : i32 to vector<16xi32>
          %add3A_207 = arith.addi %mul3A_160, %add3A_206 : vector<16xi32>
          %add3A_208 = arith.constant 384 : i32
          %add3A_209 = arith.addi %add3A_168, %add3A_208 : i32
          %swap3A_210 = arith.index_cast %add3A_209 : i32 to index
          %swap3A_211 = tpu.vector_load %arg9[%swap3A_210] {strides = array<i32>} : memref<25600xi32, #tpu.memory_space<vmem>>, vector<16xi32>,
          tpu.vector_store %arg9[%swap3A_210], %add3A_207 {strides = array<i32>} : memref<25600xi32, #tpu.memory_space<vmem>>, vector<16xi32>,
          %add3A_212 = arith.constant 3 : i32
          %add3A_213 = vector.broadcast %add3A_212 : i32 to vector<16xi32>
          %add3A_214 = arith.addi %mul3A_163, %add3A_213 : vector<16xi32>
          %add3A_215 = arith.constant 448 : i32
          %add3A_216 = arith.addi %add3A_168, %add3A_215 : i32
          %swap3A_217 = arith.index_cast %add3A_216 : i32 to index
          %swap3A_218 = tpu.vector_load %arg9[%swap3A_217] {strides = array<i32>} : memref<25600xi32, #tpu.memory_space<vmem>>, vector<16xi32>,
          tpu.vector_store %arg9[%swap3A_217], %add3A_214 {strides = array<i32>} : memref<25600xi32, #tpu.memory_space<vmem>>, vector<16xi32>,
          %mul3A_219 = arith.constant 128 : i32
          %mul3A_220 = arith.muli %scan3A_145, %mul3A_219 : i32
          %add3A_221 = arith.addi %mul3A_126, %mul3A_220 : i32
          %add3A_222 = arith.constant 32 : i32
          %add3A_223 = arith.addi %add3A_221, %add3A_222 : i32
          %add3A_224 = vector.broadcast %add3A_223 : i32 to vector<16xi32>
          %add3A_225 = arith.addi %mul3A_46, %add3A_224 : vector<16xi32>
          %gather3A_226 = tpu.vector_load_idx %arg8[%add3A_225] : memref<6400xi32, #tpu.memory_space<vmem>>[vector<16xi32>], vector<16xi32>,
          %add3A_227 = arith.constant 1 : i32
          %add3A_228 = arith.addi %add3A_223, %add3A_227 : i32
          %add3A_229 = vector.broadcast %add3A_228 : i32 to vector<16xi32>
          %add3A_230 = arith.addi %mul3A_46, %add3A_229 : vector<16xi32>
          %gather3A_231 = tpu.vector_load_idx %arg8[%add3A_230] : memref<6400xi32, #tpu.memory_space<vmem>>[vector<16xi32>], vector<16xi32>,
          %mul3A_232 = arith.constant 4 : i32
          %mul3A_233 = vector.broadcast %mul3A_232 : i32 to vector<16xi32>
          %mul3A_234 = arith.muli %gather3A_226, %mul3A_233 : vector<16xi32>
          %mul3A_235 = arith.constant 4 : i32
          %mul3A_236 = vector.broadcast %mul3A_235 : i32 to vector<16xi32>
          %mul3A_237 = arith.muli %gather3A_231, %mul3A_236 : vector<16xi32>
          %mul3A_238 = arith.constant 512 : i32
          %mul3A_239 = arith.muli %scan3A_145, %mul3A_238 : i32
          %add3A_240 = arith.addi %mul3A_128, %mul3A_239 : i32
          %add3A_241 = arith.constant 16 : i32
          %add3A_242 = arith.addi %add3A_240, %add3A_241 : i32
          %add3A_243 = arith.constant 0 : i32
          %add3A_244 = arith.addi %add3A_242, %add3A_243 : i32
          %swap3A_245 = arith.index_cast %add3A_244 : i32 to index
          %swap3A_246 = tpu.vector_load %arg9[%swap3A_245] {strides = array<i32>} : memref<25600xi32, #tpu.memory_space<vmem>>, vector<16xi32>,
          tpu.vector_store %arg9[%swap3A_245], %mul3A_234 {strides = array<i32>} : memref<25600xi32, #tpu.memory_space<vmem>>, vector<16xi32>,
          %add3A_247 = arith.constant 64 : i32
          %add3A_248 = arith.addi %add3A_242, %add3A_247 : i32
          %swap3A_249 = arith.index_cast %add3A_248 : i32 to index
          %swap3A_250 = tpu.vector_load %arg9[%swap3A_249] {strides = array<i32>} : memref<25600xi32, #tpu.memory_space<vmem>>, vector<16xi32>,
          tpu.vector_store %arg9[%swap3A_249], %mul3A_237 {strides = array<i32>} : memref<25600xi32, #tpu.memory_space<vmem>>, vector<16xi32>,
          %add3A_251 = arith.constant 1 : i32
          %add3A_252 = vector.broadcast %add3A_251 : i32 to vector<16xi32>
          %add3A_253 = arith.addi %mul3A_234, %add3A_252 : vector<16xi32>
          %add3A_254 = arith.constant 128 : i32
          %add3A_255 = arith.addi %add3A_242, %add3A_254 : i32
          %swap3A_256 = arith.index_cast %add3A_255 : i32 to index
          %swap3A_257 = tpu.vector_load %arg9[%swap3A_256] {strides = array<i32>} : memref<25600xi32, #tpu.memory_space<vmem>>, vector<16xi32>,
          tpu.vector_store %arg9[%swap3A_256], %add3A_253 {strides = array<i32>} : memref<25600xi32, #tpu.memory_space<vmem>>, vector<16xi32>,
          %add3A_258 = arith.constant 1 : i32
          %add3A_259 = vector.broadcast %add3A_258 : i32 to vector<16xi32>
          %add3A_260 = arith.addi %mul3A_237, %add3A_259 : vector<16xi32>
          %add3A_261 = arith.constant 192 : i32
          %add3A_262 = arith.addi %add3A_242, %add3A_261 : i32
          %swap3A_263 = arith.index_cast %add3A_262 : i32 to index
          %swap3A_264 = tpu.vector_load %arg9[%swap3A_263] {strides = array<i32>} : memref<25600xi32, #tpu.memory_space<vmem>>, vector<16xi32>,
          tpu.vector_store %arg9[%swap3A_263], %add3A_260 {strides = array<i32>} : memref<25600xi32, #tpu.memory_space<vmem>>, vector<16xi32>,
          %add3A_265 = arith.constant 2 : i32
          %add3A_266 = vector.broadcast %add3A_265 : i32 to vector<16xi32>
          %add3A_267 = arith.addi %mul3A_234, %add3A_266 : vector<16xi32>
          %add3A_268 = arith.constant 256 : i32
          %add3A_269 = arith.addi %add3A_242, %add3A_268 : i32
          %swap3A_270 = arith.index_cast %add3A_269 : i32 to index
          %swap3A_271 = tpu.vector_load %arg9[%swap3A_270] {strides = array<i32>} : memref<25600xi32, #tpu.memory_space<vmem>>, vector<16xi32>,
          tpu.vector_store %arg9[%swap3A_270], %add3A_267 {strides = array<i32>} : memref<25600xi32, #tpu.memory_space<vmem>>, vector<16xi32>,
          %add3A_272 = arith.constant 2 : i32
          %add3A_273 = vector.broadcast %add3A_272 : i32 to vector<16xi32>
          %add3A_274 = arith.addi %mul3A_237, %add3A_273 : vector<16xi32>
          %add3A_275 = arith.constant 320 : i32
          %add3A_276 = arith.addi %add3A_242, %add3A_275 : i32
          %swap3A_277 = arith.index_cast %add3A_276 : i32 to index
          %swap3A_278 = tpu.vector_load %arg9[%swap3A_277] {strides = array<i32>} : memref<25600xi32, #tpu.memory_space<vmem>>, vector<16xi32>,
          tpu.vector_store %arg9[%swap3A_277], %add3A_274 {strides = array<i32>} : memref<25600xi32, #tpu.memory_space<vmem>>, vector<16xi32>,
          %add3A_279 = arith.constant 3 : i32
          %add3A_280 = vector.broadcast %add3A_279 : i32 to vector<16xi32>
          %add3A_281 = arith.addi %mul3A_234, %add3A_280 : vector<16xi32>
          %add3A_282 = arith.constant 384 : i32
          %add3A_283 = arith.addi %add3A_242, %add3A_282 : i32
          %swap3A_284 = arith.index_cast %add3A_283 : i32 to index
          %swap3A_285 = tpu.vector_load %arg9[%swap3A_284] {strides = array<i32>} : memref<25600xi32, #tpu.memory_space<vmem>>, vector<16xi32>,
          tpu.vector_store %arg9[%swap3A_284], %add3A_281 {strides = array<i32>} : memref<25600xi32, #tpu.memory_space<vmem>>, vector<16xi32>,
          %add3A_286 = arith.constant 3 : i32
          %add3A_287 = vector.broadcast %add3A_286 : i32 to vector<16xi32>
          %add3A_288 = arith.addi %mul3A_237, %add3A_287 : vector<16xi32>
          %add3A_289 = arith.constant 448 : i32
          %add3A_290 = arith.addi %add3A_242, %add3A_289 : i32
          %swap3A_291 = arith.index_cast %add3A_290 : i32 to index
          %swap3A_292 = tpu.vector_load %arg9[%swap3A_291] {strides = array<i32>} : memref<25600xi32, #tpu.memory_space<vmem>>, vector<16xi32>,
          tpu.vector_store %arg9[%swap3A_291], %add3A_288 {strides = array<i32>} : memref<25600xi32, #tpu.memory_space<vmem>>, vector<16xi32>,
          %mul3A_293 = arith.constant 128 : i32
          %mul3A_294 = arith.muli %scan3A_145, %mul3A_293 : i32
          %add3A_295 = arith.addi %mul3A_126, %mul3A_294 : i32
          %add3A_296 = arith.constant 64 : i32
          %add3A_297 = arith.addi %add3A_295, %add3A_296 : i32
          %add3A_298 = vector.broadcast %add3A_297 : i32 to vector<16xi32>
          %add3A_299 = arith.addi %mul3A_46, %add3A_298 : vector<16xi32>
          %gather3A_300 = tpu.vector_load_idx %arg8[%add3A_299] : memref<6400xi32, #tpu.memory_space<vmem>>[vector<16xi32>], vector<16xi32>,
          %add3A_301 = arith.constant 1 : i32
          %add3A_302 = arith.addi %add3A_297, %add3A_301 : i32
          %add3A_303 = vector.broadcast %add3A_302 : i32 to vector<16xi32>
          %add3A_304 = arith.addi %mul3A_46, %add3A_303 : vector<16xi32>
          %gather3A_305 = tpu.vector_load_idx %arg8[%add3A_304] : memref<6400xi32, #tpu.memory_space<vmem>>[vector<16xi32>], vector<16xi32>,
          %mul3A_306 = arith.constant 4 : i32
          %mul3A_307 = vector.broadcast %mul3A_306 : i32 to vector<16xi32>
          %mul3A_308 = arith.muli %gather3A_300, %mul3A_307 : vector<16xi32>
          %mul3A_309 = arith.constant 4 : i32
          %mul3A_310 = vector.broadcast %mul3A_309 : i32 to vector<16xi32>
          %mul3A_311 = arith.muli %gather3A_305, %mul3A_310 : vector<16xi32>
          %mul3A_312 = arith.constant 512 : i32
          %mul3A_313 = arith.muli %scan3A_145, %mul3A_312 : i32
          %add3A_314 = arith.addi %mul3A_128, %mul3A_313 : i32
          %add3A_315 = arith.constant 32 : i32
          %add3A_316 = arith.addi %add3A_314, %add3A_315 : i32
          %add3A_317 = arith.constant 0 : i32
          %add3A_318 = arith.addi %add3A_316, %add3A_317 : i32
          %swap3A_319 = arith.index_cast %add3A_318 : i32 to index
          %swap3A_320 = tpu.vector_load %arg9[%swap3A_319] {strides = array<i32>} : memref<25600xi32, #tpu.memory_space<vmem>>, vector<16xi32>,
          tpu.vector_store %arg9[%swap3A_319], %mul3A_308 {strides = array<i32>} : memref<25600xi32, #tpu.memory_space<vmem>>, vector<16xi32>,
          %add3A_321 = arith.constant 64 : i32
          %add3A_322 = arith.addi %add3A_316, %add3A_321 : i32
          %swap3A_323 = arith.index_cast %add3A_322 : i32 to index
          %swap3A_324 = tpu.vector_load %arg9[%swap3A_323] {strides = array<i32>} : memref<25600xi32, #tpu.memory_space<vmem>>, vector<16xi32>,
          tpu.vector_store %arg9[%swap3A_323], %mul3A_311 {strides = array<i32>} : memref<25600xi32, #tpu.memory_space<vmem>>, vector<16xi32>,
          %add3A_325 = arith.constant 1 : i32
          %add3A_326 = vector.broadcast %add3A_325 : i32 to vector<16xi32>
          %add3A_327 = arith.addi %mul3A_308, %add3A_326 : vector<16xi32>
          %add3A_328 = arith.constant 128 : i32
          %add3A_329 = arith.addi %add3A_316, %add3A_328 : i32
          %swap3A_330 = arith.index_cast %add3A_329 : i32 to index
          %swap3A_331 = tpu.vector_load %arg9[%swap3A_330] {strides = array<i32>} : memref<25600xi32, #tpu.memory_space<vmem>>, vector<16xi32>,
          tpu.vector_store %arg9[%swap3A_330], %add3A_327 {strides = array<i32>} : memref<25600xi32, #tpu.memory_space<vmem>>, vector<16xi32>,
          %add3A_332 = arith.constant 1 : i32
          %add3A_333 = vector.broadcast %add3A_332 : i32 to vector<16xi32>
          %add3A_334 = arith.addi %mul3A_311, %add3A_333 : vector<16xi32>
          %add3A_335 = arith.constant 192 : i32
          %add3A_336 = arith.addi %add3A_316, %add3A_335 : i32
          %swap3A_337 = arith.index_cast %add3A_336 : i32 to index
          %swap3A_338 = tpu.vector_load %arg9[%swap3A_337] {strides = array<i32>} : memref<25600xi32, #tpu.memory_space<vmem>>, vector<16xi32>,
          tpu.vector_store %arg9[%swap3A_337], %add3A_334 {strides = array<i32>} : memref<25600xi32, #tpu.memory_space<vmem>>, vector<16xi32>,
          %add3A_339 = arith.constant 2 : i32
          %add3A_340 = vector.broadcast %add3A_339 : i32 to vector<16xi32>
          %add3A_341 = arith.addi %mul3A_308, %add3A_340 : vector<16xi32>
          %add3A_342 = arith.constant 256 : i32
          %add3A_343 = arith.addi %add3A_316, %add3A_342 : i32
          %swap3A_344 = arith.index_cast %add3A_343 : i32 to index
          %swap3A_345 = tpu.vector_load %arg9[%swap3A_344] {strides = array<i32>} : memref<25600xi32, #tpu.memory_space<vmem>>, vector<16xi32>,
          tpu.vector_store %arg9[%swap3A_344], %add3A_341 {strides = array<i32>} : memref<25600xi32, #tpu.memory_space<vmem>>, vector<16xi32>,
          %add3A_346 = arith.constant 2 : i32
          %add3A_347 = vector.broadcast %add3A_346 : i32 to vector<16xi32>
          %add3A_348 = arith.addi %mul3A_311, %add3A_347 : vector<16xi32>
          %add3A_349 = arith.constant 320 : i32
          %add3A_350 = arith.addi %add3A_316, %add3A_349 : i32
          %swap3A_351 = arith.index_cast %add3A_350 : i32 to index
          %swap3A_352 = tpu.vector_load %arg9[%swap3A_351] {strides = array<i32>} : memref<25600xi32, #tpu.memory_space<vmem>>, vector<16xi32>,
          tpu.vector_store %arg9[%swap3A_351], %add3A_348 {strides = array<i32>} : memref<25600xi32, #tpu.memory_space<vmem>>, vector<16xi32>,
          %add3A_353 = arith.constant 3 : i32
          %add3A_354 = vector.broadcast %add3A_353 : i32 to vector<16xi32>
          %add3A_355 = arith.addi %mul3A_308, %add3A_354 : vector<16xi32>
          %add3A_356 = arith.constant 384 : i32
          %add3A_357 = arith.addi %add3A_316, %add3A_356 : i32
          %swap3A_358 = arith.index_cast %add3A_357 : i32 to index
          %swap3A_359 = tpu.vector_load %arg9[%swap3A_358] {strides = array<i32>} : memref<25600xi32, #tpu.memory_space<vmem>>, vector<16xi32>,
          tpu.vector_store %arg9[%swap3A_358], %add3A_355 {strides = array<i32>} : memref<25600xi32, #tpu.memory_space<vmem>>, vector<16xi32>,
          %add3A_360 = arith.constant 3 : i32
          %add3A_361 = vector.broadcast %add3A_360 : i32 to vector<16xi32>
          %add3A_362 = arith.addi %mul3A_311, %add3A_361 : vector<16xi32>
          %add3A_363 = arith.constant 448 : i32
          %add3A_364 = arith.addi %add3A_316, %add3A_363 : i32
          %swap3A_365 = arith.index_cast %add3A_364 : i32 to index
          %swap3A_366 = tpu.vector_load %arg9[%swap3A_365] {strides = array<i32>} : memref<25600xi32, #tpu.memory_space<vmem>>, vector<16xi32>,
          tpu.vector_store %arg9[%swap3A_365], %add3A_362 {strides = array<i32>} : memref<25600xi32, #tpu.memory_space<vmem>>, vector<16xi32>,
          %mul3A_367 = arith.constant 128 : i32
          %mul3A_368 = arith.muli %scan3A_145, %mul3A_367 : i32
          %add3A_369 = arith.addi %mul3A_126, %mul3A_368 : i32
          %add3A_370 = arith.constant 96 : i32
          %add3A_371 = arith.addi %add3A_369, %add3A_370 : i32
          %add3A_372 = vector.broadcast %add3A_371 : i32 to vector<16xi32>
          %add3A_373 = arith.addi %mul3A_46, %add3A_372 : vector<16xi32>
          %gather3A_374 = tpu.vector_load_idx %arg8[%add3A_373] : memref<6400xi32, #tpu.memory_space<vmem>>[vector<16xi32>], vector<16xi32>,
          %add3A_375 = arith.constant 1 : i32
          %add3A_376 = arith.addi %add3A_371, %add3A_375 : i32
          %add3A_377 = vector.broadcast %add3A_376 : i32 to vector<16xi32>
          %add3A_378 = arith.addi %mul3A_46, %add3A_377 : vector<16xi32>
          %gather3A_379 = tpu.vector_load_idx %arg8[%add3A_378] : memref<6400xi32, #tpu.memory_space<vmem>>[vector<16xi32>], vector<16xi32>,
          %mul3A_380 = arith.constant 4 : i32
          %mul3A_381 = vector.broadcast %mul3A_380 : i32 to vector<16xi32>
          %mul3A_382 = arith.muli %gather3A_374, %mul3A_381 : vector<16xi32>
          %mul3A_383 = arith.constant 4 : i32
          %mul3A_384 = vector.broadcast %mul3A_383 : i32 to vector<16xi32>
          %mul3A_385 = arith.muli %gather3A_379, %mul3A_384 : vector<16xi32>
          %mul3A_386 = arith.constant 512 : i32
          %mul3A_387 = arith.muli %scan3A_145, %mul3A_386 : i32
          %add3A_388 = arith.addi %mul3A_128, %mul3A_387 : i32
          %add3A_389 = arith.constant 48 : i32
          %add3A_390 = arith.addi %add3A_388, %add3A_389 : i32
          %add3A_391 = arith.constant 0 : i32
          %add3A_392 = arith.addi %add3A_390, %add3A_391 : i32
          %swap3A_393 = arith.index_cast %add3A_392 : i32 to index
          %swap3A_394 = tpu.vector_load %arg9[%swap3A_393] {strides = array<i32>} : memref<25600xi32, #tpu.memory_space<vmem>>, vector<16xi32>,
          tpu.vector_store %arg9[%swap3A_393], %mul3A_382 {strides = array<i32>} : memref<25600xi32, #tpu.memory_space<vmem>>, vector<16xi32>,
          %add3A_395 = arith.constant 64 : i32
          %add3A_396 = arith.addi %add3A_390, %add3A_395 : i32
          %swap3A_397 = arith.index_cast %add3A_396 : i32 to index
          %swap3A_398 = tpu.vector_load %arg9[%swap3A_397] {strides = array<i32>} : memref<25600xi32, #tpu.memory_space<vmem>>, vector<16xi32>,
          tpu.vector_store %arg9[%swap3A_397], %mul3A_385 {strides = array<i32>} : memref<25600xi32, #tpu.memory_space<vmem>>, vector<16xi32>,
          %add3A_399 = arith.constant 1 : i32
          %add3A_400 = vector.broadcast %add3A_399 : i32 to vector<16xi32>
          %add3A_401 = arith.addi %mul3A_382, %add3A_400 : vector<16xi32>
          %add3A_402 = arith.constant 128 : i32
          %add3A_403 = arith.addi %add3A_390, %add3A_402 : i32
          %swap3A_404 = arith.index_cast %add3A_403 : i32 to index
          %swap3A_405 = tpu.vector_load %arg9[%swap3A_404] {strides = array<i32>} : memref<25600xi32, #tpu.memory_space<vmem>>, vector<16xi32>,
          tpu.vector_store %arg9[%swap3A_404], %add3A_401 {strides = array<i32>} : memref<25600xi32, #tpu.memory_space<vmem>>, vector<16xi32>,
          %add3A_406 = arith.constant 1 : i32
          %add3A_407 = vector.broadcast %add3A_406 : i32 to vector<16xi32>
          %add3A_408 = arith.addi %mul3A_385, %add3A_407 : vector<16xi32>
          %add3A_409 = arith.constant 192 : i32
          %add3A_410 = arith.addi %add3A_390, %add3A_409 : i32
          %swap3A_411 = arith.index_cast %add3A_410 : i32 to index
          %swap3A_412 = tpu.vector_load %arg9[%swap3A_411] {strides = array<i32>} : memref<25600xi32, #tpu.memory_space<vmem>>, vector<16xi32>,
          tpu.vector_store %arg9[%swap3A_411], %add3A_408 {strides = array<i32>} : memref<25600xi32, #tpu.memory_space<vmem>>, vector<16xi32>,
          %add3A_413 = arith.constant 2 : i32
          %add3A_414 = vector.broadcast %add3A_413 : i32 to vector<16xi32>
          %add3A_415 = arith.addi %mul3A_382, %add3A_414 : vector<16xi32>
          %add3A_416 = arith.constant 256 : i32
          %add3A_417 = arith.addi %add3A_390, %add3A_416 : i32
          %swap3A_418 = arith.index_cast %add3A_417 : i32 to index
          %swap3A_419 = tpu.vector_load %arg9[%swap3A_418] {strides = array<i32>} : memref<25600xi32, #tpu.memory_space<vmem>>, vector<16xi32>,
          tpu.vector_store %arg9[%swap3A_418], %add3A_415 {strides = array<i32>} : memref<25600xi32, #tpu.memory_space<vmem>>, vector<16xi32>,
          %add3A_420 = arith.constant 2 : i32
          %add3A_421 = vector.broadcast %add3A_420 : i32 to vector<16xi32>
          %add3A_422 = arith.addi %mul3A_385, %add3A_421 : vector<16xi32>
          %add3A_423 = arith.constant 320 : i32
          %add3A_424 = arith.addi %add3A_390, %add3A_423 : i32
          %swap3A_425 = arith.index_cast %add3A_424 : i32 to index
          %swap3A_426 = tpu.vector_load %arg9[%swap3A_425] {strides = array<i32>} : memref<25600xi32, #tpu.memory_space<vmem>>, vector<16xi32>,
          tpu.vector_store %arg9[%swap3A_425], %add3A_422 {strides = array<i32>} : memref<25600xi32, #tpu.memory_space<vmem>>, vector<16xi32>,
          %add3A_427 = arith.constant 3 : i32
          %add3A_428 = vector.broadcast %add3A_427 : i32 to vector<16xi32>
          %add3A_429 = arith.addi %mul3A_382, %add3A_428 : vector<16xi32>
          %add3A_430 = arith.constant 384 : i32
          %add3A_431 = arith.addi %add3A_390, %add3A_430 : i32
          %swap3A_432 = arith.index_cast %add3A_431 : i32 to index
          %swap3A_433 = tpu.vector_load %arg9[%swap3A_432] {strides = array<i32>} : memref<25600xi32, #tpu.memory_space<vmem>>, vector<16xi32>,
          tpu.vector_store %arg9[%swap3A_432], %add3A_429 {strides = array<i32>} : memref<25600xi32, #tpu.memory_space<vmem>>, vector<16xi32>,
          %add3A_434 = arith.constant 3 : i32
          %add3A_435 = vector.broadcast %add3A_434 : i32 to vector<16xi32>
          %add3A_436 = arith.addi %mul3A_385, %add3A_435 : vector<16xi32>
          %add3A_437 = arith.constant 448 : i32
          %add3A_438 = arith.addi %add3A_390, %add3A_437 : i32
          %swap3A_439 = arith.index_cast %add3A_438 : i32 to index
          %swap3A_440 = tpu.vector_load %arg9[%swap3A_439] {strides = array<i32>} : memref<25600xi32, #tpu.memory_space<vmem>>, vector<16xi32>,
          tpu.vector_store %arg9[%swap3A_439], %add3A_436 {strides = array<i32>} : memref<25600xi32, #tpu.memory_space<vmem>>, vector<16xi32>,
        }
        %scan3A_134 = arith.constant 25 : i32
        %mul3A_135 = arith.constant 12800 : i32
        %mul3A_136 = arith.muli %sub3A_88, %mul3A_135 : i32
        %mul3A_137 = arith.constant 12800 : i32
        %mul3A_138 = arith.muli %sub3A_88, %mul3A_137 : i32
        %dma_start3A_139 = tpu.memref_slice %arg10[%mul3A_138] : memref<25600xf32, #tpu.memory_space<vmem>> -> memref<12800xf32, #tpu.memory_space<vmem>>
        %dma_start3A_140 = tpu.memref_slice %arg9[%mul3A_136] : memref<25600xi32, #tpu.memory_space<vmem>> -> memref<12800xi32, #tpu.memory_space<vmem>>
        %dma_start3A_141 = arith.constant 0 : i32
        %dma_start3A_142 = tpu.memref_slice %arg6[%dma_start3A_141] : memref<400000xf32, #tpu.memory_space<vmem_shared>> -> memref<400000xf32, #tpu.memory_space<vmem_shared>>
        %dma_start3A_143 = tpu.memref_slice %arg12[%sub3A_88] : memref<2x!tpu.dma_semaphore, #tpu.memory_space<semaphore_mem>> -> memref<1x!tpu.dma_semaphore, #tpu.memory_space<semaphore_mem>>
        %dma_start3A_144 = tpu.memref_squeeze %dma_start3A_143 : memref<1x!tpu.dma_semaphore, #tpu.memory_space<semaphore_mem>> -> memref<!tpu.dma_semaphore, #tpu.memory_space<semaphore_mem>>
        tpu.enqueue_indirect_dma source(%dma_start3A_142 : memref<400000xf32, #tpu.memory_space<vmem_shared>>) target(%dma_start3A_139 : memref<12800xf32, #tpu.memory_space<vmem>>) offsets(%dma_start3A_140 : memref<12800xi32, #tpu.memory_space<vmem>>) semaphore(%dma_start3A_144 : memref<!tpu.dma_semaphore, #tpu.memory_space<semaphore_mem>>)
      } else {
      }
      %lt3A_93 = arith.constant 123 : i32
      %lt3A_94 = arith.cmpi slt, %scan3A_85, %lt3A_93 : i32
      %convert_element_type3A_95 = arith.extui %lt3A_94 : i1 to i32
      %cond3A_96 = arith.constant 0 : i32
      %cond3A_97 = arith.cmpi ne, %convert_element_type3A_95, %cond3A_96 : i32
      scf.if %cond3A_97 {
        %add3A_115 = arith.constant 2 : i32
        %add3A_116 = arith.addi %scan3A_85, %add3A_115 : i32
        %mul3A_117 = arith.constant 3200 : i32
        %mul3A_118 = arith.muli %add3A_116, %mul3A_117 : i32
        %add3A_119 = arith.addi %mul3A_50, %mul3A_118 : i32
        %mul3A_120 = arith.constant 3200 : i32
        %mul3A_121 = arith.muli %rem3A_87, %mul3A_120 : i32
        %dma_start3A_122 = tpu.memref_slice %arg8[%mul3A_121] : memref<6400xi32, #tpu.memory_space<vmem>> -> memref<3200xi32, #tpu.memory_space<vmem>>
        %dma_start3A_123 = tpu.memref_slice %arg3[%add3A_119] : memref<12800000xi32, #tpu.memory_space<hbm>> -> memref<3200xi32, #tpu.memory_space<hbm>>
        %dma_start3A_124 = tpu.memref_slice %arg13[%rem3A_87] : memref<2x!tpu.dma_semaphore, #tpu.memory_space<semaphore_mem>> -> memref<1x!tpu.dma_semaphore, #tpu.memory_space<semaphore_mem>>
        %dma_start3A_125 = tpu.memref_squeeze %dma_start3A_124 : memref<1x!tpu.dma_semaphore, #tpu.memory_space<semaphore_mem>> -> memref<!tpu.dma_semaphore, #tpu.memory_space<semaphore_mem>>
        %dma_start3A_126 = tpu.memref_slice %arg8[%mul3A_121] : memref<6400xi32, #tpu.memory_space<vmem>> -> memref<3200xi32, #tpu.memory_space<vmem>>
        %dma_start3A_127 = tpu.memref_slice %arg3[%add3A_119] : memref<12800000xi32, #tpu.memory_space<hbm>> -> memref<3200xi32, #tpu.memory_space<hbm>>
        tpu.enqueue_dma source(%dma_start3A_127 : memref<3200xi32, #tpu.memory_space<hbm>>) target(%dma_start3A_126 : memref<3200xi32, #tpu.memory_space<vmem>>) target_semaphore(%dma_start3A_125 : memref<!tpu.dma_semaphore, #tpu.memory_space<semaphore_mem>>)
      } else {
      }
      %mul3A_98 = arith.constant 12800 : i32
      %mul3A_99 = arith.muli %rem3A_87, %mul3A_98 : i32
      %mul3A_100 = arith.constant 12800 : i32
      %mul3A_101 = arith.muli %rem3A_87, %mul3A_100 : i32
      %dma_wait3A = tpu.memref_slice %arg10[%mul3A_101] : memref<25600xf32, #tpu.memory_space<vmem>> -> memref<12800xf32, #tpu.memory_space<vmem>>
      %dma_wait3A_102 = tpu.memref_slice %arg9[%mul3A_99] : memref<25600xi32, #tpu.memory_space<vmem>> -> memref<12800xi32, #tpu.memory_space<vmem>>
      %dma_wait3A_103 = arith.constant 0 : i32
      %dma_wait3A_104 = tpu.memref_slice %arg6[%dma_wait3A_103] : memref<400000xf32, #tpu.memory_space<vmem_shared>> -> memref<400000xf32, #tpu.memory_space<vmem_shared>>
      %dma_wait3A_105 = tpu.memref_slice %arg12[%rem3A_87] : memref<2x!tpu.dma_semaphore, #tpu.memory_space<semaphore_mem>> -> memref<1x!tpu.dma_semaphore, #tpu.memory_space<semaphore_mem>>
      %dma_wait3A_106 = tpu.memref_squeeze %dma_wait3A_105 : memref<1x!tpu.dma_semaphore, #tpu.memory_space<semaphore_mem>> -> memref<!tpu.dma_semaphore, #tpu.memory_space<semaphore_mem>>
      tpu.wait_indirect_dma semaphore(%dma_wait3A_106 : memref<!tpu.dma_semaphore, #tpu.memory_space<semaphore_mem>>) src(%dma_wait3A_104 : memref<400000xf32, #tpu.memory_space<vmem_shared>>) dst(%dma_wait3A : memref<12800xf32, #tpu.memory_space<vmem>>)
      %mul3A_107 = arith.constant 12800 : i32
      %mul3A_108 = arith.muli %rem3A_87, %mul3A_107 : i32
      %scan3A_109 = arith.constant 0 : i32
      %scan3A_110 = arith.constant 25 : i32
      %scan3A_111 = arith.addi %scan3A_109, %scan3A_110 : i32
      %scan3A_112 = arith.constant 1 : i32
      %scan3A_113 = scf.for %scan3A_115 = %scan3A_109 to %scan3A_111 step %scan3A_112 iter_args(%scan3A_116 = %scan3A_86) -> (vector<16xf32>)  : i32 {
        %mul3A_117 = arith.constant 512 : i32
        %mul3A_118 = arith.muli %scan3A_115, %mul3A_117 : i32
        %add3A_119 = arith.addi %mul3A_108, %mul3A_118 : i32
        %add3A_120 = arith.constant 0 : i32
        %add3A_121 = arith.addi %add3A_119, %add3A_120 : i32
        %add3A_122 = arith.constant 0 : i32
        %add3A_123 = arith.addi %add3A_121, %add3A_122 : i32
        %get3A_124 = arith.index_cast %add3A_123 : i32 to index
        %get3A_125 = tpu.vector_load %arg10[%get3A_124] {strides = array<i32>} : memref<25600xf32, #tpu.memory_space<vmem>>, vector<16xf32>,
        %add3A_126 = arith.constant 64 : i32
        %add3A_127 = arith.addi %add3A_119, %add3A_126 : i32
        %add3A_128 = arith.constant 0 : i32
        %add3A_129 = arith.addi %add3A_127, %add3A_128 : i32
        %get3A_130 = arith.index_cast %add3A_129 : i32 to index
        %get3A_131 = tpu.vector_load %arg10[%get3A_130] {strides = array<i32>} : memref<25600xf32, #tpu.memory_space<vmem>>, vector<16xf32>,
        %add3A_132 = arith.constant 128 : i32
        %add3A_133 = arith.addi %add3A_119, %add3A_132 : i32
        %add3A_134 = arith.constant 0 : i32
        %add3A_135 = arith.addi %add3A_133, %add3A_134 : i32
        %get3A_136 = arith.index_cast %add3A_135 : i32 to index
        %get3A_137 = tpu.vector_load %arg10[%get3A_136] {strides = array<i32>} : memref<25600xf32, #tpu.memory_space<vmem>>, vector<16xf32>,
        %add3A_138 = arith.constant 192 : i32
        %add3A_139 = arith.addi %add3A_119, %add3A_138 : i32
        %add3A_140 = arith.constant 0 : i32
        %add3A_141 = arith.addi %add3A_139, %add3A_140 : i32
        %get3A_142 = arith.index_cast %add3A_141 : i32 to index
        %get3A_143 = tpu.vector_load %arg10[%get3A_142] {strides = array<i32>} : memref<25600xf32, #tpu.memory_space<vmem>>, vector<16xf32>,
        %add3A_144 = arith.constant 256 : i32
        %add3A_145 = arith.addi %add3A_119, %add3A_144 : i32
        %add3A_146 = arith.constant 0 : i32
        %add3A_147 = arith.addi %add3A_145, %add3A_146 : i32
        %get3A_148 = arith.index_cast %add3A_147 : i32 to index
        %get3A_149 = tpu.vector_load %arg10[%get3A_148] {strides = array<i32>} : memref<25600xf32, #tpu.memory_space<vmem>>, vector<16xf32>,
        %add3A_150 = arith.constant 320 : i32
        %add3A_151 = arith.addi %add3A_119, %add3A_150 : i32
        %add3A_152 = arith.constant 0 : i32
        %add3A_153 = arith.addi %add3A_151, %add3A_152 : i32
        %get3A_154 = arith.index_cast %add3A_153 : i32 to index
        %get3A_155 = tpu.vector_load %arg10[%get3A_154] {strides = array<i32>} : memref<25600xf32, #tpu.memory_space<vmem>>, vector<16xf32>,
        %add3A_156 = arith.constant 384 : i32
        %add3A_157 = arith.addi %add3A_119, %add3A_156 : i32
        %add3A_158 = arith.constant 0 : i32
        %add3A_159 = arith.addi %add3A_157, %add3A_158 : i32
        %get3A_160 = arith.index_cast %add3A_159 : i32 to index
        %get3A_161 = tpu.vector_load %arg10[%get3A_160] {strides = array<i32>} : memref<25600xf32, #tpu.memory_space<vmem>>, vector<16xf32>,
        %add3A_162 = arith.constant 448 : i32
        %add3A_163 = arith.addi %add3A_119, %add3A_162 : i32
        %add3A_164 = arith.constant 0 : i32
        %add3A_165 = arith.addi %add3A_163, %add3A_164 : i32
        %get3A_166 = arith.index_cast %add3A_165 : i32 to index
        %get3A_167 = tpu.vector_load %arg10[%get3A_166] {strides = array<i32>} : memref<25600xf32, #tpu.memory_space<vmem>>, vector<16xf32>,
        %sub3A_168 = arith.subf %get3A_125, %get3A_131 : vector<16xf32>
        %bitcast3A = vector.bitcast %sub3A_168 : vector<16xf32> to vector<16xi32>
        %shift_right_logical3A = arith.constant 16 : i32
        %shift_right_logical3A_169 = vector.broadcast %shift_right_logical3A : i32 to vector<16xi32>
        %shift_right_logical3A_170 = arith.shrui %bitcast3A, %shift_right_logical3A_169 : vector<16xi32>
        %and3A = arith.constant 1 : i32
        %and3A_171 = vector.broadcast %and3A : i32 to vector<16xi32>
        %and3A_172 = arith.andi %shift_right_logical3A_170, %and3A_171 : vector<16xi32>
        %add3A_173 = arith.constant 32767 : i32
        %add3A_174 = vector.broadcast %add3A_173 : i32 to vector<16xi32>
        %add3A_175 = arith.addi %and3A_172, %add3A_174 : vector<16xi32>
        %add3A_176 = arith.addi %bitcast3A, %add3A_175 : vector<16xi32>
        %and3A_177 = arith.constant -65536 : i32
        %and3A_178 = vector.broadcast %and3A_177 : i32 to vector<16xi32>
        %and3A_179 = arith.andi %add3A_176, %and3A_178 : vector<16xi32>
        %bitcast3A_180 = vector.bitcast %and3A_179 : vector<16xi32> to vector<16xf32>
        %sub3A_181 = arith.subf %get3A_137, %get3A_143 : vector<16xf32>
        %bitcast3A_182 = vector.bitcast %sub3A_181 : vector<16xf32> to vector<16xi32>
        %shift_right_logical3A_183 = arith.constant 16 : i32
        %shift_right_logical3A_184 = vector.broadcast %shift_right_logical3A_183 : i32 to vector<16xi32>
        %shift_right_logical3A_185 = arith.shrui %bitcast3A_182, %shift_right_logical3A_184 : vector<16xi32>
        %and3A_186 = arith.constant 1 : i32
        %and3A_187 = vector.broadcast %and3A_186 : i32 to vector<16xi32>
        %and3A_188 = arith.andi %shift_right_logical3A_185, %and3A_187 : vector<16xi32>
        %add3A_189 = arith.constant 32767 : i32
        %add3A_190 = vector.broadcast %add3A_189 : i32 to vector<16xi32>
        %add3A_191 = arith.addi %and3A_188, %add3A_190 : vector<16xi32>
        %add3A_192 = arith.addi %bitcast3A_182, %add3A_191 : vector<16xi32>
        %and3A_193 = arith.constant -65536 : i32
        %and3A_194 = vector.broadcast %and3A_193 : i32 to vector<16xi32>
        %and3A_195 = arith.andi %add3A_192, %and3A_194 : vector<16xi32>
        %bitcast3A_196 = vector.bitcast %and3A_195 : vector<16xi32> to vector<16xf32>
        %sub3A_197 = arith.subf %get3A_149, %get3A_155 : vector<16xf32>
        %bitcast3A_198 = vector.bitcast %sub3A_197 : vector<16xf32> to vector<16xi32>
        %shift_right_logical3A_199 = arith.constant 16 : i32
        %shift_right_logical3A_200 = vector.broadcast %shift_right_logical3A_199 : i32 to vector<16xi32>
        %shift_right_logical3A_201 = arith.shrui %bitcast3A_198, %shift_right_logical3A_200 : vector<16xi32>
        %and3A_202 = arith.constant 1 : i32
        %and3A_203 = vector.broadcast %and3A_202 : i32 to vector<16xi32>
        %and3A_204 = arith.andi %shift_right_logical3A_201, %and3A_203 : vector<16xi32>
        %add3A_205 = arith.constant 32767 : i32
        %add3A_206 = vector.broadcast %add3A_205 : i32 to vector<16xi32>
        %add3A_207 = arith.addi %and3A_204, %add3A_206 : vector<16xi32>
        %add3A_208 = arith.addi %bitcast3A_198, %add3A_207 : vector<16xi32>
        %and3A_209 = arith.constant -65536 : i32
        %and3A_210 = vector.broadcast %and3A_209 : i32 to vector<16xi32>
        %and3A_211 = arith.andi %add3A_208, %and3A_210 : vector<16xi32>
        %bitcast3A_212 = vector.bitcast %and3A_211 : vector<16xi32> to vector<16xf32>
        %mul3A_213 = vector.broadcast %squeeze3A : f32 to vector<16xf32>
        %mul3A_214 = arith.mulf %bitcast3A_180, %mul3A_213 : vector<16xf32>
        %mul3A_215 = vector.broadcast %squeeze3A_11 : f32 to vector<16xf32>
        %mul3A_216 = arith.mulf %bitcast3A_196, %mul3A_215 : vector<16xf32>
        %add3A_217 = arith.addf %mul3A_214, %mul3A_216 : vector<16xf32>
        %mul3A_218 = vector.broadcast %squeeze3A_17 : f32 to vector<16xf32>
        %mul3A_219 = arith.mulf %bitcast3A_212, %mul3A_218 : vector<16xf32>
        %add3A_220 = arith.addf %add3A_217, %mul3A_219 : vector<16xf32>
        %mul3A_221 = vector.broadcast %squeeze3A_7 : f32 to vector<16xf32>
        %mul3A_222 = arith.mulf %bitcast3A_180, %mul3A_221 : vector<16xf32>
        %mul3A_223 = vector.broadcast %squeeze3A_13 : f32 to vector<16xf32>
        %mul3A_224 = arith.mulf %bitcast3A_196, %mul3A_223 : vector<16xf32>
        %add3A_225 = arith.addf %mul3A_222, %mul3A_224 : vector<16xf32>
        %mul3A_226 = vector.broadcast %squeeze3A_19 : f32 to vector<16xf32>
        %mul3A_227 = arith.mulf %bitcast3A_212, %mul3A_226 : vector<16xf32>
        %add3A_228 = arith.addf %add3A_225, %mul3A_227 : vector<16xf32>
        %mul3A_229 = vector.broadcast %squeeze3A_9 : f32 to vector<16xf32>
        %mul3A_230 = arith.mulf %bitcast3A_180, %mul3A_229 : vector<16xf32>
        %mul3A_231 = vector.broadcast %squeeze3A_15 : f32 to vector<16xf32>
        %mul3A_232 = arith.mulf %bitcast3A_196, %mul3A_231 : vector<16xf32>
        %add3A_233 = arith.addf %mul3A_230, %mul3A_232 : vector<16xf32>
        %mul3A_234 = vector.broadcast %squeeze3A_21 : f32 to vector<16xf32>
        %mul3A_235 = arith.mulf %bitcast3A_212, %mul3A_234 : vector<16xf32>
        %add3A_236 = arith.addf %add3A_233, %mul3A_235 : vector<16xf32>
        %add3A_237 = arith.constant 5.000000e-01 : f32
        %add3A_238 = vector.broadcast %add3A_237 : f32 to vector<16xf32>
        %add3A_239 = arith.addf %add3A_220, %add3A_238 : vector<16xf32>
        %add3A_240 = arith.constant 5.000000e-01 : f32
        %add3A_241 = vector.broadcast %add3A_240 : f32 to vector<16xf32>
        %add3A_242 = arith.addf %add3A_228, %add3A_241 : vector<16xf32>
        %add3A_243 = arith.constant 5.000000e-01 : f32
        %add3A_244 = vector.broadcast %add3A_243 : f32 to vector<16xf32>
        %add3A_245 = arith.addf %add3A_236, %add3A_244 : vector<16xf32>
        %convert_element_type3A_246 = arith.fptosi %add3A_239 : vector<16xf32> to vector<16xi32>
        %convert_element_type3A_247 = arith.sitofp %convert_element_type3A_246 : vector<16xi32> to vector<16xf32>
        %convert_element_type3A_248 = arith.fptosi %add3A_242 : vector<16xf32> to vector<16xi32>
        %convert_element_type3A_249 = arith.sitofp %convert_element_type3A_248 : vector<16xi32> to vector<16xf32>
        %convert_element_type3A_250 = arith.fptosi %add3A_245 : vector<16xf32> to vector<16xi32>
        %convert_element_type3A_251 = arith.sitofp %convert_element_type3A_250 : vector<16xi32> to vector<16xf32>
        %gt3A = arith.cmpf ogt, %convert_element_type3A_247, %add3A_239 : vector<16xf32>
        %sub3A_252 = arith.constant 1.000000e+00 : f32
        %sub3A_253 = vector.broadcast %sub3A_252 : f32 to vector<16xf32>
        %sub3A_254 = arith.subf %convert_element_type3A_247, %sub3A_253 : vector<16xf32>
        %select_n3A = arith.select %gt3A, %sub3A_254, %convert_element_type3A_247 : vector<16xi1>, vector<16xf32>
        %gt3A_255 = arith.cmpf ogt, %convert_element_type3A_249, %add3A_242 : vector<16xf32>
        %sub3A_256 = arith.constant 1.000000e+00 : f32
        %sub3A_257 = vector.broadcast %sub3A_256 : f32 to vector<16xf32>
        %sub3A_258 = arith.subf %convert_element_type3A_249, %sub3A_257 : vector<16xf32>
        %select_n3A_259 = arith.select %gt3A_255, %sub3A_258, %convert_element_type3A_249 : vector<16xi1>, vector<16xf32>
        %gt3A_260 = arith.cmpf ogt, %convert_element_type3A_251, %add3A_245 : vector<16xf32>
        %sub3A_261 = arith.constant 1.000000e+00 : f32
        %sub3A_262 = vector.broadcast %sub3A_261 : f32 to vector<16xf32>
        %sub3A_263 = arith.subf %convert_element_type3A_251, %sub3A_262 : vector<16xf32>
        %select_n3A_264 = arith.select %gt3A_260, %sub3A_263, %convert_element_type3A_251 : vector<16xi1>, vector<16xf32>
        %sub3A_265 = arith.subf %add3A_220, %select_n3A : vector<16xf32>
        %bitcast3A_266 = vector.bitcast %sub3A_265 : vector<16xf32> to vector<16xi32>
        %shift_right_logical3A_267 = arith.constant 16 : i32
        %shift_right_logical3A_268 = vector.broadcast %shift_right_logical3A_267 : i32 to vector<16xi32>
        %shift_right_logical3A_269 = arith.shrui %bitcast3A_266, %shift_right_logical3A_268 : vector<16xi32>
        %and3A_270 = arith.constant 1 : i32
        %and3A_271 = vector.broadcast %and3A_270 : i32 to vector<16xi32>
        %and3A_272 = arith.andi %shift_right_logical3A_269, %and3A_271 : vector<16xi32>
        %add3A_273 = arith.constant 32767 : i32
        %add3A_274 = vector.broadcast %add3A_273 : i32 to vector<16xi32>
        %add3A_275 = arith.addi %and3A_272, %add3A_274 : vector<16xi32>
        %add3A_276 = arith.addi %bitcast3A_266, %add3A_275 : vector<16xi32>
        %and3A_277 = arith.constant -65536 : i32
        %and3A_278 = vector.broadcast %and3A_277 : i32 to vector<16xi32>
        %and3A_279 = arith.andi %add3A_276, %and3A_278 : vector<16xi32>
        %bitcast3A_280 = vector.bitcast %and3A_279 : vector<16xi32> to vector<16xf32>
        %sub3A_281 = arith.subf %add3A_228, %select_n3A_259 : vector<16xf32>
        %bitcast3A_282 = vector.bitcast %sub3A_281 : vector<16xf32> to vector<16xi32>
        %shift_right_logical3A_283 = arith.constant 16 : i32
        %shift_right_logical3A_284 = vector.broadcast %shift_right_logical3A_283 : i32 to vector<16xi32>
        %shift_right_logical3A_285 = arith.shrui %bitcast3A_282, %shift_right_logical3A_284 : vector<16xi32>
        %and3A_286 = arith.constant 1 : i32
        %and3A_287 = vector.broadcast %and3A_286 : i32 to vector<16xi32>
        %and3A_288 = arith.andi %shift_right_logical3A_285, %and3A_287 : vector<16xi32>
        %add3A_289 = arith.constant 32767 : i32
        %add3A_290 = vector.broadcast %add3A_289 : i32 to vector<16xi32>
        %add3A_291 = arith.addi %and3A_288, %add3A_290 : vector<16xi32>
        %add3A_292 = arith.addi %bitcast3A_282, %add3A_291 : vector<16xi32>
        %and3A_293 = arith.constant -65536 : i32
        %and3A_294 = vector.broadcast %and3A_293 : i32 to vector<16xi32>
        %and3A_295 = arith.andi %add3A_292, %and3A_294 : vector<16xi32>
        %bitcast3A_296 = vector.bitcast %and3A_295 : vector<16xi32> to vector<16xf32>
        %sub3A_297 = arith.subf %add3A_236, %select_n3A_264 : vector<16xf32>
        %bitcast3A_298 = vector.bitcast %sub3A_297 : vector<16xf32> to vector<16xi32>
        %shift_right_logical3A_299 = arith.constant 16 : i32
        %shift_right_logical3A_300 = vector.broadcast %shift_right_logical3A_299 : i32 to vector<16xi32>
        %shift_right_logical3A_301 = arith.shrui %bitcast3A_298, %shift_right_logical3A_300 : vector<16xi32>
        %and3A_302 = arith.constant 1 : i32
        %and3A_303 = vector.broadcast %and3A_302 : i32 to vector<16xi32>
        %and3A_304 = arith.andi %shift_right_logical3A_301, %and3A_303 : vector<16xi32>
        %add3A_305 = arith.constant 32767 : i32
        %add3A_306 = vector.broadcast %add3A_305 : i32 to vector<16xi32>
        %add3A_307 = arith.addi %and3A_304, %add3A_306 : vector<16xi32>
        %add3A_308 = arith.addi %bitcast3A_298, %add3A_307 : vector<16xi32>
        %and3A_309 = arith.constant -65536 : i32
        %and3A_310 = vector.broadcast %and3A_309 : i32 to vector<16xi32>
        %and3A_311 = arith.andi %add3A_308, %and3A_310 : vector<16xi32>
        %bitcast3A_312 = vector.bitcast %and3A_311 : vector<16xi32> to vector<16xf32>
        %mul3A_313 = vector.broadcast %squeeze3A_23 : f32 to vector<16xf32>
        %mul3A_314 = arith.mulf %bitcast3A_280, %mul3A_313 : vector<16xf32>
        %mul3A_315 = vector.broadcast %squeeze3A_29 : f32 to vector<16xf32>
        %mul3A_316 = arith.mulf %bitcast3A_296, %mul3A_315 : vector<16xf32>
        %add3A_317 = arith.addf %mul3A_314, %mul3A_316 : vector<16xf32>
        %mul3A_318 = vector.broadcast %squeeze3A_35 : f32 to vector<16xf32>
        %mul3A_319 = arith.mulf %bitcast3A_312, %mul3A_318 : vector<16xf32>
        %add3A_320 = arith.addf %add3A_317, %mul3A_319 : vector<16xf32>
        %mul3A_321 = vector.broadcast %squeeze3A_25 : f32 to vector<16xf32>
        %mul3A_322 = arith.mulf %bitcast3A_280, %mul3A_321 : vector<16xf32>
        %mul3A_323 = vector.broadcast %squeeze3A_31 : f32 to vector<16xf32>
        %mul3A_324 = arith.mulf %bitcast3A_296, %mul3A_323 : vector<16xf32>
        %add3A_325 = arith.addf %mul3A_322, %mul3A_324 : vector<16xf32>
        %mul3A_326 = vector.broadcast %squeeze3A_37 : f32 to vector<16xf32>
        %mul3A_327 = arith.mulf %bitcast3A_312, %mul3A_326 : vector<16xf32>
        %add3A_328 = arith.addf %add3A_325, %mul3A_327 : vector<16xf32>
        %mul3A_329 = vector.broadcast %squeeze3A_27 : f32 to vector<16xf32>
        %mul3A_330 = arith.mulf %bitcast3A_280, %mul3A_329 : vector<16xf32>
        %mul3A_331 = vector.broadcast %squeeze3A_33 : f32 to vector<16xf32>
        %mul3A_332 = arith.mulf %bitcast3A_296, %mul3A_331 : vector<16xf32>
        %add3A_333 = arith.addf %mul3A_330, %mul3A_332 : vector<16xf32>
        %mul3A_334 = vector.broadcast %squeeze3A_39 : f32 to vector<16xf32>
        %mul3A_335 = arith.mulf %bitcast3A_312, %mul3A_334 : vector<16xf32>
        %add3A_336 = arith.addf %add3A_333, %mul3A_335 : vector<16xf32>
        %mul3A_337 = arith.mulf %add3A_320, %add3A_320 : vector<16xf32>
        %mul3A_338 = arith.mulf %add3A_328, %add3A_328 : vector<16xf32>
        %add3A_339 = arith.addf %mul3A_337, %mul3A_338 : vector<16xf32>
        %mul3A_340 = arith.mulf %add3A_336, %add3A_336 : vector<16xf32>
        %add3A_341 = arith.addf %add3A_339, %mul3A_340 : vector<16xf32>
        %bitcast3A_342 = vector.bitcast %add3A_341 : vector<16xf32> to vector<16xi32>
        %shift_right_logical3A_343 = arith.constant 1 : i32
        %shift_right_logical3A_344 = vector.broadcast %shift_right_logical3A_343 : i32 to vector<16xi32>
        %shift_right_logical3A_345 = arith.shrui %bitcast3A_342, %shift_right_logical3A_344 : vector<16xi32>
        %sub3A_346 = arith.constant 1597463007 : i32
        %sub3A_347 = vector.broadcast %sub3A_346 : i32 to vector<16xi32>
        %sub3A_348 = arith.subi %sub3A_347, %shift_right_logical3A_345 : vector<16xi32>
        %bitcast3A_349 = vector.bitcast %sub3A_348 : vector<16xi32> to vector<16xf32>
        %mul3A_350 = arith.constant 5.000000e-01 : f32
        %mul3A_351 = vector.broadcast %mul3A_350 : f32 to vector<16xf32>
        %mul3A_352 = arith.mulf %mul3A_351, %add3A_341 : vector<16xf32>
        %mul3A_353 = arith.mulf %mul3A_352, %bitcast3A_349 : vector<16xf32>
        %mul3A_354 = arith.mulf %mul3A_353, %bitcast3A_349 : vector<16xf32>
        %sub3A_355 = arith.constant 1.500000e+00 : f32
        %sub3A_356 = vector.broadcast %sub3A_355 : f32 to vector<16xf32>
        %sub3A_357 = arith.subf %sub3A_356, %mul3A_354 : vector<16xf32>
        %mul3A_358 = arith.mulf %bitcast3A_349, %sub3A_357 : vector<16xf32>
        %mul3A_359 = arith.mulf %mul3A_352, %mul3A_358 : vector<16xf32>
        %mul3A_360 = arith.mulf %mul3A_359, %mul3A_358 : vector<16xf32>
        %sub3A_361 = arith.constant 1.500000e+00 : f32
        %sub3A_362 = vector.broadcast %sub3A_361 : f32 to vector<16xf32>
        %sub3A_363 = arith.subf %sub3A_362, %mul3A_360 : vector<16xf32>
        %mul3A_364 = arith.mulf %mul3A_358, %sub3A_363 : vector<16xf32>
        %mul3A_365 = arith.mulf %mul3A_352, %mul3A_364 : vector<16xf32>
        %mul3A_366 = arith.mulf %mul3A_365, %mul3A_364 : vector<16xf32>
        %sub3A_367 = arith.constant 1.500000e+00 : f32
        %sub3A_368 = vector.broadcast %sub3A_367 : f32 to vector<16xf32>
        %sub3A_369 = arith.subf %sub3A_368, %mul3A_366 : vector<16xf32>
        %mul3A_370 = arith.mulf %mul3A_364, %sub3A_369 : vector<16xf32>
        %mul3A_371 = arith.mulf %get3A_161, %get3A_167 : vector<16xf32>
        %sub3A_372 = vector.broadcast %squeeze3A_43 : f32 to vector<16xf32>
        %sub3A_373 = arith.subf %mul3A_370, %sub3A_372 : vector<16xf32>
        %mul3A_374 = arith.mulf %mul3A_371, %sub3A_373 : vector<16xf32>
        %le3A = vector.broadcast %squeeze3A_41 : f32 to vector<16xf32>
        %le3A_375 = arith.cmpf ole, %add3A_341, %le3A : vector<16xf32>
        %jit3A = arith.constant 0.000000e+00 : f32
        %broadcast_in_dim3A_376 = vector.broadcast %jit3A : f32 to vector<16xf32>
        %select_n3A_377 = arith.select %le3A_375, %mul3A_374, %broadcast_in_dim3A_376 : vector<16xi1>, vector<16xf32>
        %add3A_378 = arith.addf %scan3A_116, %select_n3A_377 : vector<16xf32>
        %add3A_379 = arith.constant 0 : i32
        %add3A_380 = arith.addi %add3A_119, %add3A_379 : i32
        %add3A_381 = arith.constant 16 : i32
        %add3A_382 = arith.addi %add3A_380, %add3A_381 : i32
        %get3A_383 = arith.index_cast %add3A_382 : i32 to index
        %get3A_384 = tpu.vector_load %arg10[%get3A_383] {strides = array<i32>} : memref<25600xf32, #tpu.memory_space<vmem>>, vector<16xf32>,
        %add3A_385 = arith.constant 64 : i32
        %add3A_386 = arith.addi %add3A_119, %add3A_385 : i32
        %add3A_387 = arith.constant 16 : i32
        %add3A_388 = arith.addi %add3A_386, %add3A_387 : i32
        %get3A_389 = arith.index_cast %add3A_388 : i32 to index
        %get3A_390 = tpu.vector_load %arg10[%get3A_389] {strides = array<i32>} : memref<25600xf32, #tpu.memory_space<vmem>>, vector<16xf32>,
        %add3A_391 = arith.constant 128 : i32
        %add3A_392 = arith.addi %add3A_119, %add3A_391 : i32
        %add3A_393 = arith.constant 16 : i32
        %add3A_394 = arith.addi %add3A_392, %add3A_393 : i32
        %get3A_395 = arith.index_cast %add3A_394 : i32 to index
        %get3A_396 = tpu.vector_load %arg10[%get3A_395] {strides = array<i32>} : memref<25600xf32, #tpu.memory_space<vmem>>, vector<16xf32>,
        %add3A_397 = arith.constant 192 : i32
        %add3A_398 = arith.addi %add3A_119, %add3A_397 : i32
        %add3A_399 = arith.constant 16 : i32
        %add3A_400 = arith.addi %add3A_398, %add3A_399 : i32
        %get3A_401 = arith.index_cast %add3A_400 : i32 to index
        %get3A_402 = tpu.vector_load %arg10[%get3A_401] {strides = array<i32>} : memref<25600xf32, #tpu.memory_space<vmem>>, vector<16xf32>,
        %add3A_403 = arith.constant 256 : i32
        %add3A_404 = arith.addi %add3A_119, %add3A_403 : i32
        %add3A_405 = arith.constant 16 : i32
        %add3A_406 = arith.addi %add3A_404, %add3A_405 : i32
        %get3A_407 = arith.index_cast %add3A_406 : i32 to index
        %get3A_408 = tpu.vector_load %arg10[%get3A_407] {strides = array<i32>} : memref<25600xf32, #tpu.memory_space<vmem>>, vector<16xf32>,
        %add3A_409 = arith.constant 320 : i32
        %add3A_410 = arith.addi %add3A_119, %add3A_409 : i32
        %add3A_411 = arith.constant 16 : i32
        %add3A_412 = arith.addi %add3A_410, %add3A_411 : i32
        %get3A_413 = arith.index_cast %add3A_412 : i32 to index
        %get3A_414 = tpu.vector_load %arg10[%get3A_413] {strides = array<i32>} : memref<25600xf32, #tpu.memory_space<vmem>>, vector<16xf32>,
        %add3A_415 = arith.constant 384 : i32
        %add3A_416 = arith.addi %add3A_119, %add3A_415 : i32
        %add3A_417 = arith.constant 16 : i32
        %add3A_418 = arith.addi %add3A_416, %add3A_417 : i32
        %get3A_419 = arith.index_cast %add3A_418 : i32 to index
        %get3A_420 = tpu.vector_load %arg10[%get3A_419] {strides = array<i32>} : memref<25600xf32, #tpu.memory_space<vmem>>, vector<16xf32>,
        %add3A_421 = arith.constant 448 : i32
        %add3A_422 = arith.addi %add3A_119, %add3A_421 : i32
        %add3A_423 = arith.constant 16 : i32
        %add3A_424 = arith.addi %add3A_422, %add3A_423 : i32
        %get3A_425 = arith.index_cast %add3A_424 : i32 to index
        %get3A_426 = tpu.vector_load %arg10[%get3A_425] {strides = array<i32>} : memref<25600xf32, #tpu.memory_space<vmem>>, vector<16xf32>,
        %sub3A_427 = arith.subf %get3A_384, %get3A_390 : vector<16xf32>
        %bitcast3A_428 = vector.bitcast %sub3A_427 : vector<16xf32> to vector<16xi32>
        %shift_right_logical3A_429 = arith.constant 16 : i32
        %shift_right_logical3A_430 = vector.broadcast %shift_right_logical3A_429 : i32 to vector<16xi32>
        %shift_right_logical3A_431 = arith.shrui %bitcast3A_428, %shift_right_logical3A_430 : vector<16xi32>
        %and3A_432 = arith.constant 1 : i32
        %and3A_433 = vector.broadcast %and3A_432 : i32 to vector<16xi32>
        %and3A_434 = arith.andi %shift_right_logical3A_431, %and3A_433 : vector<16xi32>
        %add3A_435 = arith.constant 32767 : i32
        %add3A_436 = vector.broadcast %add3A_435 : i32 to vector<16xi32>
        %add3A_437 = arith.addi %and3A_434, %add3A_436 : vector<16xi32>
        %add3A_438 = arith.addi %bitcast3A_428, %add3A_437 : vector<16xi32>
        %and3A_439 = arith.constant -65536 : i32
        %and3A_440 = vector.broadcast %and3A_439 : i32 to vector<16xi32>
        %and3A_441 = arith.andi %add3A_438, %and3A_440 : vector<16xi32>
        %bitcast3A_442 = vector.bitcast %and3A_441 : vector<16xi32> to vector<16xf32>
        %sub3A_443 = arith.subf %get3A_396, %get3A_402 : vector<16xf32>
        %bitcast3A_444 = vector.bitcast %sub3A_443 : vector<16xf32> to vector<16xi32>
        %shift_right_logical3A_445 = arith.constant 16 : i32
        %shift_right_logical3A_446 = vector.broadcast %shift_right_logical3A_445 : i32 to vector<16xi32>
        %shift_right_logical3A_447 = arith.shrui %bitcast3A_444, %shift_right_logical3A_446 : vector<16xi32>
        %and3A_448 = arith.constant 1 : i32
        %and3A_449 = vector.broadcast %and3A_448 : i32 to vector<16xi32>
        %and3A_450 = arith.andi %shift_right_logical3A_447, %and3A_449 : vector<16xi32>
        %add3A_451 = arith.constant 32767 : i32
        %add3A_452 = vector.broadcast %add3A_451 : i32 to vector<16xi32>
        %add3A_453 = arith.addi %and3A_450, %add3A_452 : vector<16xi32>
        %add3A_454 = arith.addi %bitcast3A_444, %add3A_453 : vector<16xi32>
        %and3A_455 = arith.constant -65536 : i32
        %and3A_456 = vector.broadcast %and3A_455 : i32 to vector<16xi32>
        %and3A_457 = arith.andi %add3A_454, %and3A_456 : vector<16xi32>
        %bitcast3A_458 = vector.bitcast %and3A_457 : vector<16xi32> to vector<16xf32>
        %sub3A_459 = arith.subf %get3A_408, %get3A_414 : vector<16xf32>
        %bitcast3A_460 = vector.bitcast %sub3A_459 : vector<16xf32> to vector<16xi32>
        %shift_right_logical3A_461 = arith.constant 16 : i32
        %shift_right_logical3A_462 = vector.broadcast %shift_right_logical3A_461 : i32 to vector<16xi32>
        %shift_right_logical3A_463 = arith.shrui %bitcast3A_460, %shift_right_logical3A_462 : vector<16xi32>
        %and3A_464 = arith.constant 1 : i32
        %and3A_465 = vector.broadcast %and3A_464 : i32 to vector<16xi32>
        %and3A_466 = arith.andi %shift_right_logical3A_463, %and3A_465 : vector<16xi32>
        %add3A_467 = arith.constant 32767 : i32
        %add3A_468 = vector.broadcast %add3A_467 : i32 to vector<16xi32>
        %add3A_469 = arith.addi %and3A_466, %add3A_468 : vector<16xi32>
        %add3A_470 = arith.addi %bitcast3A_460, %add3A_469 : vector<16xi32>
        %and3A_471 = arith.constant -65536 : i32
        %and3A_472 = vector.broadcast %and3A_471 : i32 to vector<16xi32>
        %and3A_473 = arith.andi %add3A_470, %and3A_472 : vector<16xi32>
        %bitcast3A_474 = vector.bitcast %and3A_473 : vector<16xi32> to vector<16xf32>
        %mul3A_475 = vector.broadcast %squeeze3A : f32 to vector<16xf32>
        %mul3A_476 = arith.mulf %bitcast3A_442, %mul3A_475 : vector<16xf32>
        %mul3A_477 = vector.broadcast %squeeze3A_11 : f32 to vector<16xf32>
        %mul3A_478 = arith.mulf %bitcast3A_458, %mul3A_477 : vector<16xf32>
        %add3A_479 = arith.addf %mul3A_476, %mul3A_478 : vector<16xf32>
        %mul3A_480 = vector.broadcast %squeeze3A_17 : f32 to vector<16xf32>
        %mul3A_481 = arith.mulf %bitcast3A_474, %mul3A_480 : vector<16xf32>
        %add3A_482 = arith.addf %add3A_479, %mul3A_481 : vector<16xf32>
        %mul3A_483 = vector.broadcast %squeeze3A_7 : f32 to vector<16xf32>
        %mul3A_484 = arith.mulf %bitcast3A_442, %mul3A_483 : vector<16xf32>
        %mul3A_485 = vector.broadcast %squeeze3A_13 : f32 to vector<16xf32>
        %mul3A_486 = arith.mulf %bitcast3A_458, %mul3A_485 : vector<16xf32>
        %add3A_487 = arith.addf %mul3A_484, %mul3A_486 : vector<16xf32>
        %mul3A_488 = vector.broadcast %squeeze3A_19 : f32 to vector<16xf32>
        %mul3A_489 = arith.mulf %bitcast3A_474, %mul3A_488 : vector<16xf32>
        %add3A_490 = arith.addf %add3A_487, %mul3A_489 : vector<16xf32>
        %mul3A_491 = vector.broadcast %squeeze3A_9 : f32 to vector<16xf32>
        %mul3A_492 = arith.mulf %bitcast3A_442, %mul3A_491 : vector<16xf32>
        %mul3A_493 = vector.broadcast %squeeze3A_15 : f32 to vector<16xf32>
        %mul3A_494 = arith.mulf %bitcast3A_458, %mul3A_493 : vector<16xf32>
        %add3A_495 = arith.addf %mul3A_492, %mul3A_494 : vector<16xf32>
        %mul3A_496 = vector.broadcast %squeeze3A_21 : f32 to vector<16xf32>
        %mul3A_497 = arith.mulf %bitcast3A_474, %mul3A_496 : vector<16xf32>
        %add3A_498 = arith.addf %add3A_495, %mul3A_497 : vector<16xf32>
        %add3A_499 = arith.constant 5.000000e-01 : f32
        %add3A_500 = vector.broadcast %add3A_499 : f32 to vector<16xf32>
        %add3A_501 = arith.addf %add3A_482, %add3A_500 : vector<16xf32>
        %add3A_502 = arith.constant 5.000000e-01 : f32
        %add3A_503 = vector.broadcast %add3A_502 : f32 to vector<16xf32>
        %add3A_504 = arith.addf %add3A_490, %add3A_503 : vector<16xf32>
        %add3A_505 = arith.constant 5.000000e-01 : f32
        %add3A_506 = vector.broadcast %add3A_505 : f32 to vector<16xf32>
        %add3A_507 = arith.addf %add3A_498, %add3A_506 : vector<16xf32>
        %convert_element_type3A_508 = arith.fptosi %add3A_501 : vector<16xf32> to vector<16xi32>
        %convert_element_type3A_509 = arith.sitofp %convert_element_type3A_508 : vector<16xi32> to vector<16xf32>
        %convert_element_type3A_510 = arith.fptosi %add3A_504 : vector<16xf32> to vector<16xi32>
        %convert_element_type3A_511 = arith.sitofp %convert_element_type3A_510 : vector<16xi32> to vector<16xf32>
        %convert_element_type3A_512 = arith.fptosi %add3A_507 : vector<16xf32> to vector<16xi32>
        %convert_element_type3A_513 = arith.sitofp %convert_element_type3A_512 : vector<16xi32> to vector<16xf32>
        %gt3A_514 = arith.cmpf ogt, %convert_element_type3A_509, %add3A_501 : vector<16xf32>
        %sub3A_515 = arith.constant 1.000000e+00 : f32
        %sub3A_516 = vector.broadcast %sub3A_515 : f32 to vector<16xf32>
        %sub3A_517 = arith.subf %convert_element_type3A_509, %sub3A_516 : vector<16xf32>
        %select_n3A_518 = arith.select %gt3A_514, %sub3A_517, %convert_element_type3A_509 : vector<16xi1>, vector<16xf32>
        %gt3A_519 = arith.cmpf ogt, %convert_element_type3A_511, %add3A_504 : vector<16xf32>
        %sub3A_520 = arith.constant 1.000000e+00 : f32
        %sub3A_521 = vector.broadcast %sub3A_520 : f32 to vector<16xf32>
        %sub3A_522 = arith.subf %convert_element_type3A_511, %sub3A_521 : vector<16xf32>
        %select_n3A_523 = arith.select %gt3A_519, %sub3A_522, %convert_element_type3A_511 : vector<16xi1>, vector<16xf32>
        %gt3A_524 = arith.cmpf ogt, %convert_element_type3A_513, %add3A_507 : vector<16xf32>
        %sub3A_525 = arith.constant 1.000000e+00 : f32
        %sub3A_526 = vector.broadcast %sub3A_525 : f32 to vector<16xf32>
        %sub3A_527 = arith.subf %convert_element_type3A_513, %sub3A_526 : vector<16xf32>
        %select_n3A_528 = arith.select %gt3A_524, %sub3A_527, %convert_element_type3A_513 : vector<16xi1>, vector<16xf32>
        %sub3A_529 = arith.subf %add3A_482, %select_n3A_518 : vector<16xf32>
        %bitcast3A_530 = vector.bitcast %sub3A_529 : vector<16xf32> to vector<16xi32>
        %shift_right_logical3A_531 = arith.constant 16 : i32
        %shift_right_logical3A_532 = vector.broadcast %shift_right_logical3A_531 : i32 to vector<16xi32>
        %shift_right_logical3A_533 = arith.shrui %bitcast3A_530, %shift_right_logical3A_532 : vector<16xi32>
        %and3A_534 = arith.constant 1 : i32
        %and3A_535 = vector.broadcast %and3A_534 : i32 to vector<16xi32>
        %and3A_536 = arith.andi %shift_right_logical3A_533, %and3A_535 : vector<16xi32>
        %add3A_537 = arith.constant 32767 : i32
        %add3A_538 = vector.broadcast %add3A_537 : i32 to vector<16xi32>
        %add3A_539 = arith.addi %and3A_536, %add3A_538 : vector<16xi32>
        %add3A_540 = arith.addi %bitcast3A_530, %add3A_539 : vector<16xi32>
        %and3A_541 = arith.constant -65536 : i32
        %and3A_542 = vector.broadcast %and3A_541 : i32 to vector<16xi32>
        %and3A_543 = arith.andi %add3A_540, %and3A_542 : vector<16xi32>
        %bitcast3A_544 = vector.bitcast %and3A_543 : vector<16xi32> to vector<16xf32>
        %sub3A_545 = arith.subf %add3A_490, %select_n3A_523 : vector<16xf32>
        %bitcast3A_546 = vector.bitcast %sub3A_545 : vector<16xf32> to vector<16xi32>
        %shift_right_logical3A_547 = arith.constant 16 : i32
        %shift_right_logical3A_548 = vector.broadcast %shift_right_logical3A_547 : i32 to vector<16xi32>
        %shift_right_logical3A_549 = arith.shrui %bitcast3A_546, %shift_right_logical3A_548 : vector<16xi32>
        %and3A_550 = arith.constant 1 : i32
        %and3A_551 = vector.broadcast %and3A_550 : i32 to vector<16xi32>
        %and3A_552 = arith.andi %shift_right_logical3A_549, %and3A_551 : vector<16xi32>
        %add3A_553 = arith.constant 32767 : i32
        %add3A_554 = vector.broadcast %add3A_553 : i32 to vector<16xi32>
        %add3A_555 = arith.addi %and3A_552, %add3A_554 : vector<16xi32>
        %add3A_556 = arith.addi %bitcast3A_546, %add3A_555 : vector<16xi32>
        %and3A_557 = arith.constant -65536 : i32
        %and3A_558 = vector.broadcast %and3A_557 : i32 to vector<16xi32>
        %and3A_559 = arith.andi %add3A_556, %and3A_558 : vector<16xi32>
        %bitcast3A_560 = vector.bitcast %and3A_559 : vector<16xi32> to vector<16xf32>
        %sub3A_561 = arith.subf %add3A_498, %select_n3A_528 : vector<16xf32>
        %bitcast3A_562 = vector.bitcast %sub3A_561 : vector<16xf32> to vector<16xi32>
        %shift_right_logical3A_563 = arith.constant 16 : i32
        %shift_right_logical3A_564 = vector.broadcast %shift_right_logical3A_563 : i32 to vector<16xi32>
        %shift_right_logical3A_565 = arith.shrui %bitcast3A_562, %shift_right_logical3A_564 : vector<16xi32>
        %and3A_566 = arith.constant 1 : i32
        %and3A_567 = vector.broadcast %and3A_566 : i32 to vector<16xi32>
        %and3A_568 = arith.andi %shift_right_logical3A_565, %and3A_567 : vector<16xi32>
        %add3A_569 = arith.constant 32767 : i32
        %add3A_570 = vector.broadcast %add3A_569 : i32 to vector<16xi32>
        %add3A_571 = arith.addi %and3A_568, %add3A_570 : vector<16xi32>
        %add3A_572 = arith.addi %bitcast3A_562, %add3A_571 : vector<16xi32>
        %and3A_573 = arith.constant -65536 : i32
        %and3A_574 = vector.broadcast %and3A_573 : i32 to vector<16xi32>
        %and3A_575 = arith.andi %add3A_572, %and3A_574 : vector<16xi32>
        %bitcast3A_576 = vector.bitcast %and3A_575 : vector<16xi32> to vector<16xf32>
        %mul3A_577 = vector.broadcast %squeeze3A_23 : f32 to vector<16xf32>
        %mul3A_578 = arith.mulf %bitcast3A_544, %mul3A_577 : vector<16xf32>
        %mul3A_579 = vector.broadcast %squeeze3A_29 : f32 to vector<16xf32>
        %mul3A_580 = arith.mulf %bitcast3A_560, %mul3A_579 : vector<16xf32>
        %add3A_581 = arith.addf %mul3A_578, %mul3A_580 : vector<16xf32>
        %mul3A_582 = vector.broadcast %squeeze3A_35 : f32 to vector<16xf32>
        %mul3A_583 = arith.mulf %bitcast3A_576, %mul3A_582 : vector<16xf32>
        %add3A_584 = arith.addf %add3A_581, %mul3A_583 : vector<16xf32>
        %mul3A_585 = vector.broadcast %squeeze3A_25 : f32 to vector<16xf32>
        %mul3A_586 = arith.mulf %bitcast3A_544, %mul3A_585 : vector<16xf32>
        %mul3A_587 = vector.broadcast %squeeze3A_31 : f32 to vector<16xf32>
        %mul3A_588 = arith.mulf %bitcast3A_560, %mul3A_587 : vector<16xf32>
        %add3A_589 = arith.addf %mul3A_586, %mul3A_588 : vector<16xf32>
        %mul3A_590 = vector.broadcast %squeeze3A_37 : f32 to vector<16xf32>
        %mul3A_591 = arith.mulf %bitcast3A_576, %mul3A_590 : vector<16xf32>
        %add3A_592 = arith.addf %add3A_589, %mul3A_591 : vector<16xf32>
        %mul3A_593 = vector.broadcast %squeeze3A_27 : f32 to vector<16xf32>
        %mul3A_594 = arith.mulf %bitcast3A_544, %mul3A_593 : vector<16xf32>
        %mul3A_595 = vector.broadcast %squeeze3A_33 : f32 to vector<16xf32>
        %mul3A_596 = arith.mulf %bitcast3A_560, %mul3A_595 : vector<16xf32>
        %add3A_597 = arith.addf %mul3A_594, %mul3A_596 : vector<16xf32>
        %mul3A_598 = vector.broadcast %squeeze3A_39 : f32 to vector<16xf32>
        %mul3A_599 = arith.mulf %bitcast3A_576, %mul3A_598 : vector<16xf32>
        %add3A_600 = arith.addf %add3A_597, %mul3A_599 : vector<16xf32>
        %mul3A_601 = arith.mulf %add3A_584, %add3A_584 : vector<16xf32>
        %mul3A_602 = arith.mulf %add3A_592, %add3A_592 : vector<16xf32>
        %add3A_603 = arith.addf %mul3A_601, %mul3A_602 : vector<16xf32>
        %mul3A_604 = arith.mulf %add3A_600, %add3A_600 : vector<16xf32>
        %add3A_605 = arith.addf %add3A_603, %mul3A_604 : vector<16xf32>
        %bitcast3A_606 = vector.bitcast %add3A_605 : vector<16xf32> to vector<16xi32>
        %shift_right_logical3A_607 = arith.constant 1 : i32
        %shift_right_logical3A_608 = vector.broadcast %shift_right_logical3A_607 : i32 to vector<16xi32>
        %shift_right_logical3A_609 = arith.shrui %bitcast3A_606, %shift_right_logical3A_608 : vector<16xi32>
        %sub3A_610 = arith.constant 1597463007 : i32
        %sub3A_611 = vector.broadcast %sub3A_610 : i32 to vector<16xi32>
        %sub3A_612 = arith.subi %sub3A_611, %shift_right_logical3A_609 : vector<16xi32>
        %bitcast3A_613 = vector.bitcast %sub3A_612 : vector<16xi32> to vector<16xf32>
        %mul3A_614 = arith.constant 5.000000e-01 : f32
        %mul3A_615 = vector.broadcast %mul3A_614 : f32 to vector<16xf32>
        %mul3A_616 = arith.mulf %mul3A_615, %add3A_605 : vector<16xf32>
        %mul3A_617 = arith.mulf %mul3A_616, %bitcast3A_613 : vector<16xf32>
        %mul3A_618 = arith.mulf %mul3A_617, %bitcast3A_613 : vector<16xf32>
        %sub3A_619 = arith.constant 1.500000e+00 : f32
        %sub3A_620 = vector.broadcast %sub3A_619 : f32 to vector<16xf32>
        %sub3A_621 = arith.subf %sub3A_620, %mul3A_618 : vector<16xf32>
        %mul3A_622 = arith.mulf %bitcast3A_613, %sub3A_621 : vector<16xf32>
        %mul3A_623 = arith.mulf %mul3A_616, %mul3A_622 : vector<16xf32>
        %mul3A_624 = arith.mulf %mul3A_623, %mul3A_622 : vector<16xf32>
        %sub3A_625 = arith.constant 1.500000e+00 : f32
        %sub3A_626 = vector.broadcast %sub3A_625 : f32 to vector<16xf32>
        %sub3A_627 = arith.subf %sub3A_626, %mul3A_624 : vector<16xf32>
        %mul3A_628 = arith.mulf %mul3A_622, %sub3A_627 : vector<16xf32>
        %mul3A_629 = arith.mulf %mul3A_616, %mul3A_628 : vector<16xf32>
        %mul3A_630 = arith.mulf %mul3A_629, %mul3A_628 : vector<16xf32>
        %sub3A_631 = arith.constant 1.500000e+00 : f32
        %sub3A_632 = vector.broadcast %sub3A_631 : f32 to vector<16xf32>
        %sub3A_633 = arith.subf %sub3A_632, %mul3A_630 : vector<16xf32>
        %mul3A_634 = arith.mulf %mul3A_628, %sub3A_633 : vector<16xf32>
        %mul3A_635 = arith.mulf %get3A_420, %get3A_426 : vector<16xf32>
        %sub3A_636 = vector.broadcast %squeeze3A_43 : f32 to vector<16xf32>
        %sub3A_637 = arith.subf %mul3A_634, %sub3A_636 : vector<16xf32>
        %mul3A_638 = arith.mulf %mul3A_635, %sub3A_637 : vector<16xf32>
        %le3A_639 = vector.broadcast %squeeze3A_41 : f32 to vector<16xf32>
        %le3A_640 = arith.cmpf ole, %add3A_605, %le3A_639 : vector<16xf32>
        %jit3A_641 = arith.constant 0.000000e+00 : f32
        %broadcast_in_dim3A_642 = vector.broadcast %jit3A_641 : f32 to vector<16xf32>
        %select_n3A_643 = arith.select %le3A_640, %mul3A_638, %broadcast_in_dim3A_642 : vector<16xi1>, vector<16xf32>
        %add3A_644 = arith.addf %add3A_378, %select_n3A_643 : vector<16xf32>
        %add3A_645 = arith.constant 0 : i32
        %add3A_646 = arith.addi %add3A_119, %add3A_645 : i32
        %add3A_647 = arith.constant 32 : i32
        %add3A_648 = arith.addi %add3A_646, %add3A_647 : i32
        %get3A_649 = arith.index_cast %add3A_648 : i32 to index
        %get3A_650 = tpu.vector_load %arg10[%get3A_649] {strides = array<i32>} : memref<25600xf32, #tpu.memory_space<vmem>>, vector<16xf32>,
        %add3A_651 = arith.constant 64 : i32
        %add3A_652 = arith.addi %add3A_119, %add3A_651 : i32
        %add3A_653 = arith.constant 32 : i32
        %add3A_654 = arith.addi %add3A_652, %add3A_653 : i32
        %get3A_655 = arith.index_cast %add3A_654 : i32 to index
        %get3A_656 = tpu.vector_load %arg10[%get3A_655] {strides = array<i32>} : memref<25600xf32, #tpu.memory_space<vmem>>, vector<16xf32>,
        %add3A_657 = arith.constant 128 : i32
        %add3A_658 = arith.addi %add3A_119, %add3A_657 : i32
        %add3A_659 = arith.constant 32 : i32
        %add3A_660 = arith.addi %add3A_658, %add3A_659 : i32
        %get3A_661 = arith.index_cast %add3A_660 : i32 to index
        %get3A_662 = tpu.vector_load %arg10[%get3A_661] {strides = array<i32>} : memref<25600xf32, #tpu.memory_space<vmem>>, vector<16xf32>,
        %add3A_663 = arith.constant 192 : i32
        %add3A_664 = arith.addi %add3A_119, %add3A_663 : i32
        %add3A_665 = arith.constant 32 : i32
        %add3A_666 = arith.addi %add3A_664, %add3A_665 : i32
        %get3A_667 = arith.index_cast %add3A_666 : i32 to index
        %get3A_668 = tpu.vector_load %arg10[%get3A_667] {strides = array<i32>} : memref<25600xf32, #tpu.memory_space<vmem>>, vector<16xf32>,
        %add3A_669 = arith.constant 256 : i32
        %add3A_670 = arith.addi %add3A_119, %add3A_669 : i32
        %add3A_671 = arith.constant 32 : i32
        %add3A_672 = arith.addi %add3A_670, %add3A_671 : i32
        %get3A_673 = arith.index_cast %add3A_672 : i32 to index
        %get3A_674 = tpu.vector_load %arg10[%get3A_673] {strides = array<i32>} : memref<25600xf32, #tpu.memory_space<vmem>>, vector<16xf32>,
        %add3A_675 = arith.constant 320 : i32
        %add3A_676 = arith.addi %add3A_119, %add3A_675 : i32
        %add3A_677 = arith.constant 32 : i32
        %add3A_678 = arith.addi %add3A_676, %add3A_677 : i32
        %get3A_679 = arith.index_cast %add3A_678 : i32 to index
        %get3A_680 = tpu.vector_load %arg10[%get3A_679] {strides = array<i32>} : memref<25600xf32, #tpu.memory_space<vmem>>, vector<16xf32>,
        %add3A_681 = arith.constant 384 : i32
        %add3A_682 = arith.addi %add3A_119, %add3A_681 : i32
        %add3A_683 = arith.constant 32 : i32
        %add3A_684 = arith.addi %add3A_682, %add3A_683 : i32
        %get3A_685 = arith.index_cast %add3A_684 : i32 to index
        %get3A_686 = tpu.vector_load %arg10[%get3A_685] {strides = array<i32>} : memref<25600xf32, #tpu.memory_space<vmem>>, vector<16xf32>,
        %add3A_687 = arith.constant 448 : i32
        %add3A_688 = arith.addi %add3A_119, %add3A_687 : i32
        %add3A_689 = arith.constant 32 : i32
        %add3A_690 = arith.addi %add3A_688, %add3A_689 : i32
        %get3A_691 = arith.index_cast %add3A_690 : i32 to index
        %get3A_692 = tpu.vector_load %arg10[%get3A_691] {strides = array<i32>} : memref<25600xf32, #tpu.memory_space<vmem>>, vector<16xf32>,
        %sub3A_693 = arith.subf %get3A_650, %get3A_656 : vector<16xf32>
        %bitcast3A_694 = vector.bitcast %sub3A_693 : vector<16xf32> to vector<16xi32>
        %shift_right_logical3A_695 = arith.constant 16 : i32
        %shift_right_logical3A_696 = vector.broadcast %shift_right_logical3A_695 : i32 to vector<16xi32>
        %shift_right_logical3A_697 = arith.shrui %bitcast3A_694, %shift_right_logical3A_696 : vector<16xi32>
        %and3A_698 = arith.constant 1 : i32
        %and3A_699 = vector.broadcast %and3A_698 : i32 to vector<16xi32>
        %and3A_700 = arith.andi %shift_right_logical3A_697, %and3A_699 : vector<16xi32>
        %add3A_701 = arith.constant 32767 : i32
        %add3A_702 = vector.broadcast %add3A_701 : i32 to vector<16xi32>
        %add3A_703 = arith.addi %and3A_700, %add3A_702 : vector<16xi32>
        %add3A_704 = arith.addi %bitcast3A_694, %add3A_703 : vector<16xi32>
        %and3A_705 = arith.constant -65536 : i32
        %and3A_706 = vector.broadcast %and3A_705 : i32 to vector<16xi32>
        %and3A_707 = arith.andi %add3A_704, %and3A_706 : vector<16xi32>
        %bitcast3A_708 = vector.bitcast %and3A_707 : vector<16xi32> to vector<16xf32>
        %sub3A_709 = arith.subf %get3A_662, %get3A_668 : vector<16xf32>
        %bitcast3A_710 = vector.bitcast %sub3A_709 : vector<16xf32> to vector<16xi32>
        %shift_right_logical3A_711 = arith.constant 16 : i32
        %shift_right_logical3A_712 = vector.broadcast %shift_right_logical3A_711 : i32 to vector<16xi32>
        %shift_right_logical3A_713 = arith.shrui %bitcast3A_710, %shift_right_logical3A_712 : vector<16xi32>
        %and3A_714 = arith.constant 1 : i32
        %and3A_715 = vector.broadcast %and3A_714 : i32 to vector<16xi32>
        %and3A_716 = arith.andi %shift_right_logical3A_713, %and3A_715 : vector<16xi32>
        %add3A_717 = arith.constant 32767 : i32
        %add3A_718 = vector.broadcast %add3A_717 : i32 to vector<16xi32>
        %add3A_719 = arith.addi %and3A_716, %add3A_718 : vector<16xi32>
        %add3A_720 = arith.addi %bitcast3A_710, %add3A_719 : vector<16xi32>
        %and3A_721 = arith.constant -65536 : i32
        %and3A_722 = vector.broadcast %and3A_721 : i32 to vector<16xi32>
        %and3A_723 = arith.andi %add3A_720, %and3A_722 : vector<16xi32>
        %bitcast3A_724 = vector.bitcast %and3A_723 : vector<16xi32> to vector<16xf32>
        %sub3A_725 = arith.subf %get3A_674, %get3A_680 : vector<16xf32>
        %bitcast3A_726 = vector.bitcast %sub3A_725 : vector<16xf32> to vector<16xi32>
        %shift_right_logical3A_727 = arith.constant 16 : i32
        %shift_right_logical3A_728 = vector.broadcast %shift_right_logical3A_727 : i32 to vector<16xi32>
        %shift_right_logical3A_729 = arith.shrui %bitcast3A_726, %shift_right_logical3A_728 : vector<16xi32>
        %and3A_730 = arith.constant 1 : i32
        %and3A_731 = vector.broadcast %and3A_730 : i32 to vector<16xi32>
        %and3A_732 = arith.andi %shift_right_logical3A_729, %and3A_731 : vector<16xi32>
        %add3A_733 = arith.constant 32767 : i32
        %add3A_734 = vector.broadcast %add3A_733 : i32 to vector<16xi32>
        %add3A_735 = arith.addi %and3A_732, %add3A_734 : vector<16xi32>
        %add3A_736 = arith.addi %bitcast3A_726, %add3A_735 : vector<16xi32>
        %and3A_737 = arith.constant -65536 : i32
        %and3A_738 = vector.broadcast %and3A_737 : i32 to vector<16xi32>
        %and3A_739 = arith.andi %add3A_736, %and3A_738 : vector<16xi32>
        %bitcast3A_740 = vector.bitcast %and3A_739 : vector<16xi32> to vector<16xf32>
        %mul3A_741 = vector.broadcast %squeeze3A : f32 to vector<16xf32>
        %mul3A_742 = arith.mulf %bitcast3A_708, %mul3A_741 : vector<16xf32>
        %mul3A_743 = vector.broadcast %squeeze3A_11 : f32 to vector<16xf32>
        %mul3A_744 = arith.mulf %bitcast3A_724, %mul3A_743 : vector<16xf32>
        %add3A_745 = arith.addf %mul3A_742, %mul3A_744 : vector<16xf32>
        %mul3A_746 = vector.broadcast %squeeze3A_17 : f32 to vector<16xf32>
        %mul3A_747 = arith.mulf %bitcast3A_740, %mul3A_746 : vector<16xf32>
        %add3A_748 = arith.addf %add3A_745, %mul3A_747 : vector<16xf32>
        %mul3A_749 = vector.broadcast %squeeze3A_7 : f32 to vector<16xf32>
        %mul3A_750 = arith.mulf %bitcast3A_708, %mul3A_749 : vector<16xf32>
        %mul3A_751 = vector.broadcast %squeeze3A_13 : f32 to vector<16xf32>
        %mul3A_752 = arith.mulf %bitcast3A_724, %mul3A_751 : vector<16xf32>
        %add3A_753 = arith.addf %mul3A_750, %mul3A_752 : vector<16xf32>
        %mul3A_754 = vector.broadcast %squeeze3A_19 : f32 to vector<16xf32>
        %mul3A_755 = arith.mulf %bitcast3A_740, %mul3A_754 : vector<16xf32>
        %add3A_756 = arith.addf %add3A_753, %mul3A_755 : vector<16xf32>
        %mul3A_757 = vector.broadcast %squeeze3A_9 : f32 to vector<16xf32>
        %mul3A_758 = arith.mulf %bitcast3A_708, %mul3A_757 : vector<16xf32>
        %mul3A_759 = vector.broadcast %squeeze3A_15 : f32 to vector<16xf32>
        %mul3A_760 = arith.mulf %bitcast3A_724, %mul3A_759 : vector<16xf32>
        %add3A_761 = arith.addf %mul3A_758, %mul3A_760 : vector<16xf32>
        %mul3A_762 = vector.broadcast %squeeze3A_21 : f32 to vector<16xf32>
        %mul3A_763 = arith.mulf %bitcast3A_740, %mul3A_762 : vector<16xf32>
        %add3A_764 = arith.addf %add3A_761, %mul3A_763 : vector<16xf32>
        %add3A_765 = arith.constant 5.000000e-01 : f32
        %add3A_766 = vector.broadcast %add3A_765 : f32 to vector<16xf32>
        %add3A_767 = arith.addf %add3A_748, %add3A_766 : vector<16xf32>
        %add3A_768 = arith.constant 5.000000e-01 : f32
        %add3A_769 = vector.broadcast %add3A_768 : f32 to vector<16xf32>
        %add3A_770 = arith.addf %add3A_756, %add3A_769 : vector<16xf32>
        %add3A_771 = arith.constant 5.000000e-01 : f32
        %add3A_772 = vector.broadcast %add3A_771 : f32 to vector<16xf32>
        %add3A_773 = arith.addf %add3A_764, %add3A_772 : vector<16xf32>
        %convert_element_type3A_774 = arith.fptosi %add3A_767 : vector<16xf32> to vector<16xi32>
        %convert_element_type3A_775 = arith.sitofp %convert_element_type3A_774 : vector<16xi32> to vector<16xf32>
        %convert_element_type3A_776 = arith.fptosi %add3A_770 : vector<16xf32> to vector<16xi32>
        %convert_element_type3A_777 = arith.sitofp %convert_element_type3A_776 : vector<16xi32> to vector<16xf32>
        %convert_element_type3A_778 = arith.fptosi %add3A_773 : vector<16xf32> to vector<16xi32>
        %convert_element_type3A_779 = arith.sitofp %convert_element_type3A_778 : vector<16xi32> to vector<16xf32>
        %gt3A_780 = arith.cmpf ogt, %convert_element_type3A_775, %add3A_767 : vector<16xf32>
        %sub3A_781 = arith.constant 1.000000e+00 : f32
        %sub3A_782 = vector.broadcast %sub3A_781 : f32 to vector<16xf32>
        %sub3A_783 = arith.subf %convert_element_type3A_775, %sub3A_782 : vector<16xf32>
        %select_n3A_784 = arith.select %gt3A_780, %sub3A_783, %convert_element_type3A_775 : vector<16xi1>, vector<16xf32>
        %gt3A_785 = arith.cmpf ogt, %convert_element_type3A_777, %add3A_770 : vector<16xf32>
        %sub3A_786 = arith.constant 1.000000e+00 : f32
        %sub3A_787 = vector.broadcast %sub3A_786 : f32 to vector<16xf32>
        %sub3A_788 = arith.subf %convert_element_type3A_777, %sub3A_787 : vector<16xf32>
        %select_n3A_789 = arith.select %gt3A_785, %sub3A_788, %convert_element_type3A_777 : vector<16xi1>, vector<16xf32>
        %gt3A_790 = arith.cmpf ogt, %convert_element_type3A_779, %add3A_773 : vector<16xf32>
        %sub3A_791 = arith.constant 1.000000e+00 : f32
        %sub3A_792 = vector.broadcast %sub3A_791 : f32 to vector<16xf32>
        %sub3A_793 = arith.subf %convert_element_type3A_779, %sub3A_792 : vector<16xf32>
        %select_n3A_794 = arith.select %gt3A_790, %sub3A_793, %convert_element_type3A_779 : vector<16xi1>, vector<16xf32>
        %sub3A_795 = arith.subf %add3A_748, %select_n3A_784 : vector<16xf32>
        %bitcast3A_796 = vector.bitcast %sub3A_795 : vector<16xf32> to vector<16xi32>
        %shift_right_logical3A_797 = arith.constant 16 : i32
        %shift_right_logical3A_798 = vector.broadcast %shift_right_logical3A_797 : i32 to vector<16xi32>
        %shift_right_logical3A_799 = arith.shrui %bitcast3A_796, %shift_right_logical3A_798 : vector<16xi32>
        %and3A_800 = arith.constant 1 : i32
        %and3A_801 = vector.broadcast %and3A_800 : i32 to vector<16xi32>
        %and3A_802 = arith.andi %shift_right_logical3A_799, %and3A_801 : vector<16xi32>
        %add3A_803 = arith.constant 32767 : i32
        %add3A_804 = vector.broadcast %add3A_803 : i32 to vector<16xi32>
        %add3A_805 = arith.addi %and3A_802, %add3A_804 : vector<16xi32>
        %add3A_806 = arith.addi %bitcast3A_796, %add3A_805 : vector<16xi32>
        %and3A_807 = arith.constant -65536 : i32
        %and3A_808 = vector.broadcast %and3A_807 : i32 to vector<16xi32>
        %and3A_809 = arith.andi %add3A_806, %and3A_808 : vector<16xi32>
        %bitcast3A_810 = vector.bitcast %and3A_809 : vector<16xi32> to vector<16xf32>
        %sub3A_811 = arith.subf %add3A_756, %select_n3A_789 : vector<16xf32>
        %bitcast3A_812 = vector.bitcast %sub3A_811 : vector<16xf32> to vector<16xi32>
        %shift_right_logical3A_813 = arith.constant 16 : i32
        %shift_right_logical3A_814 = vector.broadcast %shift_right_logical3A_813 : i32 to vector<16xi32>
        %shift_right_logical3A_815 = arith.shrui %bitcast3A_812, %shift_right_logical3A_814 : vector<16xi32>
        %and3A_816 = arith.constant 1 : i32
        %and3A_817 = vector.broadcast %and3A_816 : i32 to vector<16xi32>
        %and3A_818 = arith.andi %shift_right_logical3A_815, %and3A_817 : vector<16xi32>
        %add3A_819 = arith.constant 32767 : i32
        %add3A_820 = vector.broadcast %add3A_819 : i32 to vector<16xi32>
        %add3A_821 = arith.addi %and3A_818, %add3A_820 : vector<16xi32>
        %add3A_822 = arith.addi %bitcast3A_812, %add3A_821 : vector<16xi32>
        %and3A_823 = arith.constant -65536 : i32
        %and3A_824 = vector.broadcast %and3A_823 : i32 to vector<16xi32>
        %and3A_825 = arith.andi %add3A_822, %and3A_824 : vector<16xi32>
        %bitcast3A_826 = vector.bitcast %and3A_825 : vector<16xi32> to vector<16xf32>
        %sub3A_827 = arith.subf %add3A_764, %select_n3A_794 : vector<16xf32>
        %bitcast3A_828 = vector.bitcast %sub3A_827 : vector<16xf32> to vector<16xi32>
        %shift_right_logical3A_829 = arith.constant 16 : i32
        %shift_right_logical3A_830 = vector.broadcast %shift_right_logical3A_829 : i32 to vector<16xi32>
        %shift_right_logical3A_831 = arith.shrui %bitcast3A_828, %shift_right_logical3A_830 : vector<16xi32>
        %and3A_832 = arith.constant 1 : i32
        %and3A_833 = vector.broadcast %and3A_832 : i32 to vector<16xi32>
        %and3A_834 = arith.andi %shift_right_logical3A_831, %and3A_833 : vector<16xi32>
        %add3A_835 = arith.constant 32767 : i32
        %add3A_836 = vector.broadcast %add3A_835 : i32 to vector<16xi32>
        %add3A_837 = arith.addi %and3A_834, %add3A_836 : vector<16xi32>
        %add3A_838 = arith.addi %bitcast3A_828, %add3A_837 : vector<16xi32>
        %and3A_839 = arith.constant -65536 : i32
        %and3A_840 = vector.broadcast %and3A_839 : i32 to vector<16xi32>
        %and3A_841 = arith.andi %add3A_838, %and3A_840 : vector<16xi32>
        %bitcast3A_842 = vector.bitcast %and3A_841 : vector<16xi32> to vector<16xf32>
        %mul3A_843 = vector.broadcast %squeeze3A_23 : f32 to vector<16xf32>
        %mul3A_844 = arith.mulf %bitcast3A_810, %mul3A_843 : vector<16xf32>
        %mul3A_845 = vector.broadcast %squeeze3A_29 : f32 to vector<16xf32>
        %mul3A_846 = arith.mulf %bitcast3A_826, %mul3A_845 : vector<16xf32>
        %add3A_847 = arith.addf %mul3A_844, %mul3A_846 : vector<16xf32>
        %mul3A_848 = vector.broadcast %squeeze3A_35 : f32 to vector<16xf32>
        %mul3A_849 = arith.mulf %bitcast3A_842, %mul3A_848 : vector<16xf32>
        %add3A_850 = arith.addf %add3A_847, %mul3A_849 : vector<16xf32>
        %mul3A_851 = vector.broadcast %squeeze3A_25 : f32 to vector<16xf32>
        %mul3A_852 = arith.mulf %bitcast3A_810, %mul3A_851 : vector<16xf32>
        %mul3A_853 = vector.broadcast %squeeze3A_31 : f32 to vector<16xf32>
        %mul3A_854 = arith.mulf %bitcast3A_826, %mul3A_853 : vector<16xf32>
        %add3A_855 = arith.addf %mul3A_852, %mul3A_854 : vector<16xf32>
        %mul3A_856 = vector.broadcast %squeeze3A_37 : f32 to vector<16xf32>
        %mul3A_857 = arith.mulf %bitcast3A_842, %mul3A_856 : vector<16xf32>
        %add3A_858 = arith.addf %add3A_855, %mul3A_857 : vector<16xf32>
        %mul3A_859 = vector.broadcast %squeeze3A_27 : f32 to vector<16xf32>
        %mul3A_860 = arith.mulf %bitcast3A_810, %mul3A_859 : vector<16xf32>
        %mul3A_861 = vector.broadcast %squeeze3A_33 : f32 to vector<16xf32>
        %mul3A_862 = arith.mulf %bitcast3A_826, %mul3A_861 : vector<16xf32>
        %add3A_863 = arith.addf %mul3A_860, %mul3A_862 : vector<16xf32>
        %mul3A_864 = vector.broadcast %squeeze3A_39 : f32 to vector<16xf32>
        %mul3A_865 = arith.mulf %bitcast3A_842, %mul3A_864 : vector<16xf32>
        %add3A_866 = arith.addf %add3A_863, %mul3A_865 : vector<16xf32>
        %mul3A_867 = arith.mulf %add3A_850, %add3A_850 : vector<16xf32>
        %mul3A_868 = arith.mulf %add3A_858, %add3A_858 : vector<16xf32>
        %add3A_869 = arith.addf %mul3A_867, %mul3A_868 : vector<16xf32>
        %mul3A_870 = arith.mulf %add3A_866, %add3A_866 : vector<16xf32>
        %add3A_871 = arith.addf %add3A_869, %mul3A_870 : vector<16xf32>
        %bitcast3A_872 = vector.bitcast %add3A_871 : vector<16xf32> to vector<16xi32>
        %shift_right_logical3A_873 = arith.constant 1 : i32
        %shift_right_logical3A_874 = vector.broadcast %shift_right_logical3A_873 : i32 to vector<16xi32>
        %shift_right_logical3A_875 = arith.shrui %bitcast3A_872, %shift_right_logical3A_874 : vector<16xi32>
        %sub3A_876 = arith.constant 1597463007 : i32
        %sub3A_877 = vector.broadcast %sub3A_876 : i32 to vector<16xi32>
        %sub3A_878 = arith.subi %sub3A_877, %shift_right_logical3A_875 : vector<16xi32>
        %bitcast3A_879 = vector.bitcast %sub3A_878 : vector<16xi32> to vector<16xf32>
        %mul3A_880 = arith.constant 5.000000e-01 : f32
        %mul3A_881 = vector.broadcast %mul3A_880 : f32 to vector<16xf32>
        %mul3A_882 = arith.mulf %mul3A_881, %add3A_871 : vector<16xf32>
        %mul3A_883 = arith.mulf %mul3A_882, %bitcast3A_879 : vector<16xf32>
        %mul3A_884 = arith.mulf %mul3A_883, %bitcast3A_879 : vector<16xf32>
        %sub3A_885 = arith.constant 1.500000e+00 : f32
        %sub3A_886 = vector.broadcast %sub3A_885 : f32 to vector<16xf32>
        %sub3A_887 = arith.subf %sub3A_886, %mul3A_884 : vector<16xf32>
        %mul3A_888 = arith.mulf %bitcast3A_879, %sub3A_887 : vector<16xf32>
        %mul3A_889 = arith.mulf %mul3A_882, %mul3A_888 : vector<16xf32>
        %mul3A_890 = arith.mulf %mul3A_889, %mul3A_888 : vector<16xf32>
        %sub3A_891 = arith.constant 1.500000e+00 : f32
        %sub3A_892 = vector.broadcast %sub3A_891 : f32 to vector<16xf32>
        %sub3A_893 = arith.subf %sub3A_892, %mul3A_890 : vector<16xf32>
        %mul3A_894 = arith.mulf %mul3A_888, %sub3A_893 : vector<16xf32>
        %mul3A_895 = arith.mulf %mul3A_882, %mul3A_894 : vector<16xf32>
        %mul3A_896 = arith.mulf %mul3A_895, %mul3A_894 : vector<16xf32>
        %sub3A_897 = arith.constant 1.500000e+00 : f32
        %sub3A_898 = vector.broadcast %sub3A_897 : f32 to vector<16xf32>
        %sub3A_899 = arith.subf %sub3A_898, %mul3A_896 : vector<16xf32>
        %mul3A_900 = arith.mulf %mul3A_894, %sub3A_899 : vector<16xf32>
        %mul3A_901 = arith.mulf %get3A_686, %get3A_692 : vector<16xf32>
        %sub3A_902 = vector.broadcast %squeeze3A_43 : f32 to vector<16xf32>
        %sub3A_903 = arith.subf %mul3A_900, %sub3A_902 : vector<16xf32>
        %mul3A_904 = arith.mulf %mul3A_901, %sub3A_903 : vector<16xf32>
        %le3A_905 = vector.broadcast %squeeze3A_41 : f32 to vector<16xf32>
        %le3A_906 = arith.cmpf ole, %add3A_871, %le3A_905 : vector<16xf32>
        %jit3A_907 = arith.constant 0.000000e+00 : f32
        %broadcast_in_dim3A_908 = vector.broadcast %jit3A_907 : f32 to vector<16xf32>
        %select_n3A_909 = arith.select %le3A_906, %mul3A_904, %broadcast_in_dim3A_908 : vector<16xi1>, vector<16xf32>
        %add3A_910 = arith.addf %add3A_644, %select_n3A_909 : vector<16xf32>
        %add3A_911 = arith.constant 0 : i32
        %add3A_912 = arith.addi %add3A_119, %add3A_911 : i32
        %add3A_913 = arith.constant 48 : i32
        %add3A_914 = arith.addi %add3A_912, %add3A_913 : i32
        %get3A_915 = arith.index_cast %add3A_914 : i32 to index
        %get3A_916 = tpu.vector_load %arg10[%get3A_915] {strides = array<i32>} : memref<25600xf32, #tpu.memory_space<vmem>>, vector<16xf32>,
        %add3A_917 = arith.constant 64 : i32
        %add3A_918 = arith.addi %add3A_119, %add3A_917 : i32
        %add3A_919 = arith.constant 48 : i32
        %add3A_920 = arith.addi %add3A_918, %add3A_919 : i32
        %get3A_921 = arith.index_cast %add3A_920 : i32 to index
        %get3A_922 = tpu.vector_load %arg10[%get3A_921] {strides = array<i32>} : memref<25600xf32, #tpu.memory_space<vmem>>, vector<16xf32>,
        %add3A_923 = arith.constant 128 : i32
        %add3A_924 = arith.addi %add3A_119, %add3A_923 : i32
        %add3A_925 = arith.constant 48 : i32
        %add3A_926 = arith.addi %add3A_924, %add3A_925 : i32
        %get3A_927 = arith.index_cast %add3A_926 : i32 to index
        %get3A_928 = tpu.vector_load %arg10[%get3A_927] {strides = array<i32>} : memref<25600xf32, #tpu.memory_space<vmem>>, vector<16xf32>,
        %add3A_929 = arith.constant 192 : i32
        %add3A_930 = arith.addi %add3A_119, %add3A_929 : i32
        %add3A_931 = arith.constant 48 : i32
        %add3A_932 = arith.addi %add3A_930, %add3A_931 : i32
        %get3A_933 = arith.index_cast %add3A_932 : i32 to index
        %get3A_934 = tpu.vector_load %arg10[%get3A_933] {strides = array<i32>} : memref<25600xf32, #tpu.memory_space<vmem>>, vector<16xf32>,
        %add3A_935 = arith.constant 256 : i32
        %add3A_936 = arith.addi %add3A_119, %add3A_935 : i32
        %add3A_937 = arith.constant 48 : i32
        %add3A_938 = arith.addi %add3A_936, %add3A_937 : i32
        %get3A_939 = arith.index_cast %add3A_938 : i32 to index
        %get3A_940 = tpu.vector_load %arg10[%get3A_939] {strides = array<i32>} : memref<25600xf32, #tpu.memory_space<vmem>>, vector<16xf32>,
        %add3A_941 = arith.constant 320 : i32
        %add3A_942 = arith.addi %add3A_119, %add3A_941 : i32
        %add3A_943 = arith.constant 48 : i32
        %add3A_944 = arith.addi %add3A_942, %add3A_943 : i32
        %get3A_945 = arith.index_cast %add3A_944 : i32 to index
        %get3A_946 = tpu.vector_load %arg10[%get3A_945] {strides = array<i32>} : memref<25600xf32, #tpu.memory_space<vmem>>, vector<16xf32>,
        %add3A_947 = arith.constant 384 : i32
        %add3A_948 = arith.addi %add3A_119, %add3A_947 : i32
        %add3A_949 = arith.constant 48 : i32
        %add3A_950 = arith.addi %add3A_948, %add3A_949 : i32
        %get3A_951 = arith.index_cast %add3A_950 : i32 to index
        %get3A_952 = tpu.vector_load %arg10[%get3A_951] {strides = array<i32>} : memref<25600xf32, #tpu.memory_space<vmem>>, vector<16xf32>,
        %add3A_953 = arith.constant 448 : i32
        %add3A_954 = arith.addi %add3A_119, %add3A_953 : i32
        %add3A_955 = arith.constant 48 : i32
        %add3A_956 = arith.addi %add3A_954, %add3A_955 : i32
        %get3A_957 = arith.index_cast %add3A_956 : i32 to index
        %get3A_958 = tpu.vector_load %arg10[%get3A_957] {strides = array<i32>} : memref<25600xf32, #tpu.memory_space<vmem>>, vector<16xf32>,
        %sub3A_959 = arith.subf %get3A_916, %get3A_922 : vector<16xf32>
        %bitcast3A_960 = vector.bitcast %sub3A_959 : vector<16xf32> to vector<16xi32>
        %shift_right_logical3A_961 = arith.constant 16 : i32
        %shift_right_logical3A_962 = vector.broadcast %shift_right_logical3A_961 : i32 to vector<16xi32>
        %shift_right_logical3A_963 = arith.shrui %bitcast3A_960, %shift_right_logical3A_962 : vector<16xi32>
        %and3A_964 = arith.constant 1 : i32
        %and3A_965 = vector.broadcast %and3A_964 : i32 to vector<16xi32>
        %and3A_966 = arith.andi %shift_right_logical3A_963, %and3A_965 : vector<16xi32>
        %add3A_967 = arith.constant 32767 : i32
        %add3A_968 = vector.broadcast %add3A_967 : i32 to vector<16xi32>
        %add3A_969 = arith.addi %and3A_966, %add3A_968 : vector<16xi32>
        %add3A_970 = arith.addi %bitcast3A_960, %add3A_969 : vector<16xi32>
        %and3A_971 = arith.constant -65536 : i32
        %and3A_972 = vector.broadcast %and3A_971 : i32 to vector<16xi32>
        %and3A_973 = arith.andi %add3A_970, %and3A_972 : vector<16xi32>
        %bitcast3A_974 = vector.bitcast %and3A_973 : vector<16xi32> to vector<16xf32>
        %sub3A_975 = arith.subf %get3A_928, %get3A_934 : vector<16xf32>
        %bitcast3A_976 = vector.bitcast %sub3A_975 : vector<16xf32> to vector<16xi32>
        %shift_right_logical3A_977 = arith.constant 16 : i32
        %shift_right_logical3A_978 = vector.broadcast %shift_right_logical3A_977 : i32 to vector<16xi32>
        %shift_right_logical3A_979 = arith.shrui %bitcast3A_976, %shift_right_logical3A_978 : vector<16xi32>
        %and3A_980 = arith.constant 1 : i32
        %and3A_981 = vector.broadcast %and3A_980 : i32 to vector<16xi32>
        %and3A_982 = arith.andi %shift_right_logical3A_979, %and3A_981 : vector<16xi32>
        %add3A_983 = arith.constant 32767 : i32
        %add3A_984 = vector.broadcast %add3A_983 : i32 to vector<16xi32>
        %add3A_985 = arith.addi %and3A_982, %add3A_984 : vector<16xi32>
        %add3A_986 = arith.addi %bitcast3A_976, %add3A_985 : vector<16xi32>
        %and3A_987 = arith.constant -65536 : i32
        %and3A_988 = vector.broadcast %and3A_987 : i32 to vector<16xi32>
        %and3A_989 = arith.andi %add3A_986, %and3A_988 : vector<16xi32>
        %bitcast3A_990 = vector.bitcast %and3A_989 : vector<16xi32> to vector<16xf32>
        %sub3A_991 = arith.subf %get3A_940, %get3A_946 : vector<16xf32>
        %bitcast3A_992 = vector.bitcast %sub3A_991 : vector<16xf32> to vector<16xi32>
        %shift_right_logical3A_993 = arith.constant 16 : i32
        %shift_right_logical3A_994 = vector.broadcast %shift_right_logical3A_993 : i32 to vector<16xi32>
        %shift_right_logical3A_995 = arith.shrui %bitcast3A_992, %shift_right_logical3A_994 : vector<16xi32>
        %and3A_996 = arith.constant 1 : i32
        %and3A_997 = vector.broadcast %and3A_996 : i32 to vector<16xi32>
        %and3A_998 = arith.andi %shift_right_logical3A_995, %and3A_997 : vector<16xi32>
        %add3A_999 = arith.constant 32767 : i32
        %add3A_1000 = vector.broadcast %add3A_999 : i32 to vector<16xi32>
        %add3A_1001 = arith.addi %and3A_998, %add3A_1000 : vector<16xi32>
        %add3A_1002 = arith.addi %bitcast3A_992, %add3A_1001 : vector<16xi32>
        %and3A_1003 = arith.constant -65536 : i32
        %and3A_1004 = vector.broadcast %and3A_1003 : i32 to vector<16xi32>
        %and3A_1005 = arith.andi %add3A_1002, %and3A_1004 : vector<16xi32>
        %bitcast3A_1006 = vector.bitcast %and3A_1005 : vector<16xi32> to vector<16xf32>
        %mul3A_1007 = vector.broadcast %squeeze3A : f32 to vector<16xf32>
        %mul3A_1008 = arith.mulf %bitcast3A_974, %mul3A_1007 : vector<16xf32>
        %mul3A_1009 = vector.broadcast %squeeze3A_11 : f32 to vector<16xf32>
        %mul3A_1010 = arith.mulf %bitcast3A_990, %mul3A_1009 : vector<16xf32>
        %add3A_1011 = arith.addf %mul3A_1008, %mul3A_1010 : vector<16xf32>
        %mul3A_1012 = vector.broadcast %squeeze3A_17 : f32 to vector<16xf32>
        %mul3A_1013 = arith.mulf %bitcast3A_1006, %mul3A_1012 : vector<16xf32>
        %add3A_1014 = arith.addf %add3A_1011, %mul3A_1013 : vector<16xf32>
        %mul3A_1015 = vector.broadcast %squeeze3A_7 : f32 to vector<16xf32>
        %mul3A_1016 = arith.mulf %bitcast3A_974, %mul3A_1015 : vector<16xf32>
        %mul3A_1017 = vector.broadcast %squeeze3A_13 : f32 to vector<16xf32>
        %mul3A_1018 = arith.mulf %bitcast3A_990, %mul3A_1017 : vector<16xf32>
        %add3A_1019 = arith.addf %mul3A_1016, %mul3A_1018 : vector<16xf32>
        %mul3A_1020 = vector.broadcast %squeeze3A_19 : f32 to vector<16xf32>
        %mul3A_1021 = arith.mulf %bitcast3A_1006, %mul3A_1020 : vector<16xf32>
        %add3A_1022 = arith.addf %add3A_1019, %mul3A_1021 : vector<16xf32>
        %mul3A_1023 = vector.broadcast %squeeze3A_9 : f32 to vector<16xf32>
        %mul3A_1024 = arith.mulf %bitcast3A_974, %mul3A_1023 : vector<16xf32>
        %mul3A_1025 = vector.broadcast %squeeze3A_15 : f32 to vector<16xf32>
        %mul3A_1026 = arith.mulf %bitcast3A_990, %mul3A_1025 : vector<16xf32>
        %add3A_1027 = arith.addf %mul3A_1024, %mul3A_1026 : vector<16xf32>
        %mul3A_1028 = vector.broadcast %squeeze3A_21 : f32 to vector<16xf32>
        %mul3A_1029 = arith.mulf %bitcast3A_1006, %mul3A_1028 : vector<16xf32>
        %add3A_1030 = arith.addf %add3A_1027, %mul3A_1029 : vector<16xf32>
        %add3A_1031 = arith.constant 5.000000e-01 : f32
        %add3A_1032 = vector.broadcast %add3A_1031 : f32 to vector<16xf32>
        %add3A_1033 = arith.addf %add3A_1014, %add3A_1032 : vector<16xf32>
        %add3A_1034 = arith.constant 5.000000e-01 : f32
        %add3A_1035 = vector.broadcast %add3A_1034 : f32 to vector<16xf32>
        %add3A_1036 = arith.addf %add3A_1022, %add3A_1035 : vector<16xf32>
        %add3A_1037 = arith.constant 5.000000e-01 : f32
        %add3A_1038 = vector.broadcast %add3A_1037 : f32 to vector<16xf32>
        %add3A_1039 = arith.addf %add3A_1030, %add3A_1038 : vector<16xf32>
        %convert_element_type3A_1040 = arith.fptosi %add3A_1033 : vector<16xf32> to vector<16xi32>
        %convert_element_type3A_1041 = arith.sitofp %convert_element_type3A_1040 : vector<16xi32> to vector<16xf32>
        %convert_element_type3A_1042 = arith.fptosi %add3A_1036 : vector<16xf32> to vector<16xi32>
        %convert_element_type3A_1043 = arith.sitofp %convert_element_type3A_1042 : vector<16xi32> to vector<16xf32>
        %convert_element_type3A_1044 = arith.fptosi %add3A_1039 : vector<16xf32> to vector<16xi32>
        %convert_element_type3A_1045 = arith.sitofp %convert_element_type3A_1044 : vector<16xi32> to vector<16xf32>
        %gt3A_1046 = arith.cmpf ogt, %convert_element_type3A_1041, %add3A_1033 : vector<16xf32>
        %sub3A_1047 = arith.constant 1.000000e+00 : f32
        %sub3A_1048 = vector.broadcast %sub3A_1047 : f32 to vector<16xf32>
        %sub3A_1049 = arith.subf %convert_element_type3A_1041, %sub3A_1048 : vector<16xf32>
        %select_n3A_1050 = arith.select %gt3A_1046, %sub3A_1049, %convert_element_type3A_1041 : vector<16xi1>, vector<16xf32>
        %gt3A_1051 = arith.cmpf ogt, %convert_element_type3A_1043, %add3A_1036 : vector<16xf32>
        %sub3A_1052 = arith.constant 1.000000e+00 : f32
        %sub3A_1053 = vector.broadcast %sub3A_1052 : f32 to vector<16xf32>
        %sub3A_1054 = arith.subf %convert_element_type3A_1043, %sub3A_1053 : vector<16xf32>
        %select_n3A_1055 = arith.select %gt3A_1051, %sub3A_1054, %convert_element_type3A_1043 : vector<16xi1>, vector<16xf32>
        %gt3A_1056 = arith.cmpf ogt, %convert_element_type3A_1045, %add3A_1039 : vector<16xf32>
        %sub3A_1057 = arith.constant 1.000000e+00 : f32
        %sub3A_1058 = vector.broadcast %sub3A_1057 : f32 to vector<16xf32>
        %sub3A_1059 = arith.subf %convert_element_type3A_1045, %sub3A_1058 : vector<16xf32>
        %select_n3A_1060 = arith.select %gt3A_1056, %sub3A_1059, %convert_element_type3A_1045 : vector<16xi1>, vector<16xf32>
        %sub3A_1061 = arith.subf %add3A_1014, %select_n3A_1050 : vector<16xf32>
        %bitcast3A_1062 = vector.bitcast %sub3A_1061 : vector<16xf32> to vector<16xi32>
        %shift_right_logical3A_1063 = arith.constant 16 : i32
        %shift_right_logical3A_1064 = vector.broadcast %shift_right_logical3A_1063 : i32 to vector<16xi32>
        %shift_right_logical3A_1065 = arith.shrui %bitcast3A_1062, %shift_right_logical3A_1064 : vector<16xi32>
        %and3A_1066 = arith.constant 1 : i32
        %and3A_1067 = vector.broadcast %and3A_1066 : i32 to vector<16xi32>
        %and3A_1068 = arith.andi %shift_right_logical3A_1065, %and3A_1067 : vector<16xi32>
        %add3A_1069 = arith.constant 32767 : i32
        %add3A_1070 = vector.broadcast %add3A_1069 : i32 to vector<16xi32>
        %add3A_1071 = arith.addi %and3A_1068, %add3A_1070 : vector<16xi32>
        %add3A_1072 = arith.addi %bitcast3A_1062, %add3A_1071 : vector<16xi32>
        %and3A_1073 = arith.constant -65536 : i32
        %and3A_1074 = vector.broadcast %and3A_1073 : i32 to vector<16xi32>
        %and3A_1075 = arith.andi %add3A_1072, %and3A_1074 : vector<16xi32>
        %bitcast3A_1076 = vector.bitcast %and3A_1075 : vector<16xi32> to vector<16xf32>
        %sub3A_1077 = arith.subf %add3A_1022, %select_n3A_1055 : vector<16xf32>
        %bitcast3A_1078 = vector.bitcast %sub3A_1077 : vector<16xf32> to vector<16xi32>
        %shift_right_logical3A_1079 = arith.constant 16 : i32
        %shift_right_logical3A_1080 = vector.broadcast %shift_right_logical3A_1079 : i32 to vector<16xi32>
        %shift_right_logical3A_1081 = arith.shrui %bitcast3A_1078, %shift_right_logical3A_1080 : vector<16xi32>
        %and3A_1082 = arith.constant 1 : i32
        %and3A_1083 = vector.broadcast %and3A_1082 : i32 to vector<16xi32>
        %and3A_1084 = arith.andi %shift_right_logical3A_1081, %and3A_1083 : vector<16xi32>
        %add3A_1085 = arith.constant 32767 : i32
        %add3A_1086 = vector.broadcast %add3A_1085 : i32 to vector<16xi32>
        %add3A_1087 = arith.addi %and3A_1084, %add3A_1086 : vector<16xi32>
        %add3A_1088 = arith.addi %bitcast3A_1078, %add3A_1087 : vector<16xi32>
        %and3A_1089 = arith.constant -65536 : i32
        %and3A_1090 = vector.broadcast %and3A_1089 : i32 to vector<16xi32>
        %and3A_1091 = arith.andi %add3A_1088, %and3A_1090 : vector<16xi32>
        %bitcast3A_1092 = vector.bitcast %and3A_1091 : vector<16xi32> to vector<16xf32>
        %sub3A_1093 = arith.subf %add3A_1030, %select_n3A_1060 : vector<16xf32>
        %bitcast3A_1094 = vector.bitcast %sub3A_1093 : vector<16xf32> to vector<16xi32>
        %shift_right_logical3A_1095 = arith.constant 16 : i32
        %shift_right_logical3A_1096 = vector.broadcast %shift_right_logical3A_1095 : i32 to vector<16xi32>
        %shift_right_logical3A_1097 = arith.shrui %bitcast3A_1094, %shift_right_logical3A_1096 : vector<16xi32>
        %and3A_1098 = arith.constant 1 : i32
        %and3A_1099 = vector.broadcast %and3A_1098 : i32 to vector<16xi32>
        %and3A_1100 = arith.andi %shift_right_logical3A_1097, %and3A_1099 : vector<16xi32>
        %add3A_1101 = arith.constant 32767 : i32
        %add3A_1102 = vector.broadcast %add3A_1101 : i32 to vector<16xi32>
        %add3A_1103 = arith.addi %and3A_1100, %add3A_1102 : vector<16xi32>
        %add3A_1104 = arith.addi %bitcast3A_1094, %add3A_1103 : vector<16xi32>
        %and3A_1105 = arith.constant -65536 : i32
        %and3A_1106 = vector.broadcast %and3A_1105 : i32 to vector<16xi32>
        %and3A_1107 = arith.andi %add3A_1104, %and3A_1106 : vector<16xi32>
        %bitcast3A_1108 = vector.bitcast %and3A_1107 : vector<16xi32> to vector<16xf32>
        %mul3A_1109 = vector.broadcast %squeeze3A_23 : f32 to vector<16xf32>
        %mul3A_1110 = arith.mulf %bitcast3A_1076, %mul3A_1109 : vector<16xf32>
        %mul3A_1111 = vector.broadcast %squeeze3A_29 : f32 to vector<16xf32>
        %mul3A_1112 = arith.mulf %bitcast3A_1092, %mul3A_1111 : vector<16xf32>
        %add3A_1113 = arith.addf %mul3A_1110, %mul3A_1112 : vector<16xf32>
        %mul3A_1114 = vector.broadcast %squeeze3A_35 : f32 to vector<16xf32>
        %mul3A_1115 = arith.mulf %bitcast3A_1108, %mul3A_1114 : vector<16xf32>
        %add3A_1116 = arith.addf %add3A_1113, %mul3A_1115 : vector<16xf32>
        %mul3A_1117 = vector.broadcast %squeeze3A_25 : f32 to vector<16xf32>
        %mul3A_1118 = arith.mulf %bitcast3A_1076, %mul3A_1117 : vector<16xf32>
        %mul3A_1119 = vector.broadcast %squeeze3A_31 : f32 to vector<16xf32>
        %mul3A_1120 = arith.mulf %bitcast3A_1092, %mul3A_1119 : vector<16xf32>
        %add3A_1121 = arith.addf %mul3A_1118, %mul3A_1120 : vector<16xf32>
        %mul3A_1122 = vector.broadcast %squeeze3A_37 : f32 to vector<16xf32>
        %mul3A_1123 = arith.mulf %bitcast3A_1108, %mul3A_1122 : vector<16xf32>
        %add3A_1124 = arith.addf %add3A_1121, %mul3A_1123 : vector<16xf32>
        %mul3A_1125 = vector.broadcast %squeeze3A_27 : f32 to vector<16xf32>
        %mul3A_1126 = arith.mulf %bitcast3A_1076, %mul3A_1125 : vector<16xf32>
        %mul3A_1127 = vector.broadcast %squeeze3A_33 : f32 to vector<16xf32>
        %mul3A_1128 = arith.mulf %bitcast3A_1092, %mul3A_1127 : vector<16xf32>
        %add3A_1129 = arith.addf %mul3A_1126, %mul3A_1128 : vector<16xf32>
        %mul3A_1130 = vector.broadcast %squeeze3A_39 : f32 to vector<16xf32>
        %mul3A_1131 = arith.mulf %bitcast3A_1108, %mul3A_1130 : vector<16xf32>
        %add3A_1132 = arith.addf %add3A_1129, %mul3A_1131 : vector<16xf32>
        %mul3A_1133 = arith.mulf %add3A_1116, %add3A_1116 : vector<16xf32>
        %mul3A_1134 = arith.mulf %add3A_1124, %add3A_1124 : vector<16xf32>
        %add3A_1135 = arith.addf %mul3A_1133, %mul3A_1134 : vector<16xf32>
        %mul3A_1136 = arith.mulf %add3A_1132, %add3A_1132 : vector<16xf32>
        %add3A_1137 = arith.addf %add3A_1135, %mul3A_1136 : vector<16xf32>
        %bitcast3A_1138 = vector.bitcast %add3A_1137 : vector<16xf32> to vector<16xi32>
        %shift_right_logical3A_1139 = arith.constant 1 : i32
        %shift_right_logical3A_1140 = vector.broadcast %shift_right_logical3A_1139 : i32 to vector<16xi32>
        %shift_right_logical3A_1141 = arith.shrui %bitcast3A_1138, %shift_right_logical3A_1140 : vector<16xi32>
        %sub3A_1142 = arith.constant 1597463007 : i32
        %sub3A_1143 = vector.broadcast %sub3A_1142 : i32 to vector<16xi32>
        %sub3A_1144 = arith.subi %sub3A_1143, %shift_right_logical3A_1141 : vector<16xi32>
        %bitcast3A_1145 = vector.bitcast %sub3A_1144 : vector<16xi32> to vector<16xf32>
        %mul3A_1146 = arith.constant 5.000000e-01 : f32
        %mul3A_1147 = vector.broadcast %mul3A_1146 : f32 to vector<16xf32>
        %mul3A_1148 = arith.mulf %mul3A_1147, %add3A_1137 : vector<16xf32>
        %mul3A_1149 = arith.mulf %mul3A_1148, %bitcast3A_1145 : vector<16xf32>
        %mul3A_1150 = arith.mulf %mul3A_1149, %bitcast3A_1145 : vector<16xf32>
        %sub3A_1151 = arith.constant 1.500000e+00 : f32
        %sub3A_1152 = vector.broadcast %sub3A_1151 : f32 to vector<16xf32>
        %sub3A_1153 = arith.subf %sub3A_1152, %mul3A_1150 : vector<16xf32>
        %mul3A_1154 = arith.mulf %bitcast3A_1145, %sub3A_1153 : vector<16xf32>
        %mul3A_1155 = arith.mulf %mul3A_1148, %mul3A_1154 : vector<16xf32>
        %mul3A_1156 = arith.mulf %mul3A_1155, %mul3A_1154 : vector<16xf32>
        %sub3A_1157 = arith.constant 1.500000e+00 : f32
        %sub3A_1158 = vector.broadcast %sub3A_1157 : f32 to vector<16xf32>
        %sub3A_1159 = arith.subf %sub3A_1158, %mul3A_1156 : vector<16xf32>
        %mul3A_1160 = arith.mulf %mul3A_1154, %sub3A_1159 : vector<16xf32>
        %mul3A_1161 = arith.mulf %mul3A_1148, %mul3A_1160 : vector<16xf32>
        %mul3A_1162 = arith.mulf %mul3A_1161, %mul3A_1160 : vector<16xf32>
        %sub3A_1163 = arith.constant 1.500000e+00 : f32
        %sub3A_1164 = vector.broadcast %sub3A_1163 : f32 to vector<16xf32>
        %sub3A_1165 = arith.subf %sub3A_1164, %mul3A_1162 : vector<16xf32>
        %mul3A_1166 = arith.mulf %mul3A_1160, %sub3A_1165 : vector<16xf32>
        %mul3A_1167 = arith.mulf %get3A_952, %get3A_958 : vector<16xf32>
        %sub3A_1168 = vector.broadcast %squeeze3A_43 : f32 to vector<16xf32>
        %sub3A_1169 = arith.subf %mul3A_1166, %sub3A_1168 : vector<16xf32>
        %mul3A_1170 = arith.mulf %mul3A_1167, %sub3A_1169 : vector<16xf32>
        %le3A_1171 = vector.broadcast %squeeze3A_41 : f32 to vector<16xf32>
        %le3A_1172 = arith.cmpf ole, %add3A_1137, %le3A_1171 : vector<16xf32>
        %jit3A_1173 = arith.constant 0.000000e+00 : f32
        %broadcast_in_dim3A_1174 = vector.broadcast %jit3A_1173 : f32 to vector<16xf32>
        %select_n3A_1175 = arith.select %le3A_1172, %mul3A_1170, %broadcast_in_dim3A_1174 : vector<16xi1>, vector<16xf32>
        %add3A_1176 = arith.addf %add3A_910, %select_n3A_1175 : vector<16xf32>
        scf.yield %add3A_1176 : vector<16xf32>
      }
      %scan3A_114 = arith.constant 25 : i32
      scf.yield %scan3A_113 : vector<16xf32>
    }
    %scan3A_83 = arith.constant 125 : i32
    %swap3A = arith.constant 0 : index
    %swap3A_84 = tpu.vector_load %arg11[%swap3A] {strides = array<i32>} : memref<16xf32, #tpu.memory_space<vmem>>, vector<16xf32>,
    tpu.vector_store %arg11[%swap3A], %scan3A_82 {strides = array<i32>} : memref<16xf32, #tpu.memory_space<vmem>>, vector<16xf32>,
    "tpu.region"() ({
      %run_scoped3A = tpu.sem_alloc : memref<!tpu.dma_semaphore, #tpu.memory_space<semaphore_mem>>
      %dma_start3A_85 = arith.constant 0 : i32
      %dma_start3A_86 = tpu.memref_slice %arg5[%add3A, %dma_start3A_85] : memref<32x16xf32, #tpu.memory_space<hbm>> -> memref<1x16xf32, #tpu.memory_space<hbm>>
      %dma_start3A_87 = tpu.memref_squeeze %dma_start3A_86 : memref<1x16xf32, #tpu.memory_space<hbm>> -> memref<16xf32, #tpu.memory_space<hbm>>
      %dma_start3A_88 = arith.constant 0 : i32
      %dma_start3A_89 = tpu.memref_slice %arg5[%add3A, %dma_start3A_88] : memref<32x16xf32, #tpu.memory_space<hbm>> -> memref<1x16xf32, #tpu.memory_space<hbm>>
      %dma_start3A_90 = tpu.memref_squeeze %dma_start3A_89 : memref<1x16xf32, #tpu.memory_space<hbm>> -> memref<16xf32, #tpu.memory_space<hbm>>
      tpu.enqueue_dma source(%arg11 : memref<16xf32, #tpu.memory_space<vmem>>) target(%dma_start3A_90 : memref<16xf32, #tpu.memory_space<hbm>>) target_semaphore(%run_scoped3A : memref<!tpu.dma_semaphore, #tpu.memory_space<semaphore_mem>>)
      %dma_wait3A = arith.constant 0 : i32
      %dma_wait3A_91 = tpu.memref_slice %arg5[%add3A, %dma_wait3A] : memref<32x16xf32, #tpu.memory_space<hbm>> -> memref<1x16xf32, #tpu.memory_space<hbm>>
      %dma_wait3A_92 = tpu.memref_squeeze %dma_wait3A_91 : memref<1x16xf32, #tpu.memory_space<hbm>> -> memref<16xf32, #tpu.memory_space<hbm>>
      %dma_wait3A_93 = arith.constant 0 : i32
      %dma_wait3A_94 = tpu.memref_slice %arg5[%add3A, %dma_wait3A_93] : memref<32x16xf32, #tpu.memory_space<hbm>> -> memref<1x16xf32, #tpu.memory_space<hbm>>
      %dma_wait3A_95 = tpu.memref_squeeze %dma_wait3A_94 : memref<1x16xf32, #tpu.memory_space<hbm>> -> memref<16xf32, #tpu.memory_space<hbm>>
      tpu.wait_dma2 semaphore(%run_scoped3A : memref<!tpu.dma_semaphore, #tpu.memory_space<semaphore_mem>>) src(%arg11 : memref<16xf32, #tpu.memory_space<vmem>>) dst(%dma_wait3A_95 : memref<16xf32, #tpu.memory_space<hbm>>)
      tpu.yield
    }) : () -> ()
    return
  }
}

</mosaic_0001>

<sc_bundles>
// kernel: kernel.3.cloned.1.call-start
scs
__scs_entry_jumppad:
0x0: {  	(pc) =	sbr.rel $0x88, $3  }
0x1: {  	(tag) =	ssettag $0x0;
	lr =	simm.s32 $0x1  }
0x2: {  	[smem:$0x3F9B] =	sst lr;
	_ =	strace $0xD0000000  }
0x3: {  	_ = 	snop  }
0x4: {  	_ = 	snop  }
0x5: {  	_ = 	snop  }
0x6: {  	_ = 	snop  }
0x7: {  	_ = 	snop  }
__scs_overlays_trampoline_lowered:
0x8: {  	[smem:$0x3FAA] =	sst s0  }
0x9: {  	[smem:$0x3FAB] =	sst s1  }
0xa: {  	[smem:$0x3FAC] =	sst s2  }
0xb: {  	[smem:$0x3FAD] =	sst s3  }
0xc: {  	[smem:$0x3FAE] =	sst s4  }
0xd: {  	[smem:$0x3FAF] =	sst s5  }
0xe: {  	[smem:$0x3FB0] =	sst s6  }
0xf: {  	[smem:$0x3FB1] =	sst s7  }
0x10: {  	[smem:$0x3FB2] =	sst s8  }
0x11: {  	[smem:$0x3FB3] =	sst s9;
	s0 =	simm.s32 @!p0 $0x0  }
0x12: {  	s1 =	sld [smem:$0x3F99];
	s0 =	simm.s32 @p0 $0x1  }
0x13: {  	[smem:$0x3FB4] =	sst s0;
	s0 =	simm.s32 @!p1 $0x0  }
0x14: {  	s2 =	sld [smem:$0x3F98];
	s0 =	simm.s32 @p1 $0x1  }
0x15: {  	[smem:$0x3FB5] =	sst s0;
	s0 =	simm.s32 @!p2 $0x0  }
0x16: {  	s3 =	sld [smem:$0x3FDB];
	s0 =	simm.s32 @p2 $0x1  }
0x17: {  	s4 =	simm.s32 $0x1BF5;
	[smem:$0x3FB7] =	sst s0  }
0x18: {  	s0 =	sld [smem:$0x3F9A];
	_ =	swait.ge [sflag:s4], $0x0  }
0x19: {  	s7 =	sld [smem:$0x3F9B]  }
0x1a: {  	s8 =	sadd.s32 $0xFFFFE003, lr  }
0x1b: {  	s9 =	sadd.s32 $0xFFFFFEF7, lr;
	s5 =	simm.s32 $0xFFFFFFFF;
	p2 =	slt.u32 s8, $0xFFFFF086  }
0x1c: {  	p1 =	slt.u32 s9, $0xF7A;
	s5 =	simm.s32 @!p2 $0x0  }
0x1d: {  	s5 =	simm.s32 @p1 $0x1;
	p0 =	seq.s32 s7, s2  }
0x1e: {  	s7 =	smul.u32 @!p0 $0xF7A, s2;
	p2 =	seq.s32 @!p0 s5, $0x0  }
0x1f: {  	s9 =	smul.u32 $0xF7A, s1;
	s8 =	simm.s32 @!p0 $0x1BF5;
	p2 =	por !p2, p0  }
0x20: {  	[sflag:s8] =	ssyncset.s32 @!p0 $0xFFFFF086;
	s6 =	sadd.s32 @!p0 s3, s7;
	s7 =	simm.s32 @!p0 $0x108  }
0x21: {  	s3 =	sadd.s32 s3, s9;
	s6 =	sadd.s32 @!p0 $0x88, s6;
	s7 =	simm.s32 @p2 $0x1082  }
0x22: {  	[simem:s7], [sflag:s8] =	dma.local @!p0 [hbm:s6], $0xF7A  }
0x23: {  	s9 =	sor.u32 $0xD0000000, s2;
	s6 =	simm.s32 $0x108;
	_ =	swait.ge @!p0 [sflag:s8], $0x0  }
0x24: {  	s3 =	sadd.s32 $0x88, s3;
	s6 =	simm.s32 @!p1 $0x1082;
	[sflag:s4] =	ssyncset.s32 $0xFFFFF086  }
0x25: {  	[simem:s6], [sflag:s4] =	dma.local [hbm:s3], $0xF7A  }
0x26: {  	[smem:$0x3F9B] =	sst s1;
	(tag) =	ssettag s2;
	_ =	strace s9  }
0x27: {  	s1 =	sld [smem:$0x3FAB]  }
0x28: {  	s2 =	sld [smem:$0x3FAC]  }
0x29: {  	s4 =	sld [smem:$0x3FAE]  }
0x2a: {  	p0 =	seq.s32 s5, $0x0;
	s5 =	sld [smem:$0x3FAF]  }
0x2b: {  	s6 =	sld [smem:$0x3FB0]  }
0x2c: {  	s7 =	sld [smem:$0x3FB1]  }
0x2d: {  	s3 =	simm.s32 $0x108;
	s8 =	sld [smem:$0x3FB2]  }
0x2e: {  	s3 =	simm.s32 @!p0 $0x1082;
	s9 =	sld [smem:$0x3FB3]  }
0x2f: {  	lr =	sadd.s32 s0, s3;
	s0 =	sld [smem:$0x3FAA]  }
0x30: {  	s3 =	sld [smem:$0x3FAD]  }
0x31: {  	[smem:$0x3FB6] =	sst s10  }
0x32: {  	s10 =	sld [smem:$0x3FB4];
	_ =	sdelay $0x3  }
0x33: {  	p0 =	seq.s32 s10, $0x1;
	s10 =	sld [smem:$0x3FB6];
	_ =	sdelay $0x3  }
0x34: {  	[smem:$0x3FB6] =	sst s10  }
0x35: {  	s10 =	sld [smem:$0x3FB5];
	_ =	sdelay $0x3  }
0x36: {  	p1 =	seq.s32 s10, $0x1;
	s10 =	sld [smem:$0x3FB6];
	_ =	sdelay $0x3  }
0x37: {  	[smem:$0x3FB6] =	sst s10  }
0x38: {  	s10 =	sld [smem:$0x3FB7]  }
0x39: {  	_ = 	snop;
	(pc) =	sbr.ind lr, $3  }
0x3a: {  	_ = 	snop  }
0x3b: {  	_ = 	snop  }
0x3c: {  	p2 =	seq.s32 s10, $0x1;
	s10 =	sld [smem:$0x3FB6]  }
0x3d: {  	_ =	shalt  }
0x3e: {  	_ =	shalt  }
0x3f: {  	_ =	shalt  }
0x40: {  	_ =	shalt  }
0x41: {  	_ =	shalt  }
0x42: {  	_ =	shalt  }
0x43: {  	_ =	shalt  }
0x44: {  	_ =	shalt  }
0x45: {  	_ =	shalt  }
0x46: {  	_ =	shalt  }
0x47: {  	_ =	shalt  }
0x48: {  	_ =	shalt  }
0x49: {  	_ =	shalt  }
0x4a: {  	_ =	shalt  }
0x4b: {  	_ =	shalt  }
0x4c: {  	_ =	shalt  }
0x4d: {  	_ =	shalt  }
0x4e: {  	_ =	shalt  }
0x4f: {  	_ =	shalt  }
0x50: {  	_ =	shalt  }
0x51: {  	_ =	shalt  }
0x52: {  	_ =	shalt  }
0x53: {  	_ =	shalt  }
0x54: {  	_ =	shalt  }
0x55: {  	_ =	shalt  }
0x56: {  	_ =	shalt  }
0x57: {  	_ =	shalt  }
0x58: {  	_ =	shalt  }
0x59: {  	_ =	shalt  }
0x5a: {  	_ =	shalt  }
0x5b: {  	_ =	shalt  }
0x5c: {  	_ =	shalt  }
0x5d: {  	_ =	shalt  }
0x5e: {  	_ =	shalt  }
0x5f: {  	_ =	shalt  }
0x60: {  	_ =	shalt  }
0x61: {  	_ =	shalt  }
0x62: {  	_ =	shalt  }
0x63: {  	_ =	shalt  }
0x64: {  	_ =	shalt  }
0x65: {  	_ =	shalt  }
0x66: {  	_ =	shalt  }
0x67: {  	_ =	shalt  }
0x68: {  	_ =	shalt  }
0x69: {  	_ =	shalt  }
0x6a: {  	_ =	shalt  }
0x6b: {  	_ =	shalt  }
0x6c: {  	_ =	shalt  }
0x6d: {  	_ =	shalt  }
0x6e: {  	_ =	shalt  }
0x6f: {  	_ =	shalt  }
0x70: {  	_ =	shalt  }
0x71: {  	_ =	shalt  }
0x72: {  	_ =	shalt  }
0x73: {  	_ =	shalt  }
0x74: {  	_ =	shalt  }
0x75: {  	_ =	shalt  }
0x76: {  	_ =	shalt  }
0x77: {  	_ =	shalt  }
0x78: {  	_ =	shalt  }
0x79: {  	_ =	shalt  }
0x7a: {  	_ =	shalt  }
0x7b: {  	_ =	shalt  }
0x7c: {  	_ =	shalt  }
0x7d: {  	_ =	shalt  }
0x7e: {  	_ =	shalt  }
0x7f: {  	_ =	shalt  }
0x80: {  	_ =	shalt  }
0x81: {  	_ =	shalt  }
0x82: {  	_ =	shalt  }
0x83: {  	_ =	shalt  }
0x84: {  	_ =	shalt  }
0x85: {  	_ =	shalt  }
0x86: {  	_ =	shalt  }
0x87: {  	_ =	shalt  }
.Lfunc_end0:
.L_simem_size_0:
called_computation_lowered:
.L_overlay_start_0:
0x88: {  	s2 =	sld [smem:$0x3FD9]  }
0x89: {  	s3 =	sld [smem:$0x3FFE];
	_ =	sdelay $0x1  }
0x8a: {  	s1 =	srdreg.scid  }
0x8b: {  	s0 =	sand.u32 $0x1, s1  }
0x8c: {  	s17 =	sshll.u32 s0, $0xA;
	s2 =	sadd.s32 s3, s2  }
0x8d: {  	s2 =	sadd.s32 s2, s17  }
0x8e: {  	[smem:$0x3FC2] =	sst s2  }
0x8f: {  	_ = 	snop  }
0x90: {  	s2 =	sld [smem:$0x3FD0];
	(tm) =	ssettm $0x1  }
0x91: {  	s18 =	sld [smem:$0x3FFB];
	_ =	sdelay $0x3  }
0x92: {  	_ =	strace s18  }
0x93: {  	s3 =	sld [smem:$0x3FFC];
	_ =	sdelay $0x3  }
0x94: {  	_ =	strace s3  }
0x95: {  	s3 =	sld [smem:$0x3FFD];
	_ =	sdelay $0x3  }
0x96: {  	_ =	strace s3  }
0x97: {  	_ =	strace $0x8FFFFFFF  }
0x98: {  	s19 =	sld [smem:$0x3FDB];
	_ =	sdelay $0x1  }
0x99: {  	s4 =	simm.s32 $_scs_section_size  }
0x9a: {  	s5 =	simm.s32 $_size__tile_overlayer_lowered;
	s6 =	simm.s32 $_tile_overlayer_lowered  }
0x9b: {  	s22 =	simm.s32 $0x1BFF;
	s21 =	sshll.u32 s6, $0x1;
	s3 =	sadd.s32 s4, s19  }
0x9c: {  	s7 =	simm.s32 $0x0;
	s20 =	sshll.u32 s5, $0x1;
	s5 =	sadd.s32 s21, s3  }
0x9d: {  	[timem:s7], [sflag:s22] =	dma.local [hbm:s5], s20  }
0x9e: {  	_ =	swait.ge [sflag:s22], s20  }
0x9f: {  	s4 =	ssub.s32 $0x0, s20;
	[sflag:s22] =	ssyncset.done $0x0  }
0xa0: {  	[sflag:s22] =	ssyncadd.s32 s4;
	_ =	sdelay $0x1  }
0xa1: {  	s23 =	simm.s32 $0x1B8B  }
0xa2: {  	_ =	swait.ge [sflag:s23], $0x1  }
0xa3: {  	[sflag:s23] =	ssyncset.done $0x0  }
0xa4: {  	s25 =	simm.s32 $0x1B8E;
	s24 =	sld [smem:$0x3FFE];
	[sflag:s23] =	ssyncadd.s32 $0xFFFFFFFF  }
0xa5: {  	s26 =	simm.s32 $execute0_lowered;
	[smem:$0x3FD2] =	sst s25  }
0xa6: {  	s5 =	sshll.u32 s26, $0x1;
	_ =	strace $0x80000046;
	[dreg:$0x1] =	wrdreg $0xFFFFFFFF  }
0xa7: {  	s28 =	simm.s32 $_size_execute0_lowered;
	s3 =	sadd.s32 s3, s5;
	[dreg:$0x0] =	wrdreg $0x0  }
0xa8: {  	s5 =	sshll.u32 s28, $0x1;
	[dreg:$0x2] =	wrdreg s3  }
0xa9: {  	[dreg:$0x3] =	wrdreg s5  }
0xaa: {  	[dreg:$0x4] =	wrdreg $0xC0  }
0xab: {  	_ =	task [dreg:s7], $0x5FFFF  }
0xac: {  	[dreg:$0x1] =	wrdreg $0xFFFFFFFF  }
0xad: {  	[dreg:$0x0] =	wrdreg $0x60  }
0xae: {  	[dreg:$0x2] =	wrdreg s24  }
0xaf: {  	[dreg:$0x3] =	wrdreg s2  }
0xb0: {  	[dreg:$0x4] =	wrdreg $0x0  }
0xb1: {  	[dreg:$0x5] =	wrdreg $0x9  }
0xb2: {  	_ =	task.clear_ibuf [dreg:s7], $0x6FFFF;
	_ =	strace $0x90000046  }
0xb3: {  	s29 =	simm.s32 $0x9;
	_ =	strace $0x80000048  }
0xb4: {  	_ =	swait.ge [sflag:s29], $0x1  }
0xb5: {  	[sflag:s29] =	ssyncadd.s32 $0xFFFFFFFF  }
0xb6: {  	_ =	strace $0x90000048  }
0xb7: {  	_ =	sfence  }
0xb8: {  	s30 =	sld [smem:$0x0];
	_ =	sdelay $0x2  }
0xb9: {  	s31 =	sshll.u32 s1, $0xD;
	s1 =	sshrl.u32 s1, $0x2  }
0xba: {  	s3 =	sand.u32 $0x4000, s31;
	s1 =	sadd.s32 s1, s30  }
0xbb: {  	s0 =	sor.u32 s3, s0;
	s1 =	sshll.u32 s1, $0x11  }
0xbc: {  	s0 =	sor.u32 s1, s0  }
0xbd: {  	s0 =	sadd.s32 $0x8F2B, s0  }
0xbe: {  	[sflag:s0] =	ssyncadd.remote.s32 $0x1  }
0xbf: {  	_ =	sfence.sel $0xFFFF  }
0xc0: {  	[dreg:$0x0] =	wrdreg $0xFFFFFFFF;
	(pc) =	sbr.abs _section_cstart, $3  }
0xc1: {  	[dreg:$0x1] =	wrdreg $0xFFFFFFFF  }
0xc2: {  	_ =	task.clear_ibuf [dreg:s7], $0x2FFFF;
	_ =	strace $0x9FFFFFFF  }
0xc3: {  	(tm) =	ssettm $0x7FFFFFFF  }
tec
execute0_lowered:
.L_overlay_start_1:
0x0: {  	(tag) =	ssettag $0x1  }
0x1: {  	s6 =	rddreg [dreg:$0x0]  }
0x2: {  	s1 =	rddreg [dreg:$0x1]  }
0x3: {  	s2 =	rddreg [dreg:$0x2]  }
0x4: {  	s0 =	rddreg [dreg:$0x3]  }
0x5: {  	s4 =	srdreg.scid;
	s9 =	stileid.u32;
	s3 =	simm.s32 $0x0;
	v0 =	vlaneseq.u32  }
0x6: {  	s14 =	simm.s32 $0x6228;
	s15 =	simm.s32 $0x3200;
	s16 =	simm.s32 $0x7B28;
	v0 =	vmul.u32 $0x2, v0  }
0x7: {  	s17 =	simm.s32 $0xDF28;
	s18 =	simm.s32 $0x6EA8;
	[smem:$0x7FF] =	sst s3  }
0x8: {  	s19 =	simm.s32 $0x14328;
	s20 =	simm.s32 $0x0;
	_ =	strace $0x80000047;
	v1 =	vor.u32 $0x1, v0;
	[tilespmem:$0x1FF80] =	vst v0  }
0x9: {  	s7 =	sand.u32 $0x1, s4;
	s31 =	sshll.u32 s9, $0x1;
	s4 =	sadd.s32 $0x187A00, s6;
	v2 =	vor.u32 $0x20, v0;
	[tilespmem:$0x1FF90] =	vst v1  }
0xa: {  	s5 =	sadd.s32 $0x61A9000, s6;
	s8 =	sor.u32 s7, s31;
	s7 =	ssub.s32 $0x2, s7;
	v3 =	vor.u32 $0x21, v0;
	[tilespmem:$0x1FFA0] =	vst v2  }
0xb: {  	s10 =	smul.u32 $0x61A80, s8;
	s8 =	sshll.u32 s8, $0x4;
	s11 =	sshrl.u32 s7, $0x1;
	v4 =	vor.u32 $0x40, v0;
	[tilespmem:$0x1FFB0] =	vst v3  }
0xc: {  	p0 =	sne.s32 s9, $0x0;
	v5 =	vor.u32 $0x41, v0;
	s13 =	sadd.s32 s8, s6;
	s11 =	ssub.s32 s7, s11;
	[tilespmem:$0x1FFC0] =	vst v4  }
0xd: {  	v6 =	vor.u32 $0x60, v0;
	[tilespmem:$0x1FFD0] =	vst v5;
	s12 =	sshrl.u32 s10, $0x3;
	s8 =	sadd.s32 $0x1900, s10;
	s9 =	sadd.s32 $0xA00, s13  }
0xe: {  	v7 =	vor.u32 $0x61, v0;
	[tilespmem:$0x1FFE0] =	vst v6;
	s10 =	smax.u32 s11, $0x1;
	s11 =	sshrl.u32 @!p0 s2, $0x3;
	s6 =	sadd.s32 s5, s12  }
0xf: {  	[tilespmem:$0x1FFF0] =	vst v7;
	s13 =	simm.s32 $0x5;
	s12 =	simm.s32 $0x61A8;
	s7 =	sadd.s32 $0x190, s6  }
.LBB2_1:
0x10: {  	s21 =	simm.s32 @!p0 $0x1C05  }
0x11: {  	[spmem:s11], [sflag:s21] =	dma.local @!p0 [hbm:s4], $0xC350  }
0x12: {  	s21 =	simm.s32 @!p0 $0x5  }
0x13: {  	_ =	swait.ge @!p0 [sflag:s21], $0xC350  }
0x14: {  	[sflag:s21] =	ssyncset.done @!p0 $0x0  }
0x15: {  	[sflag:s21] =	ssyncadd.s32 @!p0 $0xFFFF3CB0  }
0x16: {  	v8 =	vmov s3;
	[tilespmem:s12], [sflag:$0x5] =	stream.linear.gather [hbm4b:s1+s3], $0x80, $0x38;
	[tilespmem:$0x143A8] =	vst v63  }
0x17: {  	v8 =	vshrl.u32 v8, $0x7;
	_ =	swait.ge [sflag:s13], $0x80  }
0x18: {  	v8 =	vshll.u32 v8, $0x7;
	[sflag:s13] =	ssyncset.done $0x0  }
0x19: {  	v8 =	vbroadcast v8, $0x0;
	[sflag:s13] =	ssyncadd.s32 $0xFFFFFF80  }
0x1a: {  	[bflag:$0x0] =	sbarrier.arrive $0xFFFF  }
0x1b: {  	v9 =	vor.u32 v0, v8;
	v24 =	vld [tilespmem:$0x61A8]  }
0x1c: {  	v10 =	vor.u32 v1, v8;
	v27 =	vld [tilespmem:$0x61B0];
	[tilespmem:s14], [sflag:$0x5] =	stream.linear.gather [hbm4b:s6+s3], $0xC80, $0x38  }
0x1d: {  	_ =	swait.ge [sflag:s13], $0xC80  }
0x1e: {  	[sflag:s13] =	ssyncset.done $0x0  }
0x1f: {  	[sflag:s13] =	ssyncadd.s32 $0xFFFFF380  }
0x20: {  	v9 =	vld.idx.msk [tilespmem:v9+s14+$0x0], $0xffff  }
0x21: {  	v10 =	vld.idx.msk [tilespmem:v10+s14+$0x0], $0xffff;
	_ =	sdelay $0x3  }
0x22: {  	s22 =	simm.s32 $0x7C28;
	v9 =	vshll.u32 v9, $0x2  }
0x23: {  	v10 =	vshll.u32 v10, $0x2;
	[tilespmem:s22+$0xFFFFFF00] =	vst v9  }
0x24: {  	v11 =	vor.u32 $0x2, v9;
	[tilespmem:s22+$0xFFFFFF40] =	vst v10  }
0x25: {  	v12 =	vor.u32 $0x1, v9;
	[tilespmem:s22+$0x0] =	vst v11  }
0x26: {  	v60 =	vor.u32 v2, v8;
	v9 =	vor.u32 $0x3, v9;
	[tilespmem:s22+$0xFFFFFF80] =	vst v12  }
0x27: {  	v13 =	vor.u32 v3, v8;
	v11 =	vor.u32 $0x3, v10;
	[tilespmem:s22+$0x80] =	vst v9  }
0x28: {  	v9 =	vor.u32 $0x2, v10;
	[tilespmem:s22+$0xC0] =	vst v11  }
0x29: {  	v11 =	vor.u32 $0x1, v10;
	[tilespmem:s22+$0x40] =	vst v9  }
0x2a: {  	[tilespmem:s22+$0xFFFFFFC0] =	vst v11  }
0x2b: {  	v9 =	vld.idx.msk [tilespmem:v60+s14+$0x0], $0xffff  }
0x2c: {  	v10 =	vld.idx.msk [tilespmem:v13+s14+$0x0], $0xffff;
	_ =	sdelay $0x3  }
0x2d: {  	v9 =	vshll.u32 v9, $0x2  }
0x2e: {  	v10 =	vshll.u32 v10, $0x2;
	[tilespmem:s22+$0xFFFFFF10] =	vst v9  }
0x2f: {  	v11 =	vor.u32 $0x2, v9;
	[tilespmem:s22+$0xFFFFFF50] =	vst v10  }
0x30: {  	[tilespmem:s22+$0x10] =	vst v11;
	v11 =	vor.u32 $0x1, v9  }
0x31: {  	v61 =	vor.u32 $0x3, v10;
	[tilespmem:s22+$0xFFFFFF90] =	vst v11;
	v11 =	vor.u32 v4, v8  }
0x32: {  	v62 =	vor.u32 v5, v8;
	v63 =	vor.u32 $0x2, v10;
	[tilespmem:s22+$0xD0] =	vst v61  }
0x33: {  	v9 =	vor.u32 $0x3, v9;
	[tilespmem:s22+$0x50] =	vst v63  }
0x34: {  	[tilespmem:s22+$0x90] =	vst v9;
	v9 =	vor.u32 $0x1, v10  }
0x35: {  	[tilespmem:s22+$0xFFFFFFD0] =	vst v9  }
0x36: {  	v10 =	vld.idx.msk [tilespmem:v11+s14+$0x0], $0xffff  }
0x37: {  	s23 =	simm.s32 $0x80;
	s21 =	simm.s32 $0x7C28;
	v9 =	vld.idx.msk [tilespmem:v62+s14+$0x0], $0xffff  }
.LBB2_2:
0x38: {  	_ = 	snop  }
0x39: {  	p1 =	sne.s32 s23, $0xC00  }
0x3a: {  	s22 =	sadd.s32 $0x200, s22;
	s24 =	smov.u32 s23;
	s23 =	sadd.s32 $0x80, s23  }
0x3b: {  	v10 =	vshll.u32 v10, $0x2  }
0x3c: {  	v9 =	vshll.u32 v9, $0x2;
	[tilespmem:s21+$0xFFFFFF20] =	vst v10;
	v11 =	vor.u32 $0x1, v10;
	v12 =	vor.u32 $0x3, v10  }
0x3d: {  	[tilespmem:s21+$0xFFFFFFA0] =	vst v11;
	v11 =	vor.u32 $0x1, v9;
	v13 =	vor.u32 $0x2, v9;
	v14 =	vor.u32 $0x3, v9  }
0x3e: {  	v10 =	vor.u32 $0x2, v10;
	[tilespmem:s21+$0xA0] =	vst v12  }
0x3f: {  	[tilespmem:s21+$0xFFFFFF60] =	vst v9;
	v9 =	vor.u32 v6, v8  }
0x40: {  	v8 =	vor.u32 v7, v8;
	[tilespmem:s21+$0x20] =	vst v10  }
0x41: {  	[tilespmem:s21+$0xE0] =	vst v14  }
0x42: {  	[tilespmem:s21+$0xFFFFFFE0] =	vst v11  }
0x43: {  	[tilespmem:s21+$0x60] =	vst v13  }
0x44: {  	v9 =	vld.idx.msk [tilespmem:v9+s14+$0x0], $0xffff  }
0x45: {  	v8 =	vld.idx.msk [tilespmem:v8+s14+$0x0], $0xffff;
	_ =	sdelay $0x3  }
0x46: {  	v10 =	vmov s24  }
0x47: {  	v10 =	vshrl.u32 v10, $0x7;
	v9 =	vshll.u32 v9, $0x2  }
0x48: {  	v10 =	vshll.u32 v10, $0x7;
	v11 =	vshll.u32 v8, $0x2;
	v12 =	vor.u32 $0x1, v9;
	[tilespmem:s21+$0xFFFFFF30] =	vst v9  }
0x49: {  	v8 =	vbroadcast v10, $0x0;
	v10 =	vor.u32 $0x1, v11;
	v13 =	vor.u32 $0x3, v11;
	[tilespmem:s21+$0xFFFFFF70] =	vst v11  }
0x4a: {  	v11 =	vor.u32 $0x2, v11;
	[tilespmem:s21+$0xFFFFFFF0] =	vst v10;
	v10 =	vor.u32 $0x2, v9;
	v9 =	vor.u32 $0x3, v9  }
0x4b: {  	v14 =	vor.u32 v0, v8;
	v15 =	vor.u32 v1, v8;
	[tilespmem:s21+$0x30] =	vst v10  }
0x4c: {  	[tilespmem:s21+$0x70] =	vst v11  }
0x4d: {  	[tilespmem:s21+$0xF0] =	vst v13  }
0x4e: {  	[tilespmem:s21+$0xFFFFFFB0] =	vst v12  }
0x4f: {  	[tilespmem:s21+$0xB0] =	vst v9;
	s21 =	smov.u32 s22  }
0x50: {  	v9 =	vld.idx.msk [tilespmem:v14+s14+$0x0], $0xffff  }
0x51: {  	v10 =	vld.idx.msk [tilespmem:v15+s14+$0x0], $0xffff;
	_ =	sdelay $0x4  }
0x52: {  	v9 =	vshll.u32 v9, $0x2  }
0x53: {  	v10 =	vshll.u32 v10, $0x2;
	v11 =	vor.u32 $0x1, v9;
	v12 =	vor.u32 $0x2, v9;
	[tilespmem:s22+$0xFFFFFF00] =	vst v9  }
0x54: {  	v13 =	vor.u32 $0x1, v10;
	v14 =	vor.u32 $0x2, v10;
	[tilespmem:s22+$0xFFFFFF40] =	vst v10;
	v10 =	vor.u32 $0x3, v10  }
0x55: {  	v9 =	vor.u32 $0x3, v9;
	[tilespmem:s22+$0x0] =	vst v12  }
0x56: {  	[tilespmem:s22+$0xFFFFFF80] =	vst v11;
	v11 =	vor.u32 v2, v8  }
0x57: {  	[tilespmem:s22+$0xC0] =	vst v10;
	v10 =	vor.u32 v3, v8  }
0x58: {  	[tilespmem:s22+$0x80] =	vst v9  }
0x59: {  	[tilespmem:s22+$0xFFFFFFC0] =	vst v13  }
0x5a: {  	[tilespmem:s22+$0x40] =	vst v14  }
0x5b: {  	v9 =	vld.idx.msk [tilespmem:v11+s14+$0x0], $0xffff  }
0x5c: {  	v10 =	vld.idx.msk [tilespmem:v10+s14+$0x0], $0xffff;
	_ =	sdelay $0x4  }
0x5d: {  	v9 =	vshll.u32 v9, $0x2  }
0x5e: {  	v10 =	vshll.u32 v10, $0x2;
	v11 =	vor.u32 $0x1, v9;
	v12 =	vor.u32 $0x2, v9;
	[tilespmem:s22+$0xFFFFFF10] =	vst v9  }
0x5f: {  	v13 =	vor.u32 $0x1, v10;
	v14 =	vor.u32 $0x3, v10;
	[tilespmem:s22+$0x10] =	vst v12;
	v12 =	vor.u32 $0x2, v10  }
0x60: {  	v9 =	vor.u32 $0x3, v9;
	[tilespmem:s22+$0xFFFFFF50] =	vst v10  }
0x61: {  	v10 =	vor.u32 v4, v8;
	[tilespmem:s22+$0xFFFFFF90] =	vst v11  }
0x62: {  	v11 =	vor.u32 v5, v8;
	[tilespmem:s22+$0xD0] =	vst v14  }
.Ltmp0:
0x63: {  	[tilespmem:s22+$0x90] =	vst v9;
	(pc) =	sbr.rel @p1 .LBB2_2-.Ltmp0, $4  }
0x64: {  	[tilespmem:s22+$0x50] =	vst v12  }
0x65: {  	[tilespmem:s22+$0xFFFFFFD0] =	vst v13  }
0x66: {  	v10 =	vld.idx.msk [tilespmem:v10+s14+$0x0], $0xffff  }
0x67: {  	v9 =	vld.idx.msk [tilespmem:v11+s14+$0x0], $0xffff  }
0x68: {  	_ =	sdelay $0x2  }
0x69: {  	v10 =	vshll.u32 v10, $0x2  }
0x6a: {  	[tilespmem:s21+$0xFFFFFF20] =	vst v10;
	v11 =	vor.u32 $0x1, v10  }
0x6b: {  	v12 =	vor.u32 $0x3, v10;
	[tilespmem:s21+$0xFFFFFFA0] =	vst v11  }
0x6c: {  	v9 =	vshll.u32 v9, $0x2;
	[tilespmem:s21+$0xA0] =	vst v12  }
0x6d: {  	v10 =	vor.u32 $0x2, v10;
	[tilespmem:s21+$0xFFFFFF60] =	vst v9;
	v11 =	vor.u32 v6, v8  }
0x6e: {  	v12 =	vor.u32 $0x3, v9;
	[tilespmem:s21+$0x20] =	vst v10;
	v8 =	vor.u32 v7, v8  }
0x6f: {  	v10 =	vor.u32 $0x1, v9;
	[tilespmem:s21+$0xE0] =	vst v12  }
0x70: {  	v9 =	vor.u32 $0x2, v9;
	[tilespmem:s21+$0xFFFFFFE0] =	vst v10  }
0x71: {  	[tilespmem:s21+$0x60] =	vst v9  }
0x72: {  	v9 =	vld.idx.msk [tilespmem:v11+s14+$0x0], $0xffff  }
0x73: {  	v8 =	vld.idx.msk [tilespmem:v8+s14+$0x0], $0xffff;
	_ =	sdelay $0x3  }
0x74: {  	v14 =	vshll.u32 v9, $0x2  }
0x75: {  	v10 =	vshll.u32 v8, $0x2;
	[tilespmem:s21+$0xFFFFFF30] =	vst v14  }
0x76: {  	v13 =	vbroadcast v24, $0x7;
	v17 =	vbroadcast v24, $0x9;
	[tilespmem:s21+$0xFFFFFF70] =	vst v10;
	v8 =	vor.u32 $0x1, v10  }
0x77: {  	v18 =	vbroadcast v24, $0xC;
	v19 =	vbroadcast v24, $0xF;
	v11 =	vor.u32 $0x2, v10;
	[tilespmem:s21+$0xFFFFFFF0] =	vst v8  }
0x78: {  	v20 =	vbroadcast v24, $0xA;
	v21 =	vbroadcast v24, $0xD;
	v12 =	vor.u32 $0x3, v10;
	[tilespmem:s21+$0x70] =	vst v11  }
0x79: {  	v22 =	vbroadcast v27, $0x8;
	v23 =	vbroadcast v24, $0xB;
	v15 =	vor.u32 $0x1, v14;
	[tilespmem:s21+$0xF0] =	vst v12  }
0x7a: {  	v25 =	vbroadcast v27, $0x9;
	v26 =	vbroadcast v27, $0xB;
	v16 =	vor.u32 $0x3, v14;
	[tilespmem:s21+$0xFFFFFFB0] =	vst v15  }
0x7b: {  	v27 =	vbroadcast v27, $0xA;
	v9 =	vbroadcast v24, $0x3;
	v8 =	vor.u32 $0x2, v14;
	[tilespmem:s21+$0xB0] =	vst v16  }
0x7c: {  	v10 =	vbroadcast v24, $0x6;
	v11 =	vbroadcast v24, $0x1;
	[tilespmem:s21+$0x30] =	vst v8  }
0x7d: {  	v12 =	vbroadcast v24, $0x4;
	v14 =	vbroadcast v24, $0x2;
	[tilespmem:s17], [sflag:$0x1] =	stream.indirect.gather [spmem:s2], $0x1, s16, s15, $0xb8;
	[tilespmem:$0x143A8] =	vst v63  }
0x7e: {  	p1 =	por $0x1, $0x1;
	p2 =	por $0x0, $0x0;
	v15 =	vbroadcast v24, $0x5;
	v16 =	vbroadcast v24, $0x8;
	s21 =	simm.s32 $0x0  }
0x7f: {  	v28 =	vimm.f32 $0.0e+00;
	v8 =	vbroadcast v24, $0x0;
	v24 =	vbroadcast v24, $0xE;
	[tilespmem:s18], [sflag:$0x4] =	stream.linear.gather [hbm4b:s7+s21], $0xC80, $0x38;
	[tilespmem:$0x143A8] =	vst v63  }
.LBB2_4:
0x80: {  	p3 =	seq.s32 s21, $0x7C  }
.Ltmp1:
0x81: {  	_ = 	snop;
	(pc) =	sbr.rel @p3 .LBB2_8-.Ltmp1, $2  }
0x82: {  	_ =	sdelay $0x2  }
0x83: {  	s22 =	sand.u32 $0x1, s21  }
0x84: {  	s25 =	simm.s32 $0x1  }
0x85: {  	s25 =	simm.s32 @!p1 $0x0  }
0x86: {  	s24 =	smul.u32 $0xC80, s25;
	_ =	sdelay $0x1  }
0x87: {  	s23 =	sadd.s32 $0x0, s24  }
0x88: {  	v29 =	vmov s23  }
0x89: {  	v29 =	vshrl.u32 v29, $0x7  }
0x8a: {  	v29 =	vshll.u32 v29, $0x7  }
0x8b: {  	v29 =	vbroadcast v29, $0x0;
	_ =	sdelay $0x1  }
0x8c: {  	s23 =	sxor.u32 $0x1, s22;
	v30 =	vor.u32 v0, v29  }
0x8d: {  	s26 =	sadd.s32 $0x3, s23;
	v31 =	vor.u32 v1, v29  }
0x8e: {  	_ =	swait.ge [sflag:s26], $0xC80  }
0x8f: {  	[sflag:s26] =	ssyncset.done $0x0  }
0x90: {  	[sflag:s26] =	ssyncadd.s32 $0xFFFFF380  }
0x91: {  	v30 =	vld.idx.msk [tilespmem:v30+s14+$0x0], $0xffff  }
0x92: {  	v31 =	vld.idx.msk [tilespmem:v31+s14+$0x0], $0xffff  }
0x93: {  	s25 =	smul.u32 $0xC800, s25;
	_ =	sdelay $0x1  }
0x94: {  	s25 =	sshrl.u32 s25, $0x2  }
0x95: {  	s28 =	sadd.s32 $0x7C28, s25;
	v30 =	vshll.u32 v30, $0x2  }
0x96: {  	v31 =	vshll.u32 v31, $0x2;
	[tilespmem:s28+$0xFFFFFF00] =	vst v30  }
0x97: {  	v32 =	vor.u32 $0x2, v30;
	[tilespmem:s28+$0xFFFFFF40] =	vst v31  }
0x98: {  	v33 =	vor.u32 $0x1, v30;
	[tilespmem:s28+$0x0] =	vst v32  }
0x99: {  	v56 =	vor.u32 v2, v29;
	v55 =	vor.u32 $0x3, v31;
	[tilespmem:s28+$0xFFFFFF80] =	vst v33  }
0x9a: {  	v34 =	vor.u32 v3, v29;
	v30 =	vor.u32 $0x3, v30;
	[tilespmem:s28+$0xC0] =	vst v55  }
0x9b: {  	v57 =	vor.u32 $0x1, v31;
	[tilespmem:s28+$0x80] =	vst v30  }
0x9c: {  	v30 =	vor.u32 $0x2, v31;
	[tilespmem:s28+$0xFFFFFFC0] =	vst v57  }
0x9d: {  	[tilespmem:s28+$0x40] =	vst v30  }
0x9e: {  	v30 =	vld.idx.msk [tilespmem:v56+s14+$0x0], $0xffff  }
0x9f: {  	v31 =	vld.idx.msk [tilespmem:v34+s14+$0x0], $0xffff;
	_ =	sdelay $0x3  }
0xa0: {  	v30 =	vshll.u32 v30, $0x2  }
0xa1: {  	v31 =	vshll.u32 v31, $0x2;
	[tilespmem:s28+$0xFFFFFF10] =	vst v30  }
0xa2: {  	v58 =	vor.u32 $0x2, v30;
	[tilespmem:s28+$0xFFFFFF50] =	vst v31  }
0xa3: {  	v59 =	vor.u32 $0x1, v30;
	[tilespmem:s28+$0x10] =	vst v58  }
0xa4: {  	v61 =	vor.u32 v4, v29;
	v60 =	vor.u32 $0x3, v31;
	[tilespmem:s28+$0xFFFFFF90] =	vst v59  }
0xa5: {  	v62 =	vor.u32 v5, v29;
	v30 =	vor.u32 $0x3, v30;
	[tilespmem:s28+$0xD0] =	vst v60  }
0xa6: {  	v63 =	vor.u32 $0x2, v31;
	[tilespmem:s28+$0x90] =	vst v30  }
0xa7: {  	v30 =	vor.u32 $0x1, v31;
	[tilespmem:s28+$0x50] =	vst v63  }
0xa8: {  	s25 =	smul.u32 $0x3200, s23;
	[tilespmem:s28+$0xFFFFFFD0] =	vst v30  }
0xa9: {  	v31 =	vld.idx.msk [tilespmem:v61+s14+$0x0], $0xffff  }
0xaa: {  	s30 =	simm.s32 $0x80;
	s29 =	smov.u32 s28;
	s26 =	sadd.s32 $0x7B28, s25;
	v30 =	vld.idx.msk [tilespmem:v62+s14+$0x0], $0xffff  }
.LBB2_6:
0xab: {  	_ = 	snop  }
0xac: {  	p3 =	sne.s32 s30, $0xC00  }
0xad: {  	s28 =	sadd.s32 $0x200, s28;
	s31 =	smov.u32 s30;
	s30 =	sadd.s32 $0x80, s30  }
0xae: {  	v31 =	vshll.u32 v31, $0x2  }
0xaf: {  	v30 =	vshll.u32 v30, $0x2;
	[tilespmem:s29+$0xFFFFFF20] =	vst v31;
	v32 =	vor.u32 $0x1, v31;
	v33 =	vor.u32 $0x3, v31  }
0xb0: {  	[tilespmem:s29+$0xFFFFFFA0] =	vst v32;
	v32 =	vor.u32 $0x1, v30;
	v34 =	vor.u32 $0x2, v30;
	v35 =	vor.u32 $0x3, v30  }
0xb1: {  	v31 =	vor.u32 $0x2, v31;
	[tilespmem:s29+$0xA0] =	vst v33  }
0xb2: {  	[tilespmem:s29+$0xFFFFFF60] =	vst v30;
	v30 =	vor.u32 v6, v29  }
0xb3: {  	v29 =	vor.u32 v7, v29;
	[tilespmem:s29+$0x20] =	vst v31  }
0xb4: {  	[tilespmem:s29+$0xE0] =	vst v35  }
0xb5: {  	[tilespmem:s29+$0xFFFFFFE0] =	vst v32  }
0xb6: {  	[tilespmem:s29+$0x60] =	vst v34  }
0xb7: {  	v30 =	vld.idx.msk [tilespmem:v30+s14+$0x0], $0xffff  }
0xb8: {  	v29 =	vld.idx.msk [tilespmem:v29+s14+$0x0], $0xffff;
	_ =	sdelay $0x2  }
0xb9: {  	s31 =	sadd.s32 s31, s24  }
0xba: {  	v31 =	vmov s31  }
0xbb: {  	v31 =	vshrl.u32 v31, $0x7;
	v30 =	vshll.u32 v30, $0x2  }
0xbc: {  	v31 =	vshll.u32 v31, $0x7;
	v32 =	vshll.u32 v29, $0x2;
	v33 =	vor.u32 $0x1, v30;
	[tilespmem:s29+$0xFFFFFF30] =	vst v30  }
0xbd: {  	v29 =	vbroadcast v31, $0x0;
	v31 =	vor.u32 $0x1, v32;
	v34 =	vor.u32 $0x3, v32;
	[tilespmem:s29+$0xFFFFFF70] =	vst v32  }
0xbe: {  	v32 =	vor.u32 $0x2, v32;
	[tilespmem:s29+$0xFFFFFFF0] =	vst v31;
	v31 =	vor.u32 $0x2, v30;
	v30 =	vor.u32 $0x3, v30  }
0xbf: {  	v35 =	vor.u32 v0, v29;
	v36 =	vor.u32 v1, v29;
	[tilespmem:s29+$0x30] =	vst v31  }
0xc0: {  	[tilespmem:s29+$0x70] =	vst v32  }
0xc1: {  	[tilespmem:s29+$0xF0] =	vst v34  }
0xc2: {  	[tilespmem:s29+$0xFFFFFFB0] =	vst v33  }
0xc3: {  	[tilespmem:s29+$0xB0] =	vst v30;
	s29 =	smov.u32 s28  }
0xc4: {  	v30 =	vld.idx.msk [tilespmem:v35+s14+$0x0], $0xffff  }
0xc5: {  	v31 =	vld.idx.msk [tilespmem:v36+s14+$0x0], $0xffff;
	_ =	sdelay $0x4  }
0xc6: {  	v30 =	vshll.u32 v30, $0x2  }
0xc7: {  	v31 =	vshll.u32 v31, $0x2;
	v32 =	vor.u32 $0x1, v30;
	v33 =	vor.u32 $0x2, v30;
	[tilespmem:s28+$0xFFFFFF00] =	vst v30  }
0xc8: {  	v34 =	vor.u32 $0x1, v31;
	v35 =	vor.u32 $0x2, v31;
	[tilespmem:s28+$0xFFFFFF40] =	vst v31;
	v31 =	vor.u32 $0x3, v31  }
0xc9: {  	v30 =	vor.u32 $0x3, v30;
	[tilespmem:s28+$0x0] =	vst v33  }
0xca: {  	[tilespmem:s28+$0xFFFFFF80] =	vst v32;
	v32 =	vor.u32 v2, v29  }
0xcb: {  	[tilespmem:s28+$0xC0] =	vst v31;
	v31 =	vor.u32 v3, v29  }
0xcc: {  	[tilespmem:s28+$0x80] =	vst v30  }
0xcd: {  	[tilespmem:s28+$0xFFFFFFC0] =	vst v34  }
0xce: {  	[tilespmem:s28+$0x40] =	vst v35  }
0xcf: {  	v30 =	vld.idx.msk [tilespmem:v32+s14+$0x0], $0xffff  }
0xd0: {  	v31 =	vld.idx.msk [tilespmem:v31+s14+$0x0], $0xffff;
	_ =	sdelay $0x4  }
0xd1: {  	v30 =	vshll.u32 v30, $0x2  }
0xd2: {  	v31 =	vshll.u32 v31, $0x2;
	v32 =	vor.u32 $0x1, v30;
	v33 =	vor.u32 $0x2, v30;
	[tilespmem:s28+$0xFFFFFF10] =	vst v30  }
0xd3: {  	v34 =	vor.u32 $0x1, v31;
	v35 =	vor.u32 $0x3, v31;
	[tilespmem:s28+$0x10] =	vst v33;
	v33 =	vor.u32 $0x2, v31  }
0xd4: {  	v30 =	vor.u32 $0x3, v30;
	[tilespmem:s28+$0xFFFFFF50] =	vst v31  }
0xd5: {  	v31 =	vor.u32 v4, v29;
	[tilespmem:s28+$0xFFFFFF90] =	vst v32  }
0xd6: {  	v32 =	vor.u32 v5, v29;
	[tilespmem:s28+$0xD0] =	vst v35  }
.Ltmp2:
0xd7: {  	[tilespmem:s28+$0x90] =	vst v30;
	(pc) =	sbr.rel @p3 .LBB2_6-.Ltmp2, $4  }
0xd8: {  	[tilespmem:s28+$0x50] =	vst v33  }
0xd9: {  	[tilespmem:s28+$0xFFFFFFD0] =	vst v34  }
0xda: {  	v31 =	vld.idx.msk [tilespmem:v31+s14+$0x0], $0xffff  }
0xdb: {  	v30 =	vld.idx.msk [tilespmem:v32+s14+$0x0], $0xffff  }
0xdc: {  	_ =	sdelay $0x2  }
0xdd: {  	v31 =	vshll.u32 v31, $0x2  }
0xde: {  	[tilespmem:s29+$0xFFFFFF20] =	vst v31;
	v32 =	vor.u32 $0x1, v31  }
0xdf: {  	v33 =	vor.u32 $0x3, v31;
	[tilespmem:s29+$0xFFFFFFA0] =	vst v32  }
0xe0: {  	v30 =	vshll.u32 v30, $0x2;
	[tilespmem:s29+$0xA0] =	vst v33  }
0xe1: {  	v61 =	vor.u32 v6, v29;
	v31 =	vor.u32 $0x2, v31;
	[tilespmem:s29+$0xFFFFFF60] =	vst v30  }
0xe2: {  	v29 =	vor.u32 v7, v29;
	v62 =	vor.u32 $0x3, v30;
	[tilespmem:s29+$0x20] =	vst v31  }
0xe3: {  	v31 =	vor.u32 $0x1, v30;
	[tilespmem:s29+$0xE0] =	vst v62  }
0xe4: {  	v30 =	vor.u32 $0x2, v30;
	[tilespmem:s29+$0xFFFFFFE0] =	vst v31  }
0xe5: {  	[tilespmem:s29+$0x60] =	vst v30  }
0xe6: {  	v30 =	vld.idx.msk [tilespmem:v61+s14+$0x0], $0xffff  }
0xe7: {  	v29 =	vld.idx.msk [tilespmem:v29+s14+$0x0], $0xffff;
	_ =	sdelay $0x3  }
0xe8: {  	v30 =	vshll.u32 v30, $0x2  }
0xe9: {  	v29 =	vshll.u32 v29, $0x2;
	[tilespmem:s29+$0xFFFFFF30] =	vst v30  }
0xea: {  	[tilespmem:s29+$0xFFFFFF70] =	vst v29;
	v31 =	vor.u32 $0x1, v29  }
0xeb: {  	v63 =	vor.u32 $0x2, v29;
	[tilespmem:s29+$0xFFFFFFF0] =	vst v31  }
0xec: {  	v29 =	vor.u32 $0x3, v29;
	[tilespmem:s29+$0x70] =	vst v63  }
0xed: {  	v31 =	vor.u32 $0x2, v30;
	[tilespmem:s29+$0xF0] =	vst v29  }
0xee: {  	p3 =	sgt.u32 s21, $0x7A;
	v29 =	vor.u32 $0x3, v30;
	[tilespmem:s29+$0x30] =	vst v31  }
0xef: {  	s24 =	smul.u32 @!p3 $0x3200, s22;
	v31 =	vor.u32 $0x1, v30;
	[tilespmem:s29+$0xB0] =	vst v29  }
0xf0: {  	s25 =	sadd.s32 $0xDF28, s25;
	s23 =	sadd.s32 $0x1, s23;
	s28 =	smul.u32 @!p3 $0xC80, s21;
	[tilespmem:s29+$0xFFFFFFB0] =	vst v31  }
0xf1: {  	[tilespmem:s25], [sflag:s23] =	stream.indirect.gather [spmem:s2], $0x1, s26, s15, $0xb8;
	[tilespmem:$0x143A8] =	vst v63  }
0xf2: {  	s23 =	sshrl.u32 @!p3 s24, $0x2;
	s24 =	sadd.s32 @!p3 s28, s8  }
0xf3: {  	s25 =	sadd.s32 @!p3 $0x3, s22;
	s24 =	sshrl.u32 @!p3 s24, $0x3  }
0xf4: {  	s26 =	simm.s32 @!p3 $0x0;
	s23 =	sadd.s32 @!p3 $0x6228, s23;
	s24 =	sadd.s32 @!p3 s5, s24  }
0xf5: {  	[tilespmem:s23], [sflag:s25] =	stream.linear.gather @!p3 [hbm4b:s24+s26], $0xC80, $0x38;
	[tilespmem:$0x143A8] =	vst v63  }
.LBB2_8:
0xf6: {  	s23 =	simm.s32 $0x1  }
0xf7: {  	s23 =	simm.s32 @!p2 $0x0  }
0xf8: {  	s23 =	smul.u32 $0xC800, s23;
	_ =	sdelay $0x1  }
0xf9: {  	s23 =	sshrl.u32 s23, $0x2  }
0xfa: {  	s23 =	sadd.s32 $0xE028, s23  }
0xfb: {  	v29 =	vmov s23  }
0xfc: {  	s22 =	sadd.s32 $0x1, s22  }
0xfd: {  	_ =	swait.ge [sflag:s22], $0x3200  }
0xfe: {  	[sflag:s22] =	ssyncset.done $0x0  }
0xff: {  	[sflag:s22] =	ssyncadd.s32 $0xFFFFCE00;
	s22 =	simm.s32 $0x0  }
0x100: {  	v30 =	vld.idx.msk [tilespmem:v29+s22+$0x30 ss:$0x1], $0xffff  }
0x101: {  	v31 =	vld.idx.msk [tilespmem:v29+s22+$0x70 ss:$0x1], $0xffff  }
0x102: {  	v32 =	vld.idx.msk [tilespmem:v29+s22+$0x20 ss:$0x1], $0xffff  }
0x103: {  	v33 =	vld.idx.msk [tilespmem:v29+s22+$0x60 ss:$0x1], $0xffff  }
0x104: {  	v34 =	vld.idx.msk [tilespmem:v29+s22+$0xFFFFFF30 ss:$0x1], $0xffff  }
0x105: {  	v35 =	vld.idx.msk [tilespmem:v29+s22+$0xFFFFFF70 ss:$0x1], $0xffff  }
0x106: {  	v36 =	vld.idx.msk [tilespmem:v29+s22+$0xFFFFFFB0 ss:$0x1], $0xffff  }
0x107: {  	v37 =	vld.idx.msk [tilespmem:v29+s22+$0xFFFFFFF0 ss:$0x1], $0xffff  }
0x108: {  	v38 =	vld.idx.msk [tilespmem:v29+s22+$0x10 ss:$0x1], $0xffff  }
0x109: {  	v39 =	vld.idx.msk [tilespmem:v29+s22+$0x50 ss:$0x1], $0xffff  }
0x10a: {  	v40 =	vld.idx.msk [tilespmem:v29+s22+$0xFFFFFF20 ss:$0x1], $0xffff  }
0x10b: {  	v41 =	vld.idx.msk [tilespmem:v29+s22+$0xFFFFFF60 ss:$0x1], $0xffff  }
0x10c: {  	v42 =	vld.idx.msk [tilespmem:v29+s22+$0xFFFFFFA0 ss:$0x1], $0xffff  }
0x10d: {  	v43 =	vld.idx.msk [tilespmem:v29+s22+$0xFFFFFFE0 ss:$0x1], $0xffff  }
0x10e: {  	v44 =	vld.idx.msk [tilespmem:v29+s22+$0x0 ss:$0x1], $0xffff  }
0x10f: {  	v45 =	vld.idx.msk [tilespmem:v29+s22+$0x40 ss:$0x1], $0xffff  }
0x110: {  	v46 =	vld.idx.msk [tilespmem:v29+s22+$0xFFFFFF10 ss:$0x1], $0xffff  }
0x111: {  	v47 =	vld.idx.msk [tilespmem:v29+s22+$0xFFFFFF50 ss:$0x1], $0xffff  }
0x112: {  	v48 =	vld.idx.msk [tilespmem:v29+s22+$0xFFFFFF90 ss:$0x1], $0xffff  }
0x113: {  	v49 =	vld.idx.msk [tilespmem:v29+s22+$0xFFFFFFD0 ss:$0x1], $0xffff  }
0x114: {  	v50 =	vld.idx.msk [tilespmem:v29+s22+$0xFFFFFF00 ss:$0x1], $0xffff  }
0x115: {  	v51 =	vld.idx.msk [tilespmem:v29+s22+$0xFFFFFF40 ss:$0x1], $0xffff;
	v30 =	vsub.f32 v30, v31;
	v32 =	vsub.f32 v32, v33  }
0x116: {  	v33 =	vsub.f32 v34, v35;
	v35 =	vsub.f32 v36, v37  }
0x117: {  	v1 =	vsub.f32 v38, v39;
	v37 =	vsub.f32 v40, v41  }
0x118: {  	v38 =	vsub.f32 v42, v43;
	v39 =	vsub.f32 v44, v45  }
0x119: {  	v2 =	vsub.f32 v46, v47;
	v41 =	vsub.f32 v48, v49  }
0x11a: {  	v3 =	vsub.f32 v50, v51;
	v4 =	vshrl.u32 v32, $0x10;
	v5 =	vshrl.u32 v30, $0x10  }
0x11b: {  	v56 =	vshrl.u32 v33, $0x10;
	v57 =	vshrl.u32 v35, $0x10;
	v58 =	vshrl.u32 v1, $0x10  }
0x11c: {  	v59 =	vshrl.u32 v37, $0x10;
	v60 =	vshrl.u32 v39, $0x10;
	v61 =	vshrl.u32 v38, $0x10  }
0x11d: {  	v62 =	vshrl.u32 v2, $0x10;
	v63 =	vshrl.u32 v41, $0x10;
	v52 =	vshrl.u32 v3, $0x10  }
0x11e: {  	v0 =	vld.idx.msk [tilespmem:v29+s22+$0xFFFFFFC0 ss:$0x1], $0xffff;
	v43 =	vand.u32 $0x1, v5;
	v34 =	vand.u32 $0x1, v4;
	v44 =	vand.u32 $0x1, v56  }
0x11f: {  	v31 =	vld.idx.msk [tilespmem:v29+s22+$0xFFFFFF80 ss:$0x1], $0xffff;
	v46 =	vand.u32 $0x1, v58;
	v45 =	vand.u32 $0x1, v57;
	v48 =	vand.u32 $0x1, v60  }
0x120: {  	v47 =	vand.u32 $0x1, v59;
	v49 =	vand.u32 $0x1, v61;
	v52 =	vand.u32 $0x1, v52  }
0x121: {  	v50 =	vand.u32 $0x1, v62;
	v51 =	vand.u32 $0x1, v63;
	v32 =	vadd.s32 v34, v32  }
0x122: {  	v30 =	vadd.s32 v43, v30;
	v33 =	vadd.s32 v44, v33;
	v35 =	vadd.s32 v45, v35  }
0x123: {  	v37 =	vadd.s32 v47, v37;
	v38 =	vadd.s32 v49, v38;
	v41 =	vadd.s32 v51, v41  }
0x124: {  	v39 =	vadd.s32 v48, v39;
	v31 =	vsub.f32 v31, v0;
	v0 =	vadd.s32 v46, v1  }
0x125: {  	v1 =	vadd.s32 v50, v2;
	v2 =	vadd.s32 v52, v3;
	v32 =	vadd.s32 $0x7FFF, v32  }
0x126: {  	v33 =	vadd.s32 $0x7FFF, v33;
	v30 =	vadd.s32 $0x7FFF, v30;
	v37 =	vadd.s32 $0x7FFF, v37  }
0x127: {  	v35 =	vadd.s32 $0x7FFF, v35;
	v41 =	vadd.s32 $0x7FFF, v41;
	v38 =	vadd.s32 $0x7FFF, v38  }
0x128: {  	v39 =	vadd.s32 $0x7FFF, v39;
	v34 =	vadd.s32 $0x7FFF, v0;
	v32 =	vand.u32 $0xFFFF0000, v32  }
0x129: {  	v33 =	vand.u32 $0xFFFF0000, v33;
	v30 =	vand.u32 $0xFFFF0000, v30;
	v42 =	vmul.f32 v32, v16  }
0x12a: {  	v35 =	vand.u32 $0xFFFF0000, v35;
	v43 =	vmul.f32 v30, v16;
	v44 =	vmul.f32 v30, v10  }
0x12b: {  	v37 =	vand.u32 $0xFFFF0000, v37;
	v30 =	vmul.f32 v30, v13;
	v45 =	vmul.f32 v33, v14  }
0x12c: {  	v38 =	vand.u32 $0xFFFF0000, v38;
	v3 =	vmul.f32 v35, v15;
	v49 =	vmul.f32 v32, v10  }
0x12d: {  	v36 =	vadd.s32 $0x7FFF, v1;
	v4 =	vmul.f32 v37, v14;
	v5 =	vmul.f32 v38, v15  }
0x12e: {  	v40 =	vadd.s32 $0x7FFF, v2;
	v0 =	vmul.f32 v33, v8;
	v1 =	vmul.f32 v35, v9  }
0x12f: {  	v41 =	vand.u32 $0xFFFF0000, v41;
	v33 =	vmul.f32 v33, v11;
	v35 =	vmul.f32 v35, v12  }
0x130: {  	v39 =	vand.u32 $0xFFFF0000, v39;
	v55 =	vmul.f32 v41, v15;
	v56 =	vmul.f32 v37, v8  }
0x131: {  	v53 =	vshrl.u32 v31, $0x10;
	v57 =	vmul.f32 v38, v9;
	v37 =	vmul.f32 v37, v11  }
0x132: {  	v36 =	vand.u32 $0xFFFF0000, v36;
	v38 =	vmul.f32 v38, v12;
	v60 =	vmul.f32 v41, v9  }
0x133: {  	v40 =	vand.u32 $0xFFFF0000, v40;
	v41 =	vmul.f32 v41, v12;
	v32 =	vmul.f32 v32, v13  }
0x134: {  	v34 =	vand.u32 $0xFFFF0000, v34;
	v54 =	vmul.f32 v36, v14;
	v2 =	vmul.f32 v40, v14  }
0x135: {  	v53 =	vand.u32 $0x1, v53;
	v59 =	vmul.f32 v36, v8;
	v36 =	vmul.f32 v36, v11  }
0x136: {  	v61 =	vmul.f32 v40, v8;
	v62 =	vmul.f32 v34, v13;
	v50 =	vadd.f32 v5, v4  }
0x137: {  	v31 =	vadd.s32 v53, v31;
	v45 =	vadd.f32 v3, v45;
	v4 =	vadd.f32 v1, v0  }
0x138: {  	v33 =	vadd.f32 v35, v33;
	v5 =	vmul.f32 v40, v11;
	v52 =	vadd.f32 v57, v56  }
0x139: {  	v37 =	vadd.f32 v38, v37;
	v31 =	vadd.s32 $0x7FFF, v31;
	v40 =	vadd.f32 v55, v54  }
0x13a: {  	v53 =	vadd.f32 v60, v59;
	v41 =	vadd.f32 v41, v36;
	v60 =	vmul.f32 v34, v10  }
0x13b: {  	v31 =	vand.u32 $0xFFFF0000, v31;
	v0 =	vadd.f32 v42, v50;
	v1 =	vadd.f32 v30, v33  }
0x13c: {  	v6 =	vadd.f32 v32, v37;
	v58 =	vmul.f32 v31, v15;
	v36 =	vadd.f32 v60, v53  }
0x13d: {  	v63 =	vld.idx.msk [tilespmem:v29+s22+$0x90 ss:$0x1], $0xffff;
	v3 =	vmul.f32 v31, v9;
	v33 =	vadd.f32 v62, v41;
	v53 =	vadd.f32 $5.000000000e-01, v0  }
0x13e: {  	v38 =	vld.idx.msk [tilespmem:v29+s22+$0xB0 ss:$0x1], $0xffff;
	v31 =	vmul.f32 v31, v12;
	v51 =	vadd.f32 $5.000000000e-01, v1;
	v50 =	vadd.f32 $5.000000000e-01, v6  }
0x13f: {  	v47 =	vmul.f32 v34, v16;
	v57 =	vld.idx.msk [tilespmem:v29+s22+$0xF0 ss:$0x1], $0xffff;
	v48 =	vadd.f32 v58, v2;
	v46 =	vadd.f32 v3, v61  }
0x140: {  	v30 =	vmul.f32 v39, v10;
	v42 =	vld.idx.msk [tilespmem:v29+s22+$0xD0 ss:$0x1], $0xffff;
	v31 =	vadd.f32 v31, v5;
	v2 =	vadd.f32 v43, v45  }
0x141: {  	v58 =	vmul.f32 v39, v16;
	v3 =	vadd.f32 v44, v4;
	v5 =	vadd.f32 v47, v40  }
0x142: {  	v4 =	vadd.f32 v49, v52;
	v39 =	vmul.f32 v39, v13;
	v55 =	vtrunc.f32 v51  }
0x143: {  	v62 =	vtrunc.f32 v50;
	v34 =	vadd.f32 v58, v48;
	v37 =	vadd.f32 v30, v46  }
0x144: {  	v48 =	vadd.f32 $5.000000000e-01, v2;
	v30 =	vmul.f32 v57, v38;
	v49 =	vadd.f32 $5.000000000e-01, v3  }
0x145: {  	v59 =	vld.idx.msk [tilespmem:v29+s22+$0xA0 ss:$0x1], $0xffff;
	v56 =	vadd.f32 $5.000000000e-01, v5;
	v32 =	vmul.f32 v42, v63;
	v46 =	vtrunc.f32 v53  }
0x146: {  	v61 =	vld.idx.msk [tilespmem:v29+s22+$0xE0 ss:$0x1], $0xffff;
	v58 =	vadd.f32 $5.000000000e-01, v36;
	v55 =	vcvt.f32.s32 v55;
	v62 =	vcvt.f32.s32 v62  }
0x147: {  	v57 =	vadd.f32 $5.000000000e-01, v33;
	v46 =	vcvt.f32.s32 v46;
	v45 =	vtrunc.f32 v48  }
0x148: {  	v35 =	vadd.f32 v39, v31;
	v52 =	vtrunc.f32 v49;
	v54 =	vtrunc.f32 v56  }
0x149: {  	v47 =	vadd.f32 $5.000000000e-01, v4;
	v39 =	vtrunc.f32 v58;
	v41 =	vtrunc.f32 v57  }
0x14a: {  	v55 =	vcvt.s32.f32 v55;
	v62 =	vcvt.s32.f32 v62  }
0x14b: {  	v31 =	vmul.f32 v61, v59;
	v61 =	vtrunc.f32 v47  }
0x14c: {  	v60 =	vadd.f32 $5.000000000e-01, v37;
	v45 =	vcvt.f32.s32 v45;
	v52 =	vcvt.f32.s32 v52  }
0x14d: {  	v63 =	vadd.f32 $5.000000000e-01, v35;
	v54 =	vcvt.f32.s32 v54;
	v44 =	vcvt.f32.s32 v39  }
0x14e: {  	v59 =	vadd.f32 $5.000000000e-01, v34;
	v41 =	vcvt.f32.s32 v41;
	v40 =	vtrunc.f32 v60  }
0x14f: {  	v42 =	vtrunc.f32 v63;
	v61 =	vcvt.f32.s32 v61  }
0x150: {  	v38 =	vtrunc.f32 v59;
	v40 =	vcvt.f32.s32 v40  }
0x151: {  	v42 =	vcvt.f32.s32 v42;
	v39 =	vcvt.s32.f32 v45  }
0x152: {  	vm5 =	vlt.f32 v51, v55;
	v52 =	vcvt.s32.f32 v52;
	v54 =	vcvt.s32.f32 v54  }
0x153: {  	v51 =	vadd.f32 $-1.000000000e+00, v55;
	v44 =	vcvt.s32.f32 v44;
	v43 =	vcvt.f32.s32 v38  }
0x154: {  	vm8 =	vlt.f32 v50, v62;
	v38 =	vcvt.s32.f32 v46;
	v61 =	vcvt.s32.f32 v61  }
0x155: {  	v50 =	vadd.f32 $-1.000000000e+00, v62;
	v46 =	vcvt.s32.f32 v40;
	v40 =	vcvt.s32.f32 v41  }
0x156: {  	v45 =	vcvt.s32.f32 v42;
	vm2 =	vlt.f32 v48, v39;
	v41 =	vadd.f32 $-1.000000000e+00, v39  }
0x157: {  	vm4 =	vlt.f32 v49, v52;
	vm6 =	vlt.f32 v56, v54;
	v56 =	vadd.f32 $-1.000000000e+00, v54  }
0x158: {  	vm10 =	vlt.f32 v58, v44;
	v58 =	vadd.f32 $-1.000000000e+00, v44;
	v43 =	vcvt.s32.f32 v43  }
0x159: {  	vm3 =	vlt.f32 v53, v38;
	v42 =	vadd.f32 $-1.000000000e+00, v38;
	v53 =	vadd.f32 $-1.000000000e+00, v52  }
0x15a: {  	vm7 =	vlt.f32 v47, v61;
	v47 =	vadd.f32 $-1.000000000e+00, v61;
	vm11 =	vlt.f32 v57, v40  }
0x15b: {  	v57 =	vadd.f32 $-1.000000000e+00, v40;
	vm1 =	vlt.f32 v60, v46;
	v49 =	vadd.f32 $-1.000000000e+00, v46  }
0x15c: {  	vm0 =	vlt.f32 v63, v45;
	v48 =	vadd.f32 $-1.000000000e+00, v45;
	v39 =	vsel vm2, v41, v39  }
0x15d: {  	v41 =	vsel vm6, v56, v54;
	v60 =	vsel vm5, v51, v55;
	v63 =	vsel vm8, v50, v62  }
0x15e: {  	v51 =	vsel vm10, v58, v44;
	vm9 =	vlt.f32 v59, v43;
	v59 =	vadd.f32 $-1.000000000e+00, v43  }
0x15f: {  	v38 =	vsel vm3, v42, v38;
	v52 =	vsel vm4, v53, v52;
	v42 =	vsub.f32 v2, v39  }
0x160: {  	v61 =	vsel vm7, v47, v61;
	v39 =	vsub.f32 v1, v60;
	v47 =	vsub.f32 v0, v38  }
0x161: {  	v38 =	vsub.f32 v3, v52;
	v52 =	vsel vm11, v57, v40;
	v40 =	vsub.f32 v4, v61  }
0x162: {  	s23 =	simm.s32 $0x800;
	v50 =	vsel vm9, v59, v43;
	v43 =	vsub.f32 v5, v41;
	v41 =	vsub.f32 v6, v63  }
.LBB2_9:
0x163: {  	p3 =	sne.s32 s23, $0xC000;
	v44 =	vsel vm1, v49, v46;
	v34 =	vsub.f32 v34, v50;
	v36 =	vsub.f32 v36, v51  }
0x164: {  	v45 =	vsel vm0, v48, v45;
	v33 =	vsub.f32 v33, v52;
	v37 =	vsub.f32 v37, v44  }
0x165: {  	v35 =	vsub.f32 v35, v45;
	v44 =	vshrl.u32 v47, $0x10;
	v45 =	vshrl.u32 v42, $0x10  }
0x166: {  	v46 =	vshrl.u32 v43, $0x10;
	v48 =	vshrl.u32 v38, $0x10;
	v49 =	vshrl.u32 v39, $0x10  }
0x167: {  	v51 =	vshrl.u32 v40, $0x10;
	v52 =	vshrl.u32 v41, $0x10;
	v50 =	vshrl.u32 v34, $0x10  }
0x168: {  	v54 =	vshrl.u32 v36, $0x10;
	v55 =	vshrl.u32 v33, $0x10;
	v53 =	vshrl.u32 v37, $0x10  }
0x169: {  	v44 =	vand.u32 $0x1, v44;
	v45 =	vand.u32 $0x1, v45;
	v56 =	vshrl.u32 v35, $0x10  }
0x16a: {  	v46 =	vand.u32 $0x1, v46;
	v48 =	vand.u32 $0x1, v48;
	v49 =	vand.u32 $0x1, v49  }
0x16b: {  	v51 =	vand.u32 $0x1, v51;
	v52 =	vand.u32 $0x1, v52;
	v50 =	vand.u32 $0x1, v50  }
0x16c: {  	v54 =	vand.u32 $0x1, v54;
	v55 =	vand.u32 $0x1, v55;
	v53 =	vand.u32 $0x1, v53  }
0x16d: {  	v44 =	vadd.s32 v44, v47;
	v42 =	vadd.s32 v45, v42;
	v56 =	vand.u32 $0x1, v56  }
0x16e: {  	v43 =	vadd.s32 v46, v43;
	v38 =	vadd.s32 v48, v38;
	v39 =	vadd.s32 v49, v39  }
0x16f: {  	v40 =	vadd.s32 v51, v40;
	v41 =	vadd.s32 v52, v41;
	v36 =	vadd.s32 v54, v36  }
0x170: {  	v33 =	vadd.s32 v55, v33;
	v37 =	vadd.s32 v53, v37;
	v35 =	vadd.s32 v56, v35  }
0x171: {  	v38 =	vadd.s32 $0x7FFF, v38;
	v44 =	vadd.s32 $0x7FFF, v44;
	v42 =	vadd.s32 $0x7FFF, v42  }
0x172: {  	v43 =	vadd.s32 $0x7FFF, v43;
	v39 =	vadd.s32 $0x7FFF, v39;
	v40 =	vadd.s32 $0x7FFF, v40  }
0x173: {  	v41 =	vadd.s32 $0x7FFF, v41;
	v36 =	vadd.s32 $0x7FFF, v36;
	v33 =	vadd.s32 $0x7FFF, v33  }
0x174: {  	v38 =	vand.u32 $0xFFFF0000, v38;
	v44 =	vand.u32 $0xFFFF0000, v44;
	v42 =	vand.u32 $0xFFFF0000, v42  }
0x175: {  	v39 =	vand.u32 $0xFFFF0000, v39;
	v45 =	vmul.f32 v44, v25;
	v46 =	vmul.f32 v42, v25  }
0x176: {  	v43 =	vand.u32 $0xFFFF0000, v43;
	v47 =	vmul.f32 v42, v19;
	v42 =	vmul.f32 v42, v22  }
0x177: {  	v40 =	vand.u32 $0xFFFF0000, v40;
	v48 =	vmul.f32 v38, v23;
	v49 =	vmul.f32 v39, v24  }
0x178: {  	v51 =	vmul.f32 v43, v25;
	v41 =	vand.u32 $0xFFFF0000, v41;
	v52 =	vmul.f32 v44, v19  }
0x179: {  	v37 =	vadd.s32 $0x7FFF, v37;
	v53 =	vmul.f32 v40, v23;
	v54 =	vmul.f32 v41, v24  }
0x17a: {  	v55 =	vmul.f32 v38, v17;
	v56 =	vmul.f32 v39, v18;
	v36 =	vand.u32 $0xFFFF0000, v36  }
0x17b: {  	v38 =	vmul.f32 v38, v20;
	v39 =	vmul.f32 v39, v21;
	v33 =	vand.u32 $0xFFFF0000, v33  }
0x17c: {  	v35 =	vadd.s32 $0x7FFF, v35;
	v57 =	vmul.f32 v36, v23;
	v58 =	vmul.f32 v33, v24  }
0x17d: {  	v59 =	vmul.f32 v40, v17;
	v60 =	vmul.f32 v41, v18;
	v37 =	vand.u32 $0xFFFF0000, v37  }
0x17e: {  	v40 =	vmul.f32 v40, v20;
	v41 =	vmul.f32 v41, v21;
	v35 =	vand.u32 $0xFFFF0000, v35  }
0x17f: {  	v34 =	vadd.s32 v50, v34;
	v50 =	vmul.f32 v37, v23;
	v61 =	vmul.f32 v35, v24  }
0x180: {  	v34 =	vadd.s32 $0x7FFF, v34;
	v62 =	vmul.f32 v36, v17;
	v63 =	vmul.f32 v33, v18  }
0x181: {  	v34 =	vand.u32 $0xFFFF0000, v34;
	v36 =	vmul.f32 v36, v20;
	v33 =	vmul.f32 v33, v21  }
0x182: {  	v48 =	vadd.f32 v49, v48;
	v0 =	vmul.f32 v37, v17;
	v53 =	vadd.f32 v54, v53  }
0x183: {  	v38 =	vadd.f32 v39, v38;
	v49 =	vmul.f32 v35, v18;
	v54 =	vadd.f32 v56, v55  }
0x184: {  	v37 =	vmul.f32 v37, v20;
	v55 =	vadd.f32 v60, v59;
	v39 =	vadd.f32 v58, v57  }
0x185: {  	v35 =	vmul.f32 v35, v21;
	v40 =	vadd.f32 v41, v40;
	v50 =	vadd.f32 v61, v50  }
0x186: {  	v41 =	vadd.f32 v63, v62;
	v33 =	vadd.f32 v33, v36;
	v36 =	vmul.f32 v44, v22  }
0x187: {  	v0 =	vadd.f32 v49, v0;
	v35 =	vadd.f32 v35, v37;
	v37 =	vmul.f32 v34, v25  }
0x188: {  	v46 =	vadd.f32 v48, v46;
	v49 =	vmul.f32 v34, v19;
	v47 =	vadd.f32 v54, v47;
	v44 =	vld.idx.msk [tilespmem:v29+s22+$0x80 ss:$0x1], $0xffff  }
0x189: {  	v38 =	vadd.f32 v38, v42;
	v34 =	vmul.f32 v34, v22;
	v39 =	vadd.f32 v39, v51;
	v48 =	vld.idx.msk [tilespmem:v29+s22+$0xC0 ss:$0x1], $0xffff;
	s22 =	sshra.s32 s23, $0x2  }
0x18a: {  	v51 =	vadd.f32 v55, v52;
	v37 =	vadd.f32 v50, v37;
	v50 =	vmul.f32 v43, v19;
	v42 =	vld.idx.msk [tilespmem:v29+s22+$0x30 ss:$0x1], $0xffff  }
0x18b: {  	v0 =	vadd.f32 v0, v49;
	v34 =	vadd.f32 v35, v34;
	v35 =	vmul.f32 v43, v22;
	v52 =	vld.idx.msk [tilespmem:v29+s22+$0x70 ss:$0x1], $0xffff  }
0x18c: {  	v46 =	vmul.f32 v46, v46;
	v47 =	vmul.f32 v47, v47;
	v41 =	vadd.f32 v41, v50;
	v43 =	vld.idx.msk [tilespmem:v29+s22+$0x20 ss:$0x1], $0xffff  }
0x18d: {  	v0 =	vmul.f32 v0, v0;
	v34 =	vmul.f32 v34, v34;
	v33 =	vadd.f32 v33, v35;
	v49 =	vld.idx.msk [tilespmem:v29+s22+$0x60 ss:$0x1], $0xffff  }
0x18e: {  	v36 =	vadd.f32 v40, v36;
	v35 =	vmul.f32 v37, v37;
	v37 =	vmul.f32 v38, v38;
	v50 =	vld.idx.msk [tilespmem:v29+s22+$0xFFFFFF30 ss:$0x1], $0xffff  }
0x18f: {  	v0 =	vadd.f32 v34, v0;
	v34 =	vmul.f32 v41, v41;
	v33 =	vmul.f32 v33, v33;
	v40 =	vld.idx.msk [tilespmem:v29+s22+$0xFFFFFF70 ss:$0x1], $0xffff  }
0x190: {  	v38 =	vadd.f32 v53, v45;
	v45 =	vmul.f32 v51, v51;
	v51 =	vmul.f32 v36, v36;
	v41 =	vld.idx.msk [tilespmem:v29+s22+$0xFFFFFFB0 ss:$0x1], $0xffff  }
0x191: {  	v36 =	vadd.f32 v0, v35;
	v0 =	vadd.f32 v33, v34;
	v33 =	vmul.f32 v39, v39;
	v53 =	vld.idx.msk [tilespmem:v29+s22+$0xFFFFFFF0 ss:$0x1], $0xffff  }
0x192: {  	v34 =	vadd.f32 v51, v45;
	v35 =	vmul.f32 v38, v38;
	v38 =	vadd.f32 v37, v47;
	v39 =	vld.idx.msk [tilespmem:v29+s22+$0x10 ss:$0x1], $0xffff  }
0x193: {  	v47 =	vshrl.u32 v36, $0x1;
	v51 =	vmul.f32 $5.000000000e-01, v36;
	v37 =	vadd.f32 v0, v33;
	v45 =	vld.idx.msk [tilespmem:v29+s22+$0x50 ss:$0x1], $0xffff  }
0x194: {  	v35 =	vadd.f32 v34, v35;
	v34 =	vadd.f32 v38, v46;
	v33 =	vsub.s32 $0x5F3759DF, v47;
	v0 =	vld.idx.msk [tilespmem:v29+s22+$0xFFFFFF20 ss:$0x1], $0xffff  }
0x195: {  	v38 =	vmul.f32 v33, v51;
	v47 =	vshrl.u32 v37, $0x1;
	v54 =	vmul.f32 $5.000000000e-01, v37;
	v46 =	vld.idx.msk [tilespmem:v29+s22+$0xFFFFFF60 ss:$0x1], $0xffff  }
0x196: {  	v56 =	vshrl.u32 v35, $0x1;
	v57 =	vmul.f32 $5.000000000e-01, v35;
	v47 =	vsub.s32 $0x5F3759DF, v47;
	v55 =	vld.idx.msk [tilespmem:v29+s22+$0xFFFFFFA0 ss:$0x1], $0xffff  }
0x197: {  	v56 =	vsub.s32 $0x5F3759DF, v56;
	v38 =	vmul.f32 v33, v38;
	v59 =	vmul.f32 v47, v54;
	v58 =	vld.idx.msk [tilespmem:v29+s22+$0xFFFFFFE0 ss:$0x1], $0xffff  }
0x198: {  	v62 =	vshrl.u32 v34, $0x1;
	v63 =	vmul.f32 $5.000000000e-01, v34;
	v61 =	vmul.f32 v56, v57;
	v60 =	vld.idx.msk [tilespmem:v29+s22+$0x0 ss:$0x1], $0xffff  }
0x199: {  	v62 =	vsub.s32 $0x5F3759DF, v62;
	v38 =	vsub.f32 $1.500000000e+00, v38;
	v59 =	vmul.f32 v47, v59;
	v1 =	vld.idx.msk [tilespmem:v29+s22+$0x40 ss:$0x1], $0xffff  }
0x19a: {  	v3 =	vmul.f32 v62, v63;
	v61 =	vmul.f32 v56, v61;
	v2 =	vld.idx.msk [tilespmem:v29+s22+$0xFFFFFF10 ss:$0x1], $0xffff  }
0x19b: {  	v5 =	vmul.f32 v33, v38;
	v33 =	vsub.f32 $1.500000000e+00, v59;
	v44 =	vmul.f32 v48, v44;
	v4 =	vld.idx.msk [tilespmem:v29+s22+$0xFFFFFF50 ss:$0x1], $0xffff  }
0x19c: {  	v3 =	vmul.f32 v62, v3;
	v38 =	vsub.f32 v42, v52;
	v42 =	vsub.f32 $1.500000000e+00, v61;
	v48 =	vld.idx.msk [tilespmem:v29+s22+$0xFFFFFF90 ss:$0x1], $0xffff  }
0x19d: {  	v47 =	vmul.f32 v47, v33;
	v43 =	vsub.f32 v43, v49;
	v49 =	vmul.f32 v5, v51;
	v52 =	vld.idx.msk [tilespmem:v29+s22+$0xFFFFFFD0 ss:$0x1], $0xffff  }
0x19e: {  	v3 =	vsub.f32 $1.500000000e+00, v3;
	v42 =	vmul.f32 v56, v42;
	v40 =	vsub.f32 v50, v40;
	v59 =	vld.idx.msk [tilespmem:v29+s22+$0xFFFFFF00 ss:$0x1], $0xffff  }
0x19f: {  	v33 =	vmul.f32 v49, v5;
	v49 =	vmul.f32 v47, v54;
	v41 =	vsub.f32 v41, v53;
	v50 =	vld.idx.msk [tilespmem:v29+s22+$0xFFFFFF40 ss:$0x1], $0xffff  }
0x1a0: {  	v3 =	vmul.f32 v62, v3;
	v39 =	vsub.f32 v39, v45;
	v45 =	vmul.f32 v42, v57;
	v53 =	vld.idx.msk [tilespmem:v29+s22+$0xFFFFFF80 ss:$0x1], $0xffff  }
0x1a1: {  	v49 =	vmul.f32 v49, v47;
	v0 =	vsub.f32 v0, v46;
	v46 =	vsub.f32 $1.500000000e+00, v33;
	v56 =	vld.idx.msk [tilespmem:v29+s22+$0xFFFFFFC0 ss:$0x1], $0xffff  }
0x1a2: {  	v45 =	vmul.f32 v45, v42;
	v55 =	vsub.f32 v55, v58;
	v58 =	vmul.f32 v3, v63  }
0x1a3: {  	v33 =	vsub.f32 v60, v1;
	v1 =	vmul.f32 v46, v5;
	v5 =	vsub.f32 $1.500000000e+00, v49  }
0x1a4: {  	v2 =	vsub.f32 v2, v4;
	v4 =	vsub.f32 $1.500000000e+00, v45;
	v45 =	vmul.f32 v58, v3  }
0x1a5: {  	v5 =	vmul.f32 v5, v47;
	v46 =	vsub.f32 v48, v52;
	v48 =	vmul.f32 v1, v51  }
0x1a6: {  	v4 =	vmul.f32 v4, v42;
	v42 =	vsub.f32 $1.500000000e+00, v45;
	v47 =	vsub.f32 v59, v50  }
0x1a7: {  	v49 =	vmul.f32 v5, v54;
	v48 =	vmul.f32 v48, v1;
	v45 =	vsub.f32 v53, v56  }
0x1a8: {  	v51 =	vshrl.u32 v38, $0x10;
	v50 =	vshrl.u32 v43, $0x10;
	v3 =	vmul.f32 v42, v3  }
0x1a9: {  	v42 =	vsub.f32 $1.500000000e+00, v48;
	v48 =	vmul.f32 v49, v5;
	v49 =	vmul.f32 v4, v57  }
0x1aa: {  	v52 =	vshrl.u32 v40, $0x10;
	v53 =	vshrl.u32 v41, $0x10;
	v54 =	vmul.f32 v3, v63  }
0x1ab: {  	v1 =	vmul.f32 v42, v1;
	v42 =	vsub.f32 $1.500000000e+00, v48;
	v48 =	vmul.f32 v49, v4  }
0x1ac: {  	v56 =	vshrl.u32 v0, $0x10;
	v49 =	vshrl.u32 v39, $0x10;
	v54 =	vmul.f32 v54, v3  }
0x1ad: {  	v1 =	vsub.f32 v1, v26;
	v5 =	vmul.f32 v42, v5;
	v42 =	vsub.f32 $1.500000000e+00, v48  }
0x1ae: {  	v57 =	vshrl.u32 v55, $0x10;
	v48 =	vshrl.u32 v33, $0x10;
	v54 =	vsub.f32 $1.500000000e+00, v54  }
0x1af: {  	v1 =	vmul.f32 v1, v44;
	v5 =	vsub.f32 v5, v26;
	v4 =	vmul.f32 v42, v4  }
0x1b0: {  	vm0 =	vle.f32 v36, v27;
	v42 =	vshrl.u32 v2, $0x10;
	v3 =	vmul.f32 v54, v3  }
0x1b1: {  	v1 =	vnsel vm0, $0x0, v1;
	v5 =	vmul.f32 v5, v32;
	v4 =	vsub.f32 v4, v26  }
0x1b2: {  	v32 =	vshrl.u32 v46, $0x10;
	vm0 =	vle.f32 v37, v27;
	v1 =	vadd.f32 v1, v28  }
0x1b3: {  	v3 =	vsub.f32 v3, v26;
	v5 =	vnsel vm0, $0x0, v5;
	v4 =	vmul.f32 v4, v31  }
0x1b4: {  	v31 =	vshrl.u32 v47, $0x10;
	vm0 =	vle.f32 v35, v27;
	v1 =	vadd.f32 v5, v1  }
0x1b5: {  	v3 =	vmul.f32 v3, v30;
	v5 =	vshrl.u32 v45, $0x10;
	v4 =	vnsel vm0, $0x0, v4  }
0x1b6: {  	v30 =	vand.u32 $0x1, v51;
	vm0 =	vle.f32 v34, v27;
	v1 =	vadd.f32 v4, v1  }
0x1b7: {  	v34 =	vand.u32 $0x1, v52;
	v4 =	vand.u32 $0x1, v50;
	v3 =	vnsel vm0, $0x0, v3  }
0x1b8: {  	v36 =	vand.u32 $0x1, v53;
	v35 =	vand.u32 $0x1, v49;
	v28 =	vadd.f32 v3, v1  }
0x1b9: {  	v37 =	vand.u32 $0x1, v57;
	v1 =	vand.u32 $0x1, v48;
	v3 =	vand.u32 $0x1, v56  }
0x1ba: {  	v42 =	vand.u32 $0x1, v42;
	v32 =	vand.u32 $0x1, v32;
	v31 =	vand.u32 $0x1, v31  }
0x1bb: {  	v30 =	vadd.s32 v30, v38;
	v5 =	vand.u32 $0x1, v5;
	v4 =	vadd.s32 v4, v43  }
0x1bc: {  	v36 =	vadd.s32 v36, v41;
	v35 =	vadd.s32 v35, v39;
	v34 =	vadd.s32 v34, v40  }
0x1bd: {  	v2 =	vadd.s32 v42, v2;
	v0 =	vadd.s32 v3, v0;
	v3 =	vadd.s32 v37, v55  }
0x1be: {  	v32 =	vadd.s32 v32, v46;
	v31 =	vadd.s32 v31, v47;
	v5 =	vadd.s32 v5, v45  }
0x1bf: {  	v30 =	vadd.s32 $0x7FFF, v30;
	v34 =	vadd.s32 $0x7FFF, v34;
	v4 =	vadd.s32 $0x7FFF, v4  }
0x1c0: {  	v36 =	vadd.s32 $0x7FFF, v36;
	v35 =	vadd.s32 $0x7FFF, v35;
	v0 =	vadd.s32 $0x7FFF, v0  }
0x1c1: {  	v2 =	vadd.s32 $0x7FFF, v2;
	v32 =	vadd.s32 $0x7FFF, v32;
	v3 =	vadd.s32 $0x7FFF, v3  }
0x1c2: {  	v30 =	vand.u32 $0xFFFF0000, v30;
	v34 =	vand.u32 $0xFFFF0000, v34;
	v4 =	vand.u32 $0xFFFF0000, v4  }
0x1c3: {  	v36 =	vand.u32 $0xFFFF0000, v36;
	v39 =	vmul.f32 v30, v16;
	v37 =	vmul.f32 v4, v16  }
0x1c4: {  	v35 =	vand.u32 $0xFFFF0000, v35;
	v40 =	vmul.f32 v30, v10;
	v30 =	vmul.f32 v30, v13  }
0x1c5: {  	v41 =	vmul.f32 v36, v15;
	v38 =	vmul.f32 v34, v14;
	v0 =	vand.u32 $0xFFFF0000, v0  }
0x1c6: {  	v43 =	vmul.f32 v35, v16;
	v44 =	vmul.f32 v4, v10;
	v3 =	vand.u32 $0xFFFF0000, v3  }
0x1c7: {  	v31 =	vadd.s32 $0x7FFF, v31;
	v42 =	vmul.f32 v0, v14;
	v45 =	vmul.f32 v3, v15  }
0x1c8: {  	v2 =	vand.u32 $0xFFFF0000, v2;
	v47 =	vmul.f32 v36, v9;
	v46 =	vmul.f32 v34, v8  }
0x1c9: {  	v32 =	vand.u32 $0xFFFF0000, v32;
	v36 =	vmul.f32 v36, v12;
	v34 =	vmul.f32 v34, v11  }
0x1ca: {  	v49 =	vmul.f32 v32, v15;
	v5 =	vadd.s32 $0x7FFF, v5;
	v48 =	vmul.f32 v2, v14  }
0x1cb: {  	v31 =	vand.u32 $0xFFFF0000, v31;
	v50 =	vmul.f32 v0, v8;
	v51 =	vmul.f32 v3, v9  }
0x1cc: {  	v5 =	vand.u32 $0xFFFF0000, v5;
	v0 =	vmul.f32 v0, v11;
	v3 =	vmul.f32 v3, v12  }
0x1cd: {  	v1 =	vadd.s32 v1, v33;
	v33 =	vmul.f32 v31, v14;
	v52 =	vmul.f32 v5, v15  }
0x1ce: {  	v53 =	vmul.f32 v2, v8;
	v54 =	vmul.f32 v32, v9;
	v1 =	vadd.s32 $0x7FFF, v1  }
0x1cf: {  	v32 =	vmul.f32 v32, v12;
	v2 =	vmul.f32 v2, v11;
	v1 =	vand.u32 $0xFFFF0000, v1  }
0x1d0: {  	v55 =	vmul.f32 v31, v8;
	v41 =	vadd.f32 v41, v38;
	v42 =	vadd.f32 v45, v42  }
0x1d1: {  	v38 =	vmul.f32 v5, v9;
	v34 =	vadd.f32 v36, v34;
	v45 =	vadd.f32 v47, v46  }
0x1d2: {  	v31 =	vmul.f32 v31, v11;
	v36 =	vadd.f32 v49, v48;
	v46 =	vadd.f32 v51, v50  }
0x1d3: {  	v5 =	vmul.f32 v5, v12;
	v33 =	vadd.f32 v52, v33;
	v0 =	vadd.f32 v3, v0;
	v3 =	vld.idx.msk [tilespmem:v29+s22+$0xB0 ss:$0x1], $0xffff  }
0x1d4: {  	v2 =	vadd.f32 v32, v2;
	v4 =	vmul.f32 v4, v13;
	v47 =	vadd.f32 v54, v53;
	v32 =	vld.idx.msk [tilespmem:v29+s22+$0xF0 ss:$0x1], $0xffff  }
0x1d5: {  	v48 =	vadd.f32 v38, v55;
	v5 =	vadd.f32 v5, v31;
	v31 =	vmul.f32 v1, v16;
	v49 =	vld.idx.msk [tilespmem:v29+s22+$0xA0 ss:$0x1], $0xffff  }
0x1d6: {  	v50 =	vmul.f32 v35, v10;
	v38 =	vadd.f32 v37, v42;
	v42 =	vadd.f32 v39, v41;
	v51 =	vld.idx.msk [tilespmem:v29+s22+$0xE0 ss:$0x1], $0xffff  }
0x1d7: {  	v35 =	vmul.f32 v35, v13;
	v41 =	vadd.f32 v40, v45;
	v39 =	vadd.f32 v30, v34;
	v52 =	vld.idx.msk [tilespmem:v29+s22+$0x90 ss:$0x1], $0xffff  }
0x1d8: {  	v43 =	vadd.f32 v43, v36;
	v30 =	vmul.f32 v1, v10;
	v40 =	vadd.f32 v44, v46;
	v45 =	vld.idx.msk [tilespmem:v29+s22+$0xD0 ss:$0x1], $0xffff  }
0x1d9: {  	v1 =	vmul.f32 v1, v13;
	v34 =	vadd.f32 v31, v33;
	v44 =	vadd.f32 v4, v0  }
0x1da: {  	v36 =	vadd.f32 v50, v47;
	v33 =	vadd.f32 v35, v2  }
0x1db: {  	v37 =	vadd.f32 v30, v48;
	v35 =	vadd.f32 v1, v5  }
0x1dc: {  	v0 =	vadd.f32 $5.000000000e-01, v38;
	v1 =	vadd.f32 $5.000000000e-01, v42;
	v30 =	vmul.f32 v32, v3  }
0x1dd: {  	v2 =	vadd.f32 $5.000000000e-01, v41;
	v3 =	vadd.f32 $5.000000000e-01, v39;
	v31 =	vmul.f32 v51, v49  }
0x1de: {  	v4 =	vadd.f32 $5.000000000e-01, v43;
	v5 =	vadd.f32 $5.000000000e-01, v40;
	v32 =	vmul.f32 v45, v52  }
0x1df: {  	v47 =	vadd.f32 $5.000000000e-01, v34;
	v48 =	vadd.f32 $5.000000000e-01, v44;
	v45 =	vtrunc.f32 v1  }
0x1e0: {  	v46 =	vtrunc.f32 v0;
	v50 =	vtrunc.f32 v2;
	v49 =	vadd.f32 $5.000000000e-01, v36  }
0x1e1: {  	v51 =	vadd.f32 $5.000000000e-01, v33;
	v53 =	vtrunc.f32 v3;
	v52 =	vtrunc.f32 v4  }
0x1e2: {  	v54 =	vadd.f32 $5.000000000e-01, v37;
	v55 =	vtrunc.f32 v5;
	v56 =	vtrunc.f32 v48  }
0x1e3: {  	v57 =	vadd.f32 $5.000000000e-01, v35;
	v58 =	vtrunc.f32 v47;
	v59 =	vtrunc.f32 v49  }
0x1e4: {  	v60 =	vtrunc.f32 v54;
	v61 =	vtrunc.f32 v51  }
0x1e5: {  	v62 =	vtrunc.f32 v57;
	v45 =	vcvt.f32.s32 v45  }
0x1e6: {  	v46 =	vcvt.f32.s32 v46;
	v50 =	vcvt.f32.s32 v50  }
0x1e7: {  	v53 =	vcvt.f32.s32 v53;
	v52 =	vcvt.f32.s32 v52  }
0x1e8: {  	v55 =	vcvt.f32.s32 v55;
	v56 =	vcvt.f32.s32 v56  }
0x1e9: {  	v58 =	vcvt.f32.s32 v58;
	v59 =	vcvt.f32.s32 v59  }
0x1ea: {  	v60 =	vcvt.f32.s32 v60;
	v61 =	vcvt.f32.s32 v61  }
0x1eb: {  	v62 =	vcvt.f32.s32 v62;
	v63 =	vcvt.s32.f32 v45  }
0x1ec: {  	v6 =	vcvt.s32.f32 v46;
	v50 =	vcvt.s32.f32 v50  }
0x1ed: {  	v53 =	vcvt.s32.f32 v53;
	v52 =	vcvt.s32.f32 v52  }
0x1ee: {  	v55 =	vcvt.s32.f32 v55;
	v56 =	vcvt.s32.f32 v56  }
0x1ef: {  	v58 =	vcvt.s32.f32 v58;
	v59 =	vcvt.s32.f32 v59  }
0x1f0: {  	v46 =	vcvt.s32.f32 v60;
	v60 =	vcvt.s32.f32 v61  }
0x1f1: {  	v45 =	vcvt.s32.f32 v62;
	vm2 =	vlt.f32 v1, v63;
	v1 =	vadd.f32 $-1.000000000e+00, v63  }
0x1f2: {  	vm3 =	vlt.f32 v0, v6;
	v0 =	vadd.f32 $-1.000000000e+00, v6;
	vm4 =	vlt.f32 v2, v50  }
0x1f3: {  	v2 =	vadd.f32 $-1.000000000e+00, v50;
	vm5 =	vlt.f32 v3, v53;
	v3 =	vadd.f32 $-1.000000000e+00, v53  }
0x1f4: {  	vm7 =	vlt.f32 v5, v55;
	vm6 =	vlt.f32 v4, v52;
	v4 =	vadd.f32 $-1.000000000e+00, v52  }
0x1f5: {  	v5 =	vadd.f32 $-1.000000000e+00, v55;
	vm8 =	vlt.f32 v48, v56;
	v61 =	vadd.f32 $-1.000000000e+00, v56  }
0x1f6: {  	vm9 =	vlt.f32 v47, v58;
	v47 =	vadd.f32 $-1.000000000e+00, v58;
	vm10 =	vlt.f32 v49, v59  }
0x1f7: {  	v62 =	vadd.f32 $-1.000000000e+00, v59;
	vm11 =	vlt.f32 v51, v60;
	v7 =	vadd.f32 $-1.000000000e+00, v60  }
0x1f8: {  	vm1 =	vlt.f32 v54, v46;
	v49 =	vadd.f32 $-1.000000000e+00, v46;
	vm0 =	vlt.f32 v57, v45  }
0x1f9: {  	v0 =	vsel vm3, v0, v6;
	v48 =	vadd.f32 $-1.000000000e+00, v45;
	v1 =	vsel vm2, v1, v63  }
.Ltmp3:
0x1fa: {  	v2 =	vsel vm4, v2, v50;
	v3 =	vsel vm5, v3, v53;
	v4 =	vsel vm6, v4, v52;
	(pc) =	sbr.rel @p3 .LBB2_9-.Ltmp3, $4  }
0x1fb: {  	v5 =	vsel vm7, v5, v55;
	v6 =	vsel vm8, v61, v56;
	v42 =	vsub.f32 v42, v1  }
0x1fc: {  	v50 =	vsel vm9, v47, v58;
	v47 =	vsub.f32 v38, v0;
	v38 =	vsub.f32 v41, v2  }
0x1fd: {  	v39 =	vsub.f32 v39, v3;
	v51 =	vsel vm10, v62, v59;
	v43 =	vsub.f32 v43, v4  }
0x1fe: {  	s23 =	sadd.s32 $0x800, s23;
	v40 =	vsub.f32 v40, v5;
	v41 =	vsub.f32 v44, v6;
	v52 =	vsel vm11, v7, v60  }
0x1ff: {  	v0 =	vsel vm1, v49, v46;
	v1 =	vsub.f32 v34, v50;
	v2 =	vsub.f32 v36, v51  }
0x200: {  	v3 =	vsel vm0, v48, v45;
	v4 =	vsub.f32 v33, v52;
	v5 =	vshrl.u32 v47, $0x10  }
0x201: {  	v6 =	vshrl.u32 v42, $0x10;
	v7 =	vshrl.u32 v43, $0x10;
	v55 =	vshrl.u32 v38, $0x10  }
0x202: {  	v56 =	vshrl.u32 v39, $0x10;
	v0 =	vsub.f32 v37, v0;
	v3 =	vsub.f32 v35, v3  }
0x203: {  	v58 =	vshrl.u32 v40, $0x10;
	v59 =	vshrl.u32 v41, $0x10;
	v5 =	vand.u32 $0x1, v5  }
0x204: {  	v6 =	vand.u32 $0x1, v6;
	v7 =	vand.u32 $0x1, v7;
	v33 =	vand.u32 $0x1, v55  }
0x205: {  	v34 =	vand.u32 $0x1, v56;
	v57 =	vshrl.u32 v1, $0x10;
	v60 =	vshrl.u32 v2, $0x10  }
0x206: {  	v61 =	vshrl.u32 v4, $0x10;
	v36 =	vand.u32 $0x1, v58;
	v37 =	vand.u32 $0x1, v59  }
0x207: {  	v5 =	vadd.s32 v5, v47;
	v6 =	vadd.s32 v6, v42;
	v7 =	vadd.s32 v7, v43  }
0x208: {  	v33 =	vadd.s32 v33, v38;
	v34 =	vadd.s32 v34, v39;
	v44 =	vshrl.u32 v0, $0x10  }
0x209: {  	v62 =	vshrl.u32 v3, $0x10;
	v35 =	vand.u32 $0x1, v57;
	v45 =	vand.u32 $0x1, v60  }
0x20a: {  	v46 =	vand.u32 $0x1, v61;
	v36 =	vadd.s32 v36, v40;
	v37 =	vadd.s32 v37, v41  }
0x20b: {  	v5 =	vadd.s32 $0x7FFF, v5;
	v33 =	vadd.s32 $0x7FFF, v33;
	v6 =	vadd.s32 $0x7FFF, v6  }
0x20c: {  	v7 =	vadd.s32 $0x7FFF, v7;
	v34 =	vadd.s32 $0x7FFF, v34;
	v44 =	vand.u32 $0x1, v44  }
0x20d: {  	v48 =	vand.u32 $0x1, v62;
	v2 =	vadd.s32 v45, v2;
	v4 =	vadd.s32 v46, v4  }
0x20e: {  	v36 =	vadd.s32 $0x7FFF, v36;
	v37 =	vadd.s32 $0x7FFF, v37;
	v5 =	vand.u32 $0xFFFF0000, v5  }
0x20f: {  	v33 =	vand.u32 $0xFFFF0000, v33;
	v6 =	vand.u32 $0xFFFF0000, v6;
	v34 =	vand.u32 $0xFFFF0000, v34  }
0x210: {  	v7 =	vand.u32 $0xFFFF0000, v7;
	v1 =	vadd.s32 v35, v1;
	v0 =	vadd.s32 v44, v0  }
0x211: {  	v3 =	vadd.s32 v48, v3;
	v38 =	vmul.f32 v5, v25;
	v39 =	vmul.f32 v6, v25  }
0x212: {  	v2 =	vadd.s32 $0x7FFF, v2;
	v40 =	vmul.f32 v6, v19;
	v6 =	vmul.f32 v6, v22  }
0x213: {  	v4 =	vadd.s32 $0x7FFF, v4;
	v41 =	vmul.f32 v33, v23;
	v42 =	vmul.f32 v34, v24  }
0x214: {  	v36 =	vand.u32 $0xFFFF0000, v36;
	v43 =	vmul.f32 v7, v25;
	v44 =	vmul.f32 v5, v19  }
0x215: {  	v37 =	vand.u32 $0xFFFF0000, v37;
	v47 =	vmul.f32 v33, v17;
	v48 =	vmul.f32 v34, v18  }
0x216: {  	v33 =	vmul.f32 v33, v20;
	v34 =	vmul.f32 v34, v21;
	v1 =	vadd.s32 $0x7FFF, v1  }
0x217: {  	v57 =	vmul.f32 v7, v19;
	v0 =	vadd.s32 $0x7FFF, v0;
	v45 =	vmul.f32 v36, v23  }
0x218: {  	v63 =	vmul.f32 v37, v24;
	v2 =	vand.u32 $0xFFFF0000, v2;
	v4 =	vand.u32 $0xFFFF0000, v4  }
0x219: {  	v3 =	vadd.s32 $0x7FFF, v3;
	v60 =	vmul.f32 v36, v17;
	v61 =	vmul.f32 v37, v18  }
0x21a: {  	v36 =	vmul.f32 v36, v20;
	v37 =	vmul.f32 v37, v21;
	v1 =	vand.u32 $0xFFFF0000, v1  }
0x21b: {  	v49 =	vmul.f32 v2, v23;
	v50 =	vmul.f32 v4, v24;
	v0 =	vand.u32 $0xFFFF0000, v0  }
0x21c: {  	v3 =	vand.u32 $0xFFFF0000, v3;
	v54 =	vmul.f32 v2, v17;
	v55 =	vmul.f32 v4, v18  }
0x21d: {  	v2 =	vmul.f32 v2, v20;
	v4 =	vmul.f32 v4, v21;
	v41 =	vadd.f32 v42, v41  }
0x21e: {  	v48 =	vadd.f32 v48, v47;
	v33 =	vadd.f32 v34, v33;
	v62 =	vmul.f32 v0, v23  }
0x21f: {  	v53 =	vmul.f32 v3, v24;
	v56 =	vmul.f32 v0, v17;
	v45 =	vadd.f32 v63, v45  }
0x220: {  	v63 =	vmul.f32 v3, v18;
	v52 =	vadd.f32 v61, v60;
	v36 =	vadd.f32 v37, v36  }
0x221: {  	v0 =	vmul.f32 v0, v20;
	v50 =	vadd.f32 v50, v49;
	v55 =	vadd.f32 v55, v54  }
0x222: {  	v3 =	vmul.f32 v3, v21;
	v2 =	vadd.f32 v4, v2;
	v40 =	vadd.f32 v48, v40  }
0x223: {  	v4 =	vmul.f32 v5, v22;
	v39 =	vadd.f32 v41, v39;
	v6 =	vadd.f32 v33, v6  }
0x224: {  	v35 =	vadd.f32 v53, v62;
	v0 =	vadd.f32 v3, v0;
	v3 =	vmul.f32 v1, v25  }
0x225: {  	v5 =	vadd.f32 v63, v56;
	v56 =	vmul.f32 v1, v19;
	v1 =	vmul.f32 v1, v22  }
0x226: {  	v58 =	vadd.f32 v52, v44;
	v34 =	vadd.f32 v50, v43;
	v59 =	vmul.f32 v40, v40  }
0x227: {  	v5 =	vadd.f32 v5, v56;
	v0 =	vadd.f32 v0, v1;
	v1 =	vmul.f32 v7, v22  }
0x228: {  	v60 =	vmul.f32 v39, v39;
	v3 =	vadd.f32 v35, v3;
	v7 =	vadd.f32 v55, v57  }
0x229: {  	v5 =	vmul.f32 v5, v5;
	v0 =	vmul.f32 v0, v0;
	v1 =	vadd.f32 v2, v1  }
0x22a: {  	v2 =	vmul.f32 v3, v3;
	v3 =	vadd.f32 v36, v4;
	v4 =	vmul.f32 v6, v6  }
0x22b: {  	v0 =	vadd.f32 v0, v5;
	v5 =	vmul.f32 v7, v7;
	v1 =	vmul.f32 v1, v1  }
0x22c: {  	v6 =	vadd.f32 v45, v38;
	v7 =	vmul.f32 v58, v58;
	v3 =	vmul.f32 v3, v3  }
0x22d: {  	v0 =	vadd.f32 v0, v2;
	v1 =	vadd.f32 v1, v5;
	v2 =	vmul.f32 v34, v34  }
0x22e: {  	v4 =	vadd.f32 v4, v59;
	v3 =	vadd.f32 v3, v7;
	v5 =	vmul.f32 v6, v6  }
0x22f: {  	v6 =	vshrl.u32 v0, $0x1;
	v7 =	vmul.f32 $5.000000000e-01, v0;
	v1 =	vadd.f32 v1, v2  }
0x230: {  	v4 =	vadd.f32 v4, v60;
	v3 =	vadd.f32 v3, v5;
	v2 =	vsub.s32 $0x5F3759DF, v6  }
0x231: {  	v5 =	vmul.f32 v2, v7;
	v6 =	vshrl.u32 v1, $0x1;
	v61 =	vmul.f32 $5.000000000e-01, v1  }
0x232: {  	v62 =	vshrl.u32 v3, $0x1;
	v63 =	vmul.f32 $5.000000000e-01, v3;
	v6 =	vsub.s32 $0x5F3759DF, v6  }
0x233: {  	v34 =	vsub.s32 $0x5F3759DF, v62;
	v5 =	vmul.f32 v2, v5;
	v42 =	vmul.f32 v6, v61  }
0x234: {  	v44 =	vshrl.u32 v4, $0x1;
	v45 =	vmul.f32 $5.000000000e-01, v4;
	v43 =	vmul.f32 v34, v63  }
0x235: {  	v38 =	vsub.s32 $0x5F3759DF, v44;
	v5 =	vsub.f32 $1.500000000e+00, v5;
	v36 =	vmul.f32 v6, v42  }
0x236: {  	v46 =	vmul.f32 v38, v45;
	v37 =	vmul.f32 v34, v43  }
0x237: {  	v2 =	vmul.f32 v2, v5;
	v5 =	vsub.f32 $1.500000000e+00, v36  }
0x238: {  	v48 =	vmul.f32 v38, v46;
	v47 =	vsub.f32 $1.500000000e+00, v37  }
0x239: {  	v49 =	vmul.f32 v2, v7;
	v5 =	vmul.f32 v6, v5  }
0x23a: {  	v50 =	vsub.f32 $1.500000000e+00, v48;
	v6 =	vmul.f32 v34, v47  }
0x23b: {  	v51 =	vmul.f32 v49, v2;
	v52 =	vmul.f32 v5, v61  }
0x23c: {  	v34 =	vmul.f32 v38, v50;
	v53 =	vmul.f32 v6, v63  }
0x23d: {  	v36 =	vsub.f32 $1.500000000e+00, v51;
	v37 =	vmul.f32 v52, v5  }
0x23e: {  	v55 =	vmul.f32 v34, v45;
	v54 =	vmul.f32 v53, v6  }
0x23f: {  	v2 =	vmul.f32 v36, v2;
	v56 =	vsub.f32 $1.500000000e+00, v37  }
0x240: {  	v58 =	vmul.f32 v55, v34;
	v57 =	vsub.f32 $1.500000000e+00, v54  }
0x241: {  	v7 =	vmul.f32 v2, v7;
	v5 =	vmul.f32 v56, v5  }
0x242: {  	v59 =	vld.idx.msk [tilespmem:v29+s22+$0x80 ss:$0x1], $0xffff;
	v60 =	vsub.f32 $1.500000000e+00, v58;
	v6 =	vmul.f32 v57, v6  }
0x243: {  	v29 =	vld.idx.msk [tilespmem:v29+s22+$0xC0 ss:$0x1], $0xffff;
	v7 =	vmul.f32 v7, v2;
	v33 =	vmul.f32 v5, v61  }
0x244: {  	v34 =	vmul.f32 v60, v34  }
0x245: {  	v35 =	vmul.f32 v6, v63;
	v7 =	vsub.f32 $1.500000000e+00, v7;
	v33 =	vmul.f32 v33, v5  }
0x246: {  	v37 =	vmul.f32 v34, v45  }
0x247: {  	v61 =	vmul.f32 v35, v6;
	v2 =	vmul.f32 v7, v2;
	v7 =	vsub.f32 $1.500000000e+00, v33  }
0x248: {  	v29 =	vmul.f32 v29, v59;
	v62 =	vmul.f32 v37, v34  }
0x249: {  	v2 =	vsub.f32 v2, v26;
	v5 =	vmul.f32 v7, v5;
	v7 =	vsub.f32 $1.500000000e+00, v61  }
0x24a: {  	v63 =	vsub.f32 $1.500000000e+00, v62  }
0x24b: {  	v2 =	vmul.f32 v2, v29;
	v5 =	vsub.f32 v5, v26;
	v6 =	vmul.f32 v7, v6  }
0x24c: {  	vm12 =	vle.f32 v0, v27;
	vm15 =	vle.f32 v4, v27;
	v0 =	vmul.f32 v63, v34  }
0x24d: {  	v2 =	vnsel vm12, $0x0, v2;
	v5 =	vmul.f32 v5, v32;
	v6 =	vsub.f32 v6, v26  }
0x24e: {  	v4 =	vld [tilespmem:$0x1FFC0];
	vm13 =	vle.f32 v1, v27;
	vm14 =	vle.f32 v3, v27;
	v2 =	vadd.f32 v2, v28  }
0x24f: {  	s21 =	sadd.s32 $0x1, s21;
	v3 =	vld [tilespmem:$0x1FFB0];
	v0 =	vsub.f32 v0, v26;
	v1 =	vnsel vm13, $0x0, v5;
	v5 =	vmul.f32 v6, v31  }
0x250: {  	p3 =	sne.s32 s21, $0x7D;
	v7 =	vld [tilespmem:$0x1FFF0];
	v1 =	vadd.f32 v1, v2  }
.Ltmp4:
0x251: {  	v0 =	vmul.f32 v0, v30;
	v6 =	vld [tilespmem:$0x1FFE0];
	v2 =	vnsel vm14, $0x0, v5;
	(pc) =	sbr.rel @p3 .LBB2_4-.Ltmp4, $4  }
0x252: {  	v5 =	vld [tilespmem:$0x1FFD0];
	v1 =	vadd.f32 v2, v1  }
0x253: {  	v0 =	vnsel vm15, $0x0, v0;
	v2 =	vld [tilespmem:$0x1FFA0]  }
0x254: {  	v28 =	vadd.f32 v0, v1;
	v0 =	vld [tilespmem:$0x1FF80]  }
0x255: {  	p1 =	por !p1, !p1;
	p2 =	por !p2, !p2;
	v1 =	vld [tilespmem:$0x1FF90]  }
0x256: {  	s20 =	sadd.s32 $0x1, s20  }
0x257: {  	p1 =	sne.s32 s20, s10  }
.Ltmp5:
0x258: {  	[tilespmem:$0x14328] =	vst v28;
	(pc) =	sbr.rel @p1 .LBB2_1-.Ltmp5, $4  }
0x259: {  	[hbm4b:s9+s3] =	stream.linear.scatter [tilespmem:s19], [sflag:$0x5], $0x80, $0x38;
	[tilespmem:$0x143A8] =	vst v63  }
0x25a: {  	_ =	swait.ge [sflag:s13], $0x80  }
0x25b: {  	[sflag:s13] =	ssyncset.done $0x0  }
0x25c: {  	[sflag:s13] =	ssyncadd.s32 $0xFFFFFF80  }
0x25d: {  	_ =	sfence.sel $0x180000  }
0x25e: {  	[bflag:$0x0] =	sbarrier.arrive $0xFFFF  }
0x25f: {  	_ =	strace $0x90000047  }
0x260: {  	s0 =	sadd.s32 @!p0 $0x100000, s0;
	[bflag:$0x2] =	sbarrier.arrive $0xFFFF  }
0x261: {  	[sflag:s0] =	ssyncadd.tile.s32 @!p0 $0x1;
	_ =	shalt  }
.Lfunc_end2:
_tile_overlayer_lowered:
.L_overlay_start_2:
0x262: {  	(tag) =	ssettag $0x2  }
0x263: {  	s0 =	rddreg [dreg:$0x0];
	s2 =	stileid.u32  }
0x264: {  	s1 =	rddreg [dreg:$0x1];
	p0 =	sne.s32 s2, $0x0  }
0x265: {  	s3 =	rddreg [dreg:$0x2];
	[bflag:$0x3] =	sbarrier.arrive $0xFFFF;
	s2 =	simm.s32 @!p0 $0x1C05  }
0x266: {  	[timem:s3], [sflag:s2] =	dma.local @!p0 [hbm:s0], s1  }
0x267: {  	s0 =	simm.s32 @!p0 $0x5  }
0x268: {  	_ =	swait.ge @!p0 [sflag:s0], s1  }
0x269: {  	s1 =	ssub.s32 @!p0 $0x0, s1;
	[sflag:s0] =	ssyncset.done @!p0 $0x0  }
0x26a: {  	[sflag:s0] =	ssyncadd.s32 @!p0 s1  }
0x26b: {  	[bflag:$0x3] =	sbarrier.arrive $0xFFFF  }
0x26c: {  	_ =	shalt  }

</sc_bundles>
